<compile_context>
chip_gen: v7x
topology: tpu7x:2x2x1
jax: 0.10.2.dev20260603
libtpu: 0.0.44.dev20260713+nightly
codegen_flags: <defaults>
</compile_context>

<pallas_src>
import jax
import jax.numpy as jnp
from jax import lax
from jax.experimental import pallas as pl
from jax.experimental.pallas import tpu as pltpu
from jax.experimental.pallas import tpu_sc as plsc

N = 10000
D_IN = 128
D_H = 256
D_OUT = 128
E = 320000
EL = 20000

NC = 2
NS = 16
W = 128
NB = 2
SG = 16

EP = 327680
NWIN = EP // W
NP = 10240
PAD_ROW = N
RPS = NP // NS
NWIN_HALF = NWIN // NS
NWIN_FULL = NWIN // (NC * NS)
ELP = 40960
NWIN_DEC = ELP // W // (NC * NS)

ROW_BLK = 2000

_MESH = plsc.VectorSubcoreMesh(core_axis_name="c", subcore_axis_name="s")
_f32 = jnp.float32

_AGG_SCRATCH = (
    [pltpu.VMEM_SHARED((NP, 128), _f32)]
    + [pltpu.VMEM((W, 128), _f32)]
    + [pltpu.VMEM((SG, W), jnp.int32) for _ in range(2)]
    + [pltpu.SemaphoreType.DMA]
)

_DEG_SCRATCH = (
    [pltpu.VMEM_SHARED((NP, 128), _f32)]
    + [pltpu.VMEM((W, 128), _f32) for _ in range(2)]
    + [pltpu.VMEM((SG, W), jnp.int32)]
)


def _zero_acc(z_hbm, acc, buf, sid):
    @pl.loop(0, RPS // W)
    def _(k):
        r = sid * RPS + k * W
        pltpu.sync_copy(z_hbm.at[pl.ds(r, W)], buf)
        pltpu.sync_copy(buf, acc.at[pl.ds(r, W)])


def _dump_acc(acc, out_hbm, buf, sid):
    @pl.loop(0, RPS // W)
    def _(k):
        r = sid * RPS + k * W
        pltpu.sync_copy(acc.at[pl.ds(r, W)], buf)
        pltpu.sync_copy(buf, out_hbm.at[pl.ds(r, W)])


def _agg_run(tab_hbm, out_hbm, srcw_hbm, dstw_hbm, z_hbm, acc, rows, isrc,
             idst, sem, sid, gbase, nwin):
    _zero_acc(z_hbm, acc, rows, sid)
    plsc.subcore_barrier()

    @pl.loop(0, nwin // SG)
    def _(s):
        g0 = gbase + s * SG
        pltpu.sync_copy(srcw_hbm.at[pl.ds(g0, SG)], isrc)
        pltpu.sync_copy(dstw_hbm.at[pl.ds(g0, SG)], idst)

        @pl.loop(0, SG)
        def _(k):
            pltpu.async_copy(tab_hbm.at[isrc.at[k]], rows, sem).wait()
            pltpu.sync_copy(rows, acc.at[idst.at[k]], add=True)

    plsc.subcore_barrier()
    _dump_acc(acc, out_hbm, rows, sid)



def _deg_body(dstw_hbm, z_hbm, o_hbm, out_hbm, acc, r0, r1, idst):
    c = lax.axis_index("c")
    sid = lax.axis_index("s")
    wid = sid * NC + c
    ones = r0
    buf = r1

    pltpu.sync_copy(o_hbm, ones)
    _zero_acc(z_hbm, acc, buf, sid)
    plsc.subcore_barrier()

    gbase = wid * NWIN_FULL

    @pl.loop(0, NWIN_FULL // SG)
    def _(s):
        pltpu.sync_copy(dstw_hbm.at[pl.ds(gbase + s * SG, SG)], idst)

        @pl.loop(0, SG)
        def _(k):
            pltpu.sync_copy(ones, acc.at[idst.at[k]], add=True)

    plsc.subcore_barrier()

    @pl.loop(0, RPS // W)
    def _(k):
        r = sid * RPS + k * W
        pltpu.sync_copy(acc.at[pl.ds(r, W)], buf)
        pltpu.sync_copy(buf, out_hbm.at[c, pl.ds(r, W)])


_deg_call = pl.kernel(
    _deg_body,
    out_type=jax.ShapeDtypeStruct((NC, NP, 128), _f32),
    mesh=_MESH,
    scratch_types=_DEG_SCRATCH,
)



def _agg1_body(tab_a, tab_b, srcw_hbm, dstw_hbm, z_hbm, out_a, out_b, acc,
               rows, isrc, idst, sem):
    c = lax.axis_index("c")
    sid = lax.axis_index("s")
    gbase = sid * NWIN_HALF

    @pl.when(c == 0)
    def _():
        _agg_run(tab_a, out_a, srcw_hbm, dstw_hbm, z_hbm, acc, rows, isrc,
                 idst, sem, sid, gbase, NWIN_HALF)

    @pl.when(c == 1)
    def _():
        _agg_run(tab_b, out_b, srcw_hbm, dstw_hbm, z_hbm, acc, rows, isrc,
                 idst, sem, sid, gbase, NWIN_HALF)


_agg1_call = pl.kernel(
    _agg1_body,
    out_type=[
        jax.ShapeDtypeStruct((NP, 128), _f32),
        jax.ShapeDtypeStruct((NP, 128), _f32),
    ],
    mesh=_MESH,
    scratch_types=_AGG_SCRATCH,
)



def _agg2_body(tab_hbm, srcw_hbm, dstw_hbm, z_hbm, out_hbm, acc, rows, isrc,
               idst, sem):
    c = lax.axis_index("c")
    sid = lax.axis_index("s")
    wid = sid * NC + c

    _agg_run(tab_hbm, out_hbm.at[c], srcw_hbm, dstw_hbm, z_hbm, acc, rows,
             isrc, idst, sem, sid, wid * NWIN_FULL, NWIN_FULL)


_agg2_call = pl.kernel(
    _agg2_body,
    out_type=jax.ShapeDtypeStruct((NC, NP, 128), _f32),
    mesh=_MESH,
    scratch_types=_AGG_SCRATCH,
)



def _dec_body(tab_hbm, idx_hbm, out_hbm, rows, gidx, sem):
    c = lax.axis_index("c")
    sid = lax.axis_index("s")
    wid = sid * NC + c
    gbase = wid * NWIN_DEC

    @pl.loop(0, NWIN_DEC)
    def _(j):
        win = gbase + j
        pltpu.sync_copy(idx_hbm.at[win], gidx.at[0])
        pltpu.async_copy(tab_hbm.at[gidx.at[0]], rows, sem).wait()
        pltpu.sync_copy(rows, out_hbm.at[pl.ds(win * W, W)])


_dec_call = pl.kernel(
    _dec_body,
    out_type=jax.ShapeDtypeStruct((ELP, 128), _f32),
    mesh=_MESH,
    scratch_types=[
        pltpu.VMEM((W, 128), _f32),
        pltpu.VMEM((1, W), jnp.int32),
        pltpu.SemaphoreType.DMA,
    ],
)



def _mms_body(x_ref, w_ref, dega_ref, degb_ref, hs_ref, dinv_ref):
    dinv = jax.lax.rsqrt(dega_ref[...] + degb_ref[...])
    dinv_ref[...] = dinv
    h = jnp.dot(x_ref[...], w_ref[...], preferred_element_type=jnp.float32)
    hs_ref[...] = h * dinv


def _tc_mm_scale(x, w, dega, degb):
    n, k = x.shape
    m = w.shape[1]
    return pl.pallas_call(
        _mms_body,
        grid=(n // ROW_BLK,),
        in_specs=[
            pl.BlockSpec((ROW_BLK, k), lambda i: (i, 0)),
            pl.BlockSpec((k, m), lambda i: (0, 0)),
            pl.BlockSpec((ROW_BLK, 1), lambda i: (i, 0)),
            pl.BlockSpec((ROW_BLK, 1), lambda i: (i, 0)),
        ],
        out_specs=[
            pl.BlockSpec((ROW_BLK, m), lambda i: (i, 0)),
            pl.BlockSpec((ROW_BLK, 1), lambda i: (i, 0)),
        ],
        out_shape=[
            jax.ShapeDtypeStruct((n, m), jnp.float32),
            jax.ShapeDtypeStruct((n, 1), jnp.float32),
        ],
    )(x, w, dega, degb)


def _mid_body(agga_ref, aggb_ref, hs1_ref, dinv_ref, b1_ref, w2_ref, hs2_ref):
    agg = jnp.concatenate([agga_ref[...], aggb_ref[...]], axis=-1)
    out1 = jax.nn.relu(dinv_ref[...] * (agg + hs1_ref[...]) + b1_ref[...])
    h2 = jnp.dot(out1, w2_ref[...], preferred_element_type=jnp.float32)
    hs2_ref[...] = h2 * dinv_ref[...]


def _tc_mid(agga, aggb, hs1, dinv, b1, W2):
    n = agga.shape[0]
    return pl.pallas_call(
        _mid_body,
        grid=(n // ROW_BLK,),
        in_specs=[
            pl.BlockSpec((ROW_BLK, 128), lambda i: (i, 0)),
            pl.BlockSpec((ROW_BLK, 128), lambda i: (i, 0)),
            pl.BlockSpec((ROW_BLK, D_H), lambda i: (i, 0)),
            pl.BlockSpec((ROW_BLK, 1), lambda i: (i, 0)),
            pl.BlockSpec((1, D_H), lambda i: (0, 0)),
            pl.BlockSpec((D_H, D_OUT), lambda i: (0, 0)),
        ],
        out_specs=pl.BlockSpec((ROW_BLK, D_OUT), lambda i: (i, 0)),
        out_shape=jax.ShapeDtypeStruct((n, D_OUT), jnp.float32),
    )(agga, aggb, hs1, dinv, b1, W2)


def _z_body(p0_ref, p1_ref, hs2_ref, dinv_ref, b2_ref, z_ref):
    z_ref[...] = (dinv_ref[...] * (p0_ref[...] + p1_ref[...] + hs2_ref[...])
                  + b2_ref[...])


def _tc_z(p0, p1, hs2, dinv, b2):
    n = p0.shape[0]
    return pl.pallas_call(
        _z_body,
        grid=(n // ROW_BLK,),
        in_specs=[
            pl.BlockSpec((ROW_BLK, D_OUT), lambda i: (i, 0)),
            pl.BlockSpec((ROW_BLK, D_OUT), lambda i: (i, 0)),
            pl.BlockSpec((ROW_BLK, D_OUT), lambda i: (i, 0)),
            pl.BlockSpec((ROW_BLK, 1), lambda i: (i, 0)),
            pl.BlockSpec((1, D_OUT), lambda i: (0, 0)),
        ],
        out_specs=pl.BlockSpec((ROW_BLK, D_OUT), lambda i: (i, 0)),
        out_shape=jax.ShapeDtypeStruct((n, D_OUT), jnp.float32),
    )(p0, p1, hs2, dinv, b2)


def _dot_body(zs_ref, zd_ref, o_ref):
    o_ref[...] = jnp.sum(zs_ref[...] * zd_ref[...], axis=-1, keepdims=True)


def _tc_dot(zs, zd):
    n = zs.shape[0]
    return pl.pallas_call(
        _dot_body,
        grid=(n // ROW_BLK,),
        in_specs=[
            pl.BlockSpec((ROW_BLK, D_OUT), lambda i: (i, 0)),
            pl.BlockSpec((ROW_BLK, D_OUT), lambda i: (i, 0)),
        ],
        out_specs=pl.BlockSpec((ROW_BLK, 1), lambda i: (i, 0)),
        out_shape=jax.ShapeDtypeStruct((n, 1), jnp.float32),
    )(zs, zd)


def _pad_rows(a):
    return jnp.concatenate(
        [a, jnp.zeros((NP - a.shape[0], a.shape[1]), a.dtype)], axis=0)


def kernel(x, edge_index, edge_label_index, W1, b1, W2, b2):
    epad = jnp.full((1, EP - E), PAD_ROW, jnp.int32)
    src_w = jnp.concatenate([edge_index[:1], epad], axis=1).reshape(NWIN, W)
    dst_w = jnp.concatenate([edge_index[1:2], epad], axis=1).reshape(NWIN, W)
    z128 = jnp.zeros((NP, 128), jnp.float32)
    ones = jnp.ones((W, 128), jnp.float32)

    degacc = _deg_call(dst_w, z128, ones)
    dega = degacc[0, :N, :1] + 1.0
    degb = degacc[1, :N, :1]

    hs1, dinv = _tc_mm_scale(x, W1, dega, degb)

    hs1p = _pad_rows(hs1[:, :128])
    hs1q = _pad_rows(hs1[:, 128:])
    agg_a, agg_b = _agg1_call(hs1p, hs1q, src_w, dst_w, z128)

    hs2 = _tc_mid(agg_a[:N], agg_b[:N], hs1, dinv, b1[None, :], W2)

    hs2p = _pad_rows(hs2)
    agg2 = _agg2_call(hs2p, src_w, dst_w, z128)

    z = _tc_z(agg2[0, :N], agg2[1, :N], hs2, dinv, b2[None, :])

    zp = _pad_rows(z)
    lpad = jnp.full((ELP - 2 * EL,), PAD_ROW, jnp.int32)
    dec_idx = jnp.concatenate(
        [edge_label_index[0], edge_label_index[1], lpad]).reshape(ELP // W, W)
    rows = _dec_call(zp, dec_idx)

    return _tc_dot(rows[:EL], rows[EL:2 * EL])[:, 0]

# --- scband reference (transcript-rebuilt; emitter-appended) ---
"""Pipeline reference for scband-gcn-dp-31172872634621 (READ-ONLY COPY).

The authoritative reference and input builder live on the scoring server;
editing this copy changes nothing except your own understanding.
"""

import jax, jax.numpy as jnp
import numpy as np

N = 10000
E = 320000
EL = 20000
D_IN = 128
D_H = 256
D_OUT = 128


def setup_inputs(seed: int = 0) -> dict:
    key = jax.random.key(seed)
    ks = jax.random.split(key, 7)
    x = jax.random.normal(ks[0], (N, D_IN), dtype=jnp.float32)
    edge_index = jax.random.randint(ks[1], (2, E), 0, N, dtype=jnp.int32)
    edge_label_index = jax.random.randint(ks[2], (2, EL), 0, N, dtype=jnp.int32)
    W1 = jax.random.normal(ks[3], (D_IN, D_H), dtype=jnp.float32) * np.sqrt(2.0 / (D_IN + D_H))
    b1 = jnp.zeros((D_H,), dtype=jnp.float32)
    W2 = jax.random.normal(ks[4], (D_H, D_OUT), dtype=jnp.float32) * np.sqrt(2.0 / (D_H + D_OUT))
    b2 = jnp.zeros((D_OUT,), dtype=jnp.float32)
    return {"x": x, "edge_index": edge_index, "edge_label_index": edge_label_index,
            "W1": W1, "b1": b1, "W2": W2, "b2": b2}


def _gcn_conv(x, src, dst, W, b, n):
    # GCNConv: x' = D^{-1/2} (A + I) D^{-1/2} X W + b  (self-loops already in src/dst)
    h = x @ W
    deg = jnp.zeros((n,), dtype=h.dtype).at[dst].add(1.0)
    dinv = jnp.where(deg > 0, jax.lax.rsqrt(deg), 0.0)
    norm = dinv[src] * dinv[dst]
    msg = h[src] * norm[:, None]
    out = jnp.zeros((n, h.shape[1]), dtype=h.dtype).at[dst].add(msg)
    return out + b


def reference(x, edge_index, edge_label_index, W1, b1, W2, b2):
    n = x.shape[0]
    sl = jnp.arange(n, dtype=edge_index.dtype)
    src = jnp.concatenate([edge_index[0], sl])
    dst = jnp.concatenate([edge_index[1], sl])
    h = _gcn_conv(x, src, dst, W1, b1, n)
    h = jax.nn.relu(h)
    # dropout is identity at inference (training=False)
    z = _gcn_conv(h, src, dst, W2, b2, n)
    s = z[edge_label_index[0]]
    d = z[edge_label_index[1]]
    return (s * d).sum(axis=-1)

if __name__ == "__main__":
    import jax
    _d = setup_inputs()
    print(jax.jit(kernel)(*tuple(_d.values())))

</pallas_src>

<mosaic_0001>
#map = affine_map<(d0, d1) -> (0, 0)>
#map1 = affine_map<(d0, d1) -> (0, 0, 0)>
module attributes {stable_mosaic.version = 14 : i64} {
  func.func @_deg_body(%arg0: i32, %arg1: i32, %arg2: memref<2560x128xi32, #tpu.memory_space<hbm>>, %arg3: memref<10240x128xf32, #tpu.memory_space<hbm>>, %arg4: memref<128x128xf32, #tpu.memory_space<hbm>>, %arg5: memref<2x10240x128xf32, #tpu.memory_space<hbm>>, %arg6: memref<10240x128xf32, #tpu.memory_space<vmem_shared>>, %arg7: memref<128x128xf32, #tpu.memory_space<vmem>>, %arg8: memref<128x128xf32, #tpu.memory_space<vmem>>, %arg9: memref<16x128xi32, #tpu.memory_space<vmem>>) attributes {dimension_semantics = [#tpu.dimension_semantics<core_parallel>, #tpu.dimension_semantics<subcore_parallel>], iteration_bounds = array<i64: 2, 16>, scalar_prefetch = 0 : i64, scratch_operands = 4 : i64, tpu.core_type = #tpu.core_type<sc_vector_subcore>, window_params = [{transform_indices = #map}, {transform_indices = #map}, {transform_indices = #map}, {transform_indices = #map1}]} {
    %mul3A = arith.constant 2 : i32
    %mul3A_0 = arith.muli %arg1, %mul3A : i32
    %add3A = arith.addi %mul3A_0, %arg0 : i32
    "tpu.region"() ({
      %run_scoped3A = tpu.sem_alloc : memref<!tpu.dma_semaphore, #tpu.memory_space<semaphore_mem>>
      tpu.enqueue_dma source(%arg4 : memref<128x128xf32, #tpu.memory_space<hbm>>) target(%arg7 : memref<128x128xf32, #tpu.memory_space<vmem>>) target_semaphore(%run_scoped3A : memref<!tpu.dma_semaphore, #tpu.memory_space<semaphore_mem>>)
      tpu.wait_dma2 semaphore(%run_scoped3A : memref<!tpu.dma_semaphore, #tpu.memory_space<semaphore_mem>>) src(%arg4 : memref<128x128xf32, #tpu.memory_space<hbm>>) dst(%arg7 : memref<128x128xf32, #tpu.memory_space<vmem>>)
      tpu.yield
    }) : () -> ()
    %scan3A = arith.constant 0 : i32
    %scan3A_1 = arith.constant 5 : i32
    %scan3A_2 = arith.addi %scan3A, %scan3A_1 : i32
    %scan3A_3 = arith.constant 1 : i32
    scf.for %scan3A_18 = %scan3A to %scan3A_2 step %scan3A_3  : i32 {
      %mul3A_19 = arith.constant 1 : i32
      %mul3A_20 = arith.muli %scan3A_18, %mul3A_19 : i32
      %add3A_21 = arith.constant 0 : i32
      %add3A_22 = arith.addi %add3A_21, %mul3A_20 : i32
      %mul3A_23 = arith.constant 640 : i32
      %mul3A_24 = arith.muli %arg1, %mul3A_23 : i32
      %mul3A_25 = arith.constant 128 : i32
      %mul3A_26 = arith.muli %add3A_22, %mul3A_25 : i32
      %add3A_27 = arith.addi %mul3A_24, %mul3A_26 : i32
      "tpu.region"() ({
        %run_scoped3A = tpu.sem_alloc : memref<!tpu.dma_semaphore, #tpu.memory_space<semaphore_mem>>
        %dma_start3A = arith.constant 0 : i32
        %dma_start3A_28 = tpu.memref_slice %arg3[%add3A_27, %dma_start3A] : memref<10240x128xf32, #tpu.memory_space<hbm>> -> memref<128x128xf32, #tpu.memory_space<hbm>>
        %dma_start3A_29 = arith.constant 0 : i32
        %dma_start3A_30 = tpu.memref_slice %arg3[%add3A_27, %dma_start3A_29] : memref<10240x128xf32, #tpu.memory_space<hbm>> -> memref<128x128xf32, #tpu.memory_space<hbm>>
        tpu.enqueue_dma source(%dma_start3A_30 : memref<128x128xf32, #tpu.memory_space<hbm>>) target(%arg8 : memref<128x128xf32, #tpu.memory_space<vmem>>) target_semaphore(%run_scoped3A : memref<!tpu.dma_semaphore, #tpu.memory_space<semaphore_mem>>)
        %dma_wait3A = arith.constant 0 : i32
        %dma_wait3A_31 = tpu.memref_slice %arg3[%add3A_27, %dma_wait3A] : memref<10240x128xf32, #tpu.memory_space<hbm>> -> memref<128x128xf32, #tpu.memory_space<hbm>>
        %dma_wait3A_32 = arith.constant 0 : i32
        %dma_wait3A_33 = tpu.memref_slice %arg3[%add3A_27, %dma_wait3A_32] : memref<10240x128xf32, #tpu.memory_space<hbm>> -> memref<128x128xf32, #tpu.memory_space<hbm>>
        tpu.wait_dma2 semaphore(%run_scoped3A : memref<!tpu.dma_semaphore, #tpu.memory_space<semaphore_mem>>) src(%dma_wait3A_33 : memref<128x128xf32, #tpu.memory_space<hbm>>) dst(%arg8 : memref<128x128xf32, #tpu.memory_space<vmem>>)
        tpu.yield
      }) : () -> ()
      "tpu.region"() ({
        %run_scoped3A = tpu.sem_alloc : memref<!tpu.dma_semaphore, #tpu.memory_space<semaphore_mem>>
        %dma_start3A = arith.constant 0 : i32
        %dma_start3A_28 = tpu.memref_slice %arg6[%add3A_27, %dma_start3A] : memref<10240x128xf32, #tpu.memory_space<vmem_shared>> -> memref<128x128xf32, #tpu.memory_space<vmem_shared>>
        %dma_start3A_29 = arith.constant 0 : i32
        %dma_start3A_30 = tpu.memref_slice %arg6[%add3A_27, %dma_start3A_29] : memref<10240x128xf32, #tpu.memory_space<vmem_shared>> -> memref<128x128xf32, #tpu.memory_space<vmem_shared>>
        tpu.enqueue_dma source(%arg8 : memref<128x128xf32, #tpu.memory_space<vmem>>) target(%dma_start3A_30 : memref<128x128xf32, #tpu.memory_space<vmem_shared>>) target_semaphore(%run_scoped3A : memref<!tpu.dma_semaphore, #tpu.memory_space<semaphore_mem>>)
        %dma_wait3A = arith.constant 0 : i32
        %dma_wait3A_31 = tpu.memref_slice %arg6[%add3A_27, %dma_wait3A] : memref<10240x128xf32, #tpu.memory_space<vmem_shared>> -> memref<128x128xf32, #tpu.memory_space<vmem_shared>>
        %dma_wait3A_32 = arith.constant 0 : i32
        %dma_wait3A_33 = tpu.memref_slice %arg6[%add3A_27, %dma_wait3A_32] : memref<10240x128xf32, #tpu.memory_space<vmem_shared>> -> memref<128x128xf32, #tpu.memory_space<vmem_shared>>
        tpu.wait_dma2 semaphore(%run_scoped3A : memref<!tpu.dma_semaphore, #tpu.memory_space<semaphore_mem>>) src(%arg8 : memref<128x128xf32, #tpu.memory_space<vmem>>) dst(%dma_wait3A_33 : memref<128x128xf32, #tpu.memory_space<vmem_shared>>)
        tpu.yield
      }) : () -> ()
    }
    %scan3A_4 = arith.constant 5 : i32
    %barrier3A = arith.constant 0 : index
    tpu.barrier barrier_id(%barrier3A)
    %mul3A_5 = arith.constant 80 : i32
    %mul3A_6 = arith.muli %add3A, %mul3A_5 : i32
    %scan3A_7 = arith.constant 0 : i32
    %scan3A_8 = arith.constant 5 : i32
    %scan3A_9 = arith.addi %scan3A_7, %scan3A_8 : i32
    %scan3A_10 = arith.constant 1 : i32
    scf.for %scan3A_18 = %scan3A_7 to %scan3A_9 step %scan3A_10  : i32 {
      %mul3A_19 = arith.constant 1 : i32
      %mul3A_20 = arith.muli %scan3A_18, %mul3A_19 : i32
      %add3A_21 = arith.constant 0 : i32
      %add3A_22 = arith.addi %add3A_21, %mul3A_20 : i32
      %mul3A_23 = arith.constant 16 : i32
      %mul3A_24 = arith.muli %add3A_22, %mul3A_23 : i32
      %add3A_25 = arith.addi %mul3A_6, %mul3A_24 : i32
      "tpu.region"() ({
        %run_scoped3A = tpu.sem_alloc : memref<!tpu.dma_semaphore, #tpu.memory_space<semaphore_mem>>
        %dma_start3A = arith.constant 0 : i32
        %dma_start3A_31 = tpu.memref_slice %arg2[%add3A_25, %dma_start3A] : memref<2560x128xi32, #tpu.memory_space<hbm>> -> memref<16x128xi32, #tpu.memory_space<hbm>>
        %dma_start3A_32 = arith.constant 0 : i32
        %dma_start3A_33 = tpu.memref_slice %arg2[%add3A_25, %dma_start3A_32] : memref<2560x128xi32, #tpu.memory_space<hbm>> -> memref<16x128xi32, #tpu.memory_space<hbm>>
        tpu.enqueue_dma source(%dma_start3A_33 : memref<16x128xi32, #tpu.memory_space<hbm>>) target(%arg9 : memref<16x128xi32, #tpu.memory_space<vmem>>) target_semaphore(%run_scoped3A : memref<!tpu.dma_semaphore, #tpu.memory_space<semaphore_mem>>)
        %dma_wait3A = arith.constant 0 : i32
        %dma_wait3A_34 = tpu.memref_slice %arg2[%add3A_25, %dma_wait3A] : memref<2560x128xi32, #tpu.memory_space<hbm>> -> memref<16x128xi32, #tpu.memory_space<hbm>>
        %dma_wait3A_35 = arith.constant 0 : i32
        %dma_wait3A_36 = tpu.memref_slice %arg2[%add3A_25, %dma_wait3A_35] : memref<2560x128xi32, #tpu.memory_space<hbm>> -> memref<16x128xi32, #tpu.memory_space<hbm>>
        tpu.wait_dma2 semaphore(%run_scoped3A : memref<!tpu.dma_semaphore, #tpu.memory_space<semaphore_mem>>) src(%dma_wait3A_36 : memref<16x128xi32, #tpu.memory_space<hbm>>) dst(%arg9 : memref<16x128xi32, #tpu.memory_space<vmem>>)
        tpu.yield
      }) : () -> ()
      %scan3A_26 = arith.constant 0 : i32
      %scan3A_27 = arith.constant 16 : i32
      %scan3A_28 = arith.addi %scan3A_26, %scan3A_27 : i32
      %scan3A_29 = arith.constant 1 : i32
      scf.for %scan3A_31 = %scan3A_26 to %scan3A_28 step %scan3A_29  : i32 {
        %mul3A_32 = arith.constant 1 : i32
        %mul3A_33 = arith.muli %scan3A_31, %mul3A_32 : i32
        %add3A_34 = arith.constant 0 : i32
        %add3A_35 = arith.addi %add3A_34, %mul3A_33 : i32
        "tpu.region"() ({
          %run_scoped3A = tpu.sem_alloc : memref<!tpu.dma_semaphore, #tpu.memory_space<semaphore_mem>>
          %dma_start3A = arith.constant 0 : i32
          %dma_start3A_36 = tpu.memref_slice %arg9[%add3A_35, %dma_start3A] : memref<16x128xi32, #tpu.memory_space<vmem>> -> memref<1x128xi32, #tpu.memory_space<vmem>>
          %dma_start3A_37 = tpu.memref_squeeze %dma_start3A_36 : memref<1x128xi32, #tpu.memory_space<vmem>> -> memref<128xi32, #tpu.memory_space<vmem>>
          %dma_start3A_38 = arith.constant 0 : i32
          %dma_start3A_39 = arith.constant 0 : i32
          %dma_start3A_40 = tpu.memref_slice %arg6[%dma_start3A_38, %dma_start3A_39] : memref<10240x128xf32, #tpu.memory_space<vmem_shared>> -> memref<10240x128xf32, #tpu.memory_space<vmem_shared>>
          tpu.enqueue_indirect_dma source(%arg7 : memref<128x128xf32, #tpu.memory_space<vmem>>) target(%dma_start3A_40 : memref<10240x128xf32, #tpu.memory_space<vmem_shared>>) offsets(%dma_start3A_37 : memref<128xi32, #tpu.memory_space<vmem>>) semaphore(%run_scoped3A : memref<!tpu.dma_semaphore, #tpu.memory_space<semaphore_mem>>) {add = true}
          %dma_wait3A = arith.constant 0 : i32
          %dma_wait3A_41 = tpu.memref_slice %arg9[%add3A_35, %dma_wait3A] : memref<16x128xi32, #tpu.memory_space<vmem>> -> memref<1x128xi32, #tpu.memory_space<vmem>>
          %dma_wait3A_42 = tpu.memref_squeeze %dma_wait3A_41 : memref<1x128xi32, #tpu.memory_space<vmem>> -> memref<128xi32, #tpu.memory_space<vmem>>
          %dma_wait3A_43 = arith.constant 0 : i32
          %dma_wait3A_44 = arith.constant 0 : i32
          %dma_wait3A_45 = tpu.memref_slice %arg6[%dma_wait3A_43, %dma_wait3A_44] : memref<10240x128xf32, #tpu.memory_space<vmem_shared>> -> memref<10240x128xf32, #tpu.memory_space<vmem_shared>>
          tpu.wait_indirect_dma semaphore(%run_scoped3A : memref<!tpu.dma_semaphore, #tpu.memory_space<semaphore_mem>>) src(%arg7 : memref<128x128xf32, #tpu.memory_space<vmem>>) dst(%dma_wait3A_45 : memref<10240x128xf32, #tpu.memory_space<vmem_shared>>)
          tpu.yield
        }) : () -> ()
      }
      %scan3A_30 = arith.constant 16 : i32
    }
    %scan3A_11 = arith.constant 5 : i32
    %barrier3A_12 = arith.constant 0 : index
    tpu.barrier barrier_id(%barrier3A_12)
    %scan3A_13 = arith.constant 0 : i32
    %scan3A_14 = arith.constant 5 : i32
    %scan3A_15 = arith.addi %scan3A_13, %scan3A_14 : i32
    %scan3A_16 = arith.constant 1 : i32
    scf.for %scan3A_18 = %scan3A_13 to %scan3A_15 step %scan3A_16  : i32 {
      %mul3A_19 = arith.constant 1 : i32
      %mul3A_20 = arith.muli %scan3A_18, %mul3A_19 : i32
      %add3A_21 = arith.constant 0 : i32
      %add3A_22 = arith.addi %add3A_21, %mul3A_20 : i32
      %mul3A_23 = arith.constant 640 : i32
      %mul3A_24 = arith.muli %arg1, %mul3A_23 : i32
      %mul3A_25 = arith.constant 128 : i32
      %mul3A_26 = arith.muli %add3A_22, %mul3A_25 : i32
      %add3A_27 = arith.addi %mul3A_24, %mul3A_26 : i32
      "tpu.region"() ({
        %run_scoped3A = tpu.sem_alloc : memref<!tpu.dma_semaphore, #tpu.memory_space<semaphore_mem>>
        %dma_start3A = arith.constant 0 : i32
        %dma_start3A_28 = tpu.memref_slice %arg6[%add3A_27, %dma_start3A] : memref<10240x128xf32, #tpu.memory_space<vmem_shared>> -> memref<128x128xf32, #tpu.memory_space<vmem_shared>>
        %dma_start3A_29 = arith.constant 0 : i32
        %dma_start3A_30 = tpu.memref_slice %arg6[%add3A_27, %dma_start3A_29] : memref<10240x128xf32, #tpu.memory_space<vmem_shared>> -> memref<128x128xf32, #tpu.memory_space<vmem_shared>>
        tpu.enqueue_dma source(%dma_start3A_30 : memref<128x128xf32, #tpu.memory_space<vmem_shared>>) target(%arg8 : memref<128x128xf32, #tpu.memory_space<vmem>>) target_semaphore(%run_scoped3A : memref<!tpu.dma_semaphore, #tpu.memory_space<semaphore_mem>>)
        %dma_wait3A = arith.constant 0 : i32
        %dma_wait3A_31 = tpu.memref_slice %arg6[%add3A_27, %dma_wait3A] : memref<10240x128xf32, #tpu.memory_space<vmem_shared>> -> memref<128x128xf32, #tpu.memory_space<vmem_shared>>
        %dma_wait3A_32 = arith.constant 0 : i32
        %dma_wait3A_33 = tpu.memref_slice %arg6[%add3A_27, %dma_wait3A_32] : memref<10240x128xf32, #tpu.memory_space<vmem_shared>> -> memref<128x128xf32, #tpu.memory_space<vmem_shared>>
        tpu.wait_dma2 semaphore(%run_scoped3A : memref<!tpu.dma_semaphore, #tpu.memory_space<semaphore_mem>>) src(%dma_wait3A_33 : memref<128x128xf32, #tpu.memory_space<vmem_shared>>) dst(%arg8 : memref<128x128xf32, #tpu.memory_space<vmem>>)
        tpu.yield
      }) : () -> ()
      "tpu.region"() ({
        %run_scoped3A = tpu.sem_alloc : memref<!tpu.dma_semaphore, #tpu.memory_space<semaphore_mem>>
        %dma_start3A = arith.constant 0 : i32
        %dma_start3A_28 = tpu.memref_slice %arg5[%arg0, %add3A_27, %dma_start3A] : memref<2x10240x128xf32, #tpu.memory_space<hbm>> -> memref<1x128x128xf32, #tpu.memory_space<hbm>>
        %dma_start3A_29 = tpu.memref_squeeze %dma_start3A_28 : memref<1x128x128xf32, #tpu.memory_space<hbm>> -> memref<128x128xf32, #tpu.memory_space<hbm>>
        %dma_start3A_30 = arith.constant 0 : i32
        %dma_start3A_31 = tpu.memref_slice %arg5[%arg0, %add3A_27, %dma_start3A_30] : memref<2x10240x128xf32, #tpu.memory_space<hbm>> -> memref<1x128x128xf32, #tpu.memory_space<hbm>>
        %dma_start3A_32 = tpu.memref_squeeze %dma_start3A_31 : memref<1x128x128xf32, #tpu.memory_space<hbm>> -> memref<128x128xf32, #tpu.memory_space<hbm>>
        tpu.enqueue_dma source(%arg8 : memref<128x128xf32, #tpu.memory_space<vmem>>) target(%dma_start3A_32 : memref<128x128xf32, #tpu.memory_space<hbm>>) target_semaphore(%run_scoped3A : memref<!tpu.dma_semaphore, #tpu.memory_space<semaphore_mem>>)
        %dma_wait3A = arith.constant 0 : i32
        %dma_wait3A_33 = tpu.memref_slice %arg5[%arg0, %add3A_27, %dma_wait3A] : memref<2x10240x128xf32, #tpu.memory_space<hbm>> -> memref<1x128x128xf32, #tpu.memory_space<hbm>>
        %dma_wait3A_34 = tpu.memref_squeeze %dma_wait3A_33 : memref<1x128x128xf32, #tpu.memory_space<hbm>> -> memref<128x128xf32, #tpu.memory_space<hbm>>
        %dma_wait3A_35 = arith.constant 0 : i32
        %dma_wait3A_36 = tpu.memref_slice %arg5[%arg0, %add3A_27, %dma_wait3A_35] : memref<2x10240x128xf32, #tpu.memory_space<hbm>> -> memref<1x128x128xf32, #tpu.memory_space<hbm>>
        %dma_wait3A_37 = tpu.memref_squeeze %dma_wait3A_36 : memref<1x128x128xf32, #tpu.memory_space<hbm>> -> memref<128x128xf32, #tpu.memory_space<hbm>>
        tpu.wait_dma2 semaphore(%run_scoped3A : memref<!tpu.dma_semaphore, #tpu.memory_space<semaphore_mem>>) src(%arg8 : memref<128x128xf32, #tpu.memory_space<vmem>>) dst(%dma_wait3A_37 : memref<128x128xf32, #tpu.memory_space<hbm>>)
        tpu.yield
      }) : () -> ()
    }
    %scan3A_17 = arith.constant 5 : i32
    return
  }
}

#map = affine_map<(d0, d1) -> (0, 0)>
module attributes {stable_mosaic.version = 14 : i64} {
  func.func @_agg1_body(%arg0: i32, %arg1: i32, %arg2: memref<10240x128xf32, #tpu.memory_space<hbm>>, %arg3: memref<10240x128xf32, #tpu.memory_space<hbm>>, %arg4: memref<2560x128xi32, #tpu.memory_space<hbm>>, %arg5: memref<2560x128xi32, #tpu.memory_space<hbm>>, %arg6: memref<10240x128xf32, #tpu.memory_space<hbm>>, %arg7: memref<10240x128xf32, #tpu.memory_space<hbm>>, %arg8: memref<10240x128xf32, #tpu.memory_space<hbm>>, %arg9: memref<10240x128xf32, #tpu.memory_space<vmem_shared>>, %arg10: memref<128x128xf32, #tpu.memory_space<vmem>>, %arg11: memref<16x128xi32, #tpu.memory_space<vmem>>, %arg12: memref<16x128xi32, #tpu.memory_space<vmem>>, %arg13: memref<!tpu.dma_semaphore, #tpu.memory_space<semaphore_mem>>) attributes {dimension_semantics = [#tpu.dimension_semantics<core_parallel>, #tpu.dimension_semantics<subcore_parallel>], iteration_bounds = array<i64: 2, 16>, scalar_prefetch = 0 : i64, scratch_operands = 5 : i64, tpu.core_type = #tpu.core_type<sc_vector_subcore>, window_params = [{transform_indices = #map}, {transform_indices = #map}, {transform_indices = #map}, {transform_indices = #map}, {transform_indices = #map}, {transform_indices = #map}, {transform_indices = #map}]} {
    %mul3A = arith.constant 160 : i32
    %mul3A_0 = arith.muli %arg1, %mul3A : i32
    %eq3A = arith.constant 0 : i32
    %eq3A_1 = arith.cmpi eq, %arg0, %eq3A : i32
    %convert_element_type3A = arith.extui %eq3A_1 : i1 to i32
    %cond3A = arith.constant 0 : i32
    %cond3A_2 = arith.cmpi ne, %convert_element_type3A, %cond3A : i32
    scf.if %cond3A_2 {
      %scan3A = arith.constant 0 : i32
      %scan3A_8 = arith.constant 5 : i32
      %scan3A_9 = arith.addi %scan3A, %scan3A_8 : i32
      %scan3A_10 = arith.constant 1 : i32
      scf.for %scan3A_23 = %scan3A to %scan3A_9 step %scan3A_10  : i32 {
        %mul3A_24 = arith.constant 1 : i32
        %mul3A_25 = arith.muli %scan3A_23, %mul3A_24 : i32
        %add3A = arith.constant 0 : i32
        %add3A_26 = arith.addi %add3A, %mul3A_25 : i32
        %mul3A_27 = arith.constant 640 : i32
        %mul3A_28 = arith.muli %arg1, %mul3A_27 : i32
        %mul3A_29 = arith.constant 128 : i32
        %mul3A_30 = arith.muli %add3A_26, %mul3A_29 : i32
        %add3A_31 = arith.addi %mul3A_28, %mul3A_30 : i32
        "tpu.region"() ({
          %run_scoped3A = tpu.sem_alloc : memref<!tpu.dma_semaphore, #tpu.memory_space<semaphore_mem>>
          %dma_start3A = arith.constant 0 : i32
          %dma_start3A_32 = tpu.memref_slice %arg6[%add3A_31, %dma_start3A] : memref<10240x128xf32, #tpu.memory_space<hbm>> -> memref<128x128xf32, #tpu.memory_space<hbm>>
          %dma_start3A_33 = arith.constant 0 : i32
          %dma_start3A_34 = tpu.memref_slice %arg6[%add3A_31, %dma_start3A_33] : memref<10240x128xf32, #tpu.memory_space<hbm>> -> memref<128x128xf32, #tpu.memory_space<hbm>>
          tpu.enqueue_dma source(%dma_start3A_34 : memref<128x128xf32, #tpu.memory_space<hbm>>) target(%arg10 : memref<128x128xf32, #tpu.memory_space<vmem>>) target_semaphore(%run_scoped3A : memref<!tpu.dma_semaphore, #tpu.memory_space<semaphore_mem>>)
          %dma_wait3A = arith.constant 0 : i32
          %dma_wait3A_35 = tpu.memref_slice %arg6[%add3A_31, %dma_wait3A] : memref<10240x128xf32, #tpu.memory_space<hbm>> -> memref<128x128xf32, #tpu.memory_space<hbm>>
          %dma_wait3A_36 = arith.constant 0 : i32
          %dma_wait3A_37 = tpu.memref_slice %arg6[%add3A_31, %dma_wait3A_36] : memref<10240x128xf32, #tpu.memory_space<hbm>> -> memref<128x128xf32, #tpu.memory_space<hbm>>
          tpu.wait_dma2 semaphore(%run_scoped3A : memref<!tpu.dma_semaphore, #tpu.memory_space<semaphore_mem>>) src(%dma_wait3A_37 : memref<128x128xf32, #tpu.memory_space<hbm>>) dst(%arg10 : memref<128x128xf32, #tpu.memory_space<vmem>>)
          tpu.yield
        }) : () -> ()
        "tpu.region"() ({
          %run_scoped3A = tpu.sem_alloc : memref<!tpu.dma_semaphore, #tpu.memory_space<semaphore_mem>>
          %dma_start3A = arith.constant 0 : i32
          %dma_start3A_32 = tpu.memref_slice %arg9[%add3A_31, %dma_start3A] : memref<10240x128xf32, #tpu.memory_space<vmem_shared>> -> memref<128x128xf32, #tpu.memory_space<vmem_shared>>
          %dma_start3A_33 = arith.constant 0 : i32
          %dma_start3A_34 = tpu.memref_slice %arg9[%add3A_31, %dma_start3A_33] : memref<10240x128xf32, #tpu.memory_space<vmem_shared>> -> memref<128x128xf32, #tpu.memory_space<vmem_shared>>
          tpu.enqueue_dma source(%arg10 : memref<128x128xf32, #tpu.memory_space<vmem>>) target(%dma_start3A_34 : memref<128x128xf32, #tpu.memory_space<vmem_shared>>) target_semaphore(%run_scoped3A : memref<!tpu.dma_semaphore, #tpu.memory_space<semaphore_mem>>)
          %dma_wait3A = arith.constant 0 : i32
          %dma_wait3A_35 = tpu.memref_slice %arg9[%add3A_31, %dma_wait3A] : memref<10240x128xf32, #tpu.memory_space<vmem_shared>> -> memref<128x128xf32, #tpu.memory_space<vmem_shared>>
          %dma_wait3A_36 = arith.constant 0 : i32
          %dma_wait3A_37 = tpu.memref_slice %arg9[%add3A_31, %dma_wait3A_36] : memref<10240x128xf32, #tpu.memory_space<vmem_shared>> -> memref<128x128xf32, #tpu.memory_space<vmem_shared>>
          tpu.wait_dma2 semaphore(%run_scoped3A : memref<!tpu.dma_semaphore, #tpu.memory_space<semaphore_mem>>) src(%arg10 : memref<128x128xf32, #tpu.memory_space<vmem>>) dst(%dma_wait3A_37 : memref<128x128xf32, #tpu.memory_space<vmem_shared>>)
          tpu.yield
        }) : () -> ()
      }
      %scan3A_11 = arith.constant 5 : i32
      %barrier3A = arith.constant 0 : index
      tpu.barrier barrier_id(%barrier3A)
      %scan3A_12 = arith.constant 0 : i32
      %scan3A_13 = arith.constant 10 : i32
      %scan3A_14 = arith.addi %scan3A_12, %scan3A_13 : i32
      %scan3A_15 = arith.constant 1 : i32
      scf.for %scan3A_23 = %scan3A_12 to %scan3A_14 step %scan3A_15  : i32 {
        %mul3A_24 = arith.constant 1 : i32
        %mul3A_25 = arith.muli %scan3A_23, %mul3A_24 : i32
        %add3A = arith.constant 0 : i32
        %add3A_26 = arith.addi %add3A, %mul3A_25 : i32
        %mul3A_27 = arith.constant 16 : i32
        %mul3A_28 = arith.muli %add3A_26, %mul3A_27 : i32
        %add3A_29 = arith.addi %mul3A_0, %mul3A_28 : i32
        "tpu.region"() ({
          %run_scoped3A = tpu.sem_alloc : memref<!tpu.dma_semaphore, #tpu.memory_space<semaphore_mem>>
          %dma_start3A = arith.constant 0 : i32
          %dma_start3A_35 = tpu.memref_slice %arg4[%add3A_29, %dma_start3A] : memref<2560x128xi32, #tpu.memory_space<hbm>> -> memref<16x128xi32, #tpu.memory_space<hbm>>
          %dma_start3A_36 = arith.constant 0 : i32
          %dma_start3A_37 = tpu.memref_slice %arg4[%add3A_29, %dma_start3A_36] : memref<2560x128xi32, #tpu.memory_space<hbm>> -> memref<16x128xi32, #tpu.memory_space<hbm>>
          tpu.enqueue_dma source(%dma_start3A_37 : memref<16x128xi32, #tpu.memory_space<hbm>>) target(%arg11 : memref<16x128xi32, #tpu.memory_space<vmem>>) target_semaphore(%run_scoped3A : memref<!tpu.dma_semaphore, #tpu.memory_space<semaphore_mem>>)
          %dma_wait3A = arith.constant 0 : i32
          %dma_wait3A_38 = tpu.memref_slice %arg4[%add3A_29, %dma_wait3A] : memref<2560x128xi32, #tpu.memory_space<hbm>> -> memref<16x128xi32, #tpu.memory_space<hbm>>
          %dma_wait3A_39 = arith.constant 0 : i32
          %dma_wait3A_40 = tpu.memref_slice %arg4[%add3A_29, %dma_wait3A_39] : memref<2560x128xi32, #tpu.memory_space<hbm>> -> memref<16x128xi32, #tpu.memory_space<hbm>>
          tpu.wait_dma2 semaphore(%run_scoped3A : memref<!tpu.dma_semaphore, #tpu.memory_space<semaphore_mem>>) src(%dma_wait3A_40 : memref<16x128xi32, #tpu.memory_space<hbm>>) dst(%arg11 : memref<16x128xi32, #tpu.memory_space<vmem>>)
          tpu.yield
        }) : () -> ()
        "tpu.region"() ({
          %run_scoped3A = tpu.sem_alloc : memref<!tpu.dma_semaphore, #tpu.memory_space<semaphore_mem>>
          %dma_start3A = arith.constant 0 : i32
          %dma_start3A_35 = tpu.memref_slice %arg5[%add3A_29, %dma_start3A] : memref<2560x128xi32, #tpu.memory_space<hbm>> -> memref<16x128xi32, #tpu.memory_space<hbm>>
          %dma_start3A_36 = arith.constant 0 : i32
          %dma_start3A_37 = tpu.memref_slice %arg5[%add3A_29, %dma_start3A_36] : memref<2560x128xi32, #tpu.memory_space<hbm>> -> memref<16x128xi32, #tpu.memory_space<hbm>>
          tpu.enqueue_dma source(%dma_start3A_37 : memref<16x128xi32, #tpu.memory_space<hbm>>) target(%arg12 : memref<16x128xi32, #tpu.memory_space<vmem>>) target_semaphore(%run_scoped3A : memref<!tpu.dma_semaphore, #tpu.memory_space<semaphore_mem>>)
          %dma_wait3A = arith.constant 0 : i32
          %dma_wait3A_38 = tpu.memref_slice %arg5[%add3A_29, %dma_wait3A] : memref<2560x128xi32, #tpu.memory_space<hbm>> -> memref<16x128xi32, #tpu.memory_space<hbm>>
          %dma_wait3A_39 = arith.constant 0 : i32
          %dma_wait3A_40 = tpu.memref_slice %arg5[%add3A_29, %dma_wait3A_39] : memref<2560x128xi32, #tpu.memory_space<hbm>> -> memref<16x128xi32, #tpu.memory_space<hbm>>
          tpu.wait_dma2 semaphore(%run_scoped3A : memref<!tpu.dma_semaphore, #tpu.memory_space<semaphore_mem>>) src(%dma_wait3A_40 : memref<16x128xi32, #tpu.memory_space<hbm>>) dst(%arg12 : memref<16x128xi32, #tpu.memory_space<vmem>>)
          tpu.yield
        }) : () -> ()
        %scan3A_30 = arith.constant 0 : i32
        %scan3A_31 = arith.constant 16 : i32
        %scan3A_32 = arith.addi %scan3A_30, %scan3A_31 : i32
        %scan3A_33 = arith.constant 1 : i32
        scf.for %scan3A_35 = %scan3A_30 to %scan3A_32 step %scan3A_33  : i32 {
          %mul3A_36 = arith.constant 1 : i32
          %mul3A_37 = arith.muli %scan3A_35, %mul3A_36 : i32
          %add3A_38 = arith.constant 0 : i32
          %add3A_39 = arith.addi %add3A_38, %mul3A_37 : i32
          %dma_start3A = arith.constant 0 : i32
          %dma_start3A_40 = tpu.memref_slice %arg11[%add3A_39, %dma_start3A] : memref<16x128xi32, #tpu.memory_space<vmem>> -> memref<1x128xi32, #tpu.memory_space<vmem>>
          %dma_start3A_41 = tpu.memref_squeeze %dma_start3A_40 : memref<1x128xi32, #tpu.memory_space<vmem>> -> memref<128xi32, #tpu.memory_space<vmem>>
          %dma_start3A_42 = arith.constant 0 : i32
          %dma_start3A_43 = arith.constant 0 : i32
          %dma_start3A_44 = tpu.memref_slice %arg2[%dma_start3A_42, %dma_start3A_43] : memref<10240x128xf32, #tpu.memory_space<hbm>> -> memref<10240x128xf32, #tpu.memory_space<hbm>>
          tpu.enqueue_indirect_dma source(%dma_start3A_44 : memref<10240x128xf32, #tpu.memory_space<hbm>>) target(%arg10 : memref<128x128xf32, #tpu.memory_space<vmem>>) offsets(%dma_start3A_41 : memref<128xi32, #tpu.memory_space<vmem>>) semaphore(%arg13 : memref<!tpu.dma_semaphore, #tpu.memory_space<semaphore_mem>>)
          %dma_wait3A = arith.constant 0 : i32
          %dma_wait3A_45 = tpu.memref_slice %arg11[%add3A_39, %dma_wait3A] : memref<16x128xi32, #tpu.memory_space<vmem>> -> memref<1x128xi32, #tpu.memory_space<vmem>>
          %dma_wait3A_46 = tpu.memref_squeeze %dma_wait3A_45 : memref<1x128xi32, #tpu.memory_space<vmem>> -> memref<128xi32, #tpu.memory_space<vmem>>
          %dma_wait3A_47 = arith.constant 0 : i32
          %dma_wait3A_48 = arith.constant 0 : i32
          %dma_wait3A_49 = tpu.memref_slice %arg2[%dma_wait3A_47, %dma_wait3A_48] : memref<10240x128xf32, #tpu.memory_space<hbm>> -> memref<10240x128xf32, #tpu.memory_space<hbm>>
          tpu.wait_indirect_dma semaphore(%arg13 : memref<!tpu.dma_semaphore, #tpu.memory_space<semaphore_mem>>) src(%dma_wait3A_49 : memref<10240x128xf32, #tpu.memory_space<hbm>>) dst(%arg10 : memref<128x128xf32, #tpu.memory_space<vmem>>)
          "tpu.region"() ({
            %run_scoped3A = tpu.sem_alloc : memref<!tpu.dma_semaphore, #tpu.memory_space<semaphore_mem>>
            %dma_start3A_50 = arith.constant 0 : i32
            %dma_start3A_51 = tpu.memref_slice %arg12[%add3A_39, %dma_start3A_50] : memref<16x128xi32, #tpu.memory_space<vmem>> -> memref<1x128xi32, #tpu.memory_space<vmem>>
            %dma_start3A_52 = tpu.memref_squeeze %dma_start3A_51 : memref<1x128xi32, #tpu.memory_space<vmem>> -> memref<128xi32, #tpu.memory_space<vmem>>
            %dma_start3A_53 = arith.constant 0 : i32
            %dma_start3A_54 = arith.constant 0 : i32
            %dma_start3A_55 = tpu.memref_slice %arg9[%dma_start3A_53, %dma_start3A_54] : memref<10240x128xf32, #tpu.memory_space<vmem_shared>> -> memref<10240x128xf32, #tpu.memory_space<vmem_shared>>
            tpu.enqueue_indirect_dma source(%arg10 : memref<128x128xf32, #tpu.memory_space<vmem>>) target(%dma_start3A_55 : memref<10240x128xf32, #tpu.memory_space<vmem_shared>>) offsets(%dma_start3A_52 : memref<128xi32, #tpu.memory_space<vmem>>) semaphore(%run_scoped3A : memref<!tpu.dma_semaphore, #tpu.memory_space<semaphore_mem>>) {add = true}
            %dma_wait3A_56 = arith.constant 0 : i32
            %dma_wait3A_57 = tpu.memref_slice %arg12[%add3A_39, %dma_wait3A_56] : memref<16x128xi32, #tpu.memory_space<vmem>> -> memref<1x128xi32, #tpu.memory_space<vmem>>
            %dma_wait3A_58 = tpu.memref_squeeze %dma_wait3A_57 : memref<1x128xi32, #tpu.memory_space<vmem>> -> memref<128xi32, #tpu.memory_space<vmem>>
            %dma_wait3A_59 = arith.constant 0 : i32
            %dma_wait3A_60 = arith.constant 0 : i32
            %dma_wait3A_61 = tpu.memref_slice %arg9[%dma_wait3A_59, %dma_wait3A_60] : memref<10240x128xf32, #tpu.memory_space<vmem_shared>> -> memref<10240x128xf32, #tpu.memory_space<vmem_shared>>
            tpu.wait_indirect_dma semaphore(%run_scoped3A : memref<!tpu.dma_semaphore, #tpu.memory_space<semaphore_mem>>) src(%arg10 : memref<128x128xf32, #tpu.memory_space<vmem>>) dst(%dma_wait3A_61 : memref<10240x128xf32, #tpu.memory_space<vmem_shared>>)
            tpu.yield
          }) : () -> ()
        }
        %scan3A_34 = arith.constant 16 : i32
      }
      %scan3A_16 = arith.constant 10 : i32
      %barrier3A_17 = arith.constant 0 : index
      tpu.barrier barrier_id(%barrier3A_17)
      %scan3A_18 = arith.constant 0 : i32
      %scan3A_19 = arith.constant 5 : i32
      %scan3A_20 = arith.addi %scan3A_18, %scan3A_19 : i32
      %scan3A_21 = arith.constant 1 : i32
      scf.for %scan3A_23 = %scan3A_18 to %scan3A_20 step %scan3A_21  : i32 {
        %mul3A_24 = arith.constant 1 : i32
        %mul3A_25 = arith.muli %scan3A_23, %mul3A_24 : i32
        %add3A = arith.constant 0 : i32
        %add3A_26 = arith.addi %add3A, %mul3A_25 : i32
        %mul3A_27 = arith.constant 640 : i32
        %mul3A_28 = arith.muli %arg1, %mul3A_27 : i32
        %mul3A_29 = arith.constant 128 : i32
        %mul3A_30 = arith.muli %add3A_26, %mul3A_29 : i32
        %add3A_31 = arith.addi %mul3A_28, %mul3A_30 : i32
        "tpu.region"() ({
          %run_scoped3A = tpu.sem_alloc : memref<!tpu.dma_semaphore, #tpu.memory_space<semaphore_mem>>
          %dma_start3A = arith.constant 0 : i32
          %dma_start3A_32 = tpu.memref_slice %arg9[%add3A_31, %dma_start3A] : memref<10240x128xf32, #tpu.memory_space<vmem_shared>> -> memref<128x128xf32, #tpu.memory_space<vmem_shared>>
          %dma_start3A_33 = arith.constant 0 : i32
          %dma_start3A_34 = tpu.memref_slice %arg9[%add3A_31, %dma_start3A_33] : memref<10240x128xf32, #tpu.memory_space<vmem_shared>> -> memref<128x128xf32, #tpu.memory_space<vmem_shared>>
          tpu.enqueue_dma source(%dma_start3A_34 : memref<128x128xf32, #tpu.memory_space<vmem_shared>>) target(%arg10 : memref<128x128xf32, #tpu.memory_space<vmem>>) target_semaphore(%run_scoped3A : memref<!tpu.dma_semaphore, #tpu.memory_space<semaphore_mem>>)
          %dma_wait3A = arith.constant 0 : i32
          %dma_wait3A_35 = tpu.memref_slice %arg9[%add3A_31, %dma_wait3A] : memref<10240x128xf32, #tpu.memory_space<vmem_shared>> -> memref<128x128xf32, #tpu.memory_space<vmem_shared>>
          %dma_wait3A_36 = arith.constant 0 : i32
          %dma_wait3A_37 = tpu.memref_slice %arg9[%add3A_31, %dma_wait3A_36] : memref<10240x128xf32, #tpu.memory_space<vmem_shared>> -> memref<128x128xf32, #tpu.memory_space<vmem_shared>>
          tpu.wait_dma2 semaphore(%run_scoped3A : memref<!tpu.dma_semaphore, #tpu.memory_space<semaphore_mem>>) src(%dma_wait3A_37 : memref<128x128xf32, #tpu.memory_space<vmem_shared>>) dst(%arg10 : memref<128x128xf32, #tpu.memory_space<vmem>>)
          tpu.yield
        }) : () -> ()
        "tpu.region"() ({
          %run_scoped3A = tpu.sem_alloc : memref<!tpu.dma_semaphore, #tpu.memory_space<semaphore_mem>>
          %dma_start3A = arith.constant 0 : i32
          %dma_start3A_32 = tpu.memref_slice %arg7[%add3A_31, %dma_start3A] : memref<10240x128xf32, #tpu.memory_space<hbm>> -> memref<128x128xf32, #tpu.memory_space<hbm>>
          %dma_start3A_33 = arith.constant 0 : i32
          %dma_start3A_34 = tpu.memref_slice %arg7[%add3A_31, %dma_start3A_33] : memref<10240x128xf32, #tpu.memory_space<hbm>> -> memref<128x128xf32, #tpu.memory_space<hbm>>
          tpu.enqueue_dma source(%arg10 : memref<128x128xf32, #tpu.memory_space<vmem>>) target(%dma_start3A_34 : memref<128x128xf32, #tpu.memory_space<hbm>>) target_semaphore(%run_scoped3A : memref<!tpu.dma_semaphore, #tpu.memory_space<semaphore_mem>>)
          %dma_wait3A = arith.constant 0 : i32
          %dma_wait3A_35 = tpu.memref_slice %arg7[%add3A_31, %dma_wait3A] : memref<10240x128xf32, #tpu.memory_space<hbm>> -> memref<128x128xf32, #tpu.memory_space<hbm>>
          %dma_wait3A_36 = arith.constant 0 : i32
          %dma_wait3A_37 = tpu.memref_slice %arg7[%add3A_31, %dma_wait3A_36] : memref<10240x128xf32, #tpu.memory_space<hbm>> -> memref<128x128xf32, #tpu.memory_space<hbm>>
          tpu.wait_dma2 semaphore(%run_scoped3A : memref<!tpu.dma_semaphore, #tpu.memory_space<semaphore_mem>>) src(%arg10 : memref<128x128xf32, #tpu.memory_space<vmem>>) dst(%dma_wait3A_37 : memref<128x128xf32, #tpu.memory_space<hbm>>)
          tpu.yield
        }) : () -> ()
      }
      %scan3A_22 = arith.constant 5 : i32
    } else {
    }
    %eq3A_3 = arith.constant 1 : i32
    %eq3A_4 = arith.cmpi eq, %arg0, %eq3A_3 : i32
    %convert_element_type3A_5 = arith.extui %eq3A_4 : i1 to i32
    %cond3A_6 = arith.constant 0 : i32
    %cond3A_7 = arith.cmpi ne, %convert_element_type3A_5, %cond3A_6 : i32
    scf.if %cond3A_7 {
      %scan3A = arith.constant 0 : i32
      %scan3A_8 = arith.constant 5 : i32
      %scan3A_9 = arith.addi %scan3A, %scan3A_8 : i32
      %scan3A_10 = arith.constant 1 : i32
      scf.for %scan3A_23 = %scan3A to %scan3A_9 step %scan3A_10  : i32 {
        %mul3A_24 = arith.constant 1 : i32
        %mul3A_25 = arith.muli %scan3A_23, %mul3A_24 : i32
        %add3A = arith.constant 0 : i32
        %add3A_26 = arith.addi %add3A, %mul3A_25 : i32
        %mul3A_27 = arith.constant 640 : i32
        %mul3A_28 = arith.muli %arg1, %mul3A_27 : i32
        %mul3A_29 = arith.constant 128 : i32
        %mul3A_30 = arith.muli %add3A_26, %mul3A_29 : i32
        %add3A_31 = arith.addi %mul3A_28, %mul3A_30 : i32
        "tpu.region"() ({
          %run_scoped3A = tpu.sem_alloc : memref<!tpu.dma_semaphore, #tpu.memory_space<semaphore_mem>>
          %dma_start3A = arith.constant 0 : i32
          %dma_start3A_32 = tpu.memref_slice %arg6[%add3A_31, %dma_start3A] : memref<10240x128xf32, #tpu.memory_space<hbm>> -> memref<128x128xf32, #tpu.memory_space<hbm>>
          %dma_start3A_33 = arith.constant 0 : i32
          %dma_start3A_34 = tpu.memref_slice %arg6[%add3A_31, %dma_start3A_33] : memref<10240x128xf32, #tpu.memory_space<hbm>> -> memref<128x128xf32, #tpu.memory_space<hbm>>
          tpu.enqueue_dma source(%dma_start3A_34 : memref<128x128xf32, #tpu.memory_space<hbm>>) target(%arg10 : memref<128x128xf32, #tpu.memory_space<vmem>>) target_semaphore(%run_scoped3A : memref<!tpu.dma_semaphore, #tpu.memory_space<semaphore_mem>>)
          %dma_wait3A = arith.constant 0 : i32
          %dma_wait3A_35 = tpu.memref_slice %arg6[%add3A_31, %dma_wait3A] : memref<10240x128xf32, #tpu.memory_space<hbm>> -> memref<128x128xf32, #tpu.memory_space<hbm>>
          %dma_wait3A_36 = arith.constant 0 : i32
          %dma_wait3A_37 = tpu.memref_slice %arg6[%add3A_31, %dma_wait3A_36] : memref<10240x128xf32, #tpu.memory_space<hbm>> -> memref<128x128xf32, #tpu.memory_space<hbm>>
          tpu.wait_dma2 semaphore(%run_scoped3A : memref<!tpu.dma_semaphore, #tpu.memory_space<semaphore_mem>>) src(%dma_wait3A_37 : memref<128x128xf32, #tpu.memory_space<hbm>>) dst(%arg10 : memref<128x128xf32, #tpu.memory_space<vmem>>)
          tpu.yield
        }) : () -> ()
        "tpu.region"() ({
          %run_scoped3A = tpu.sem_alloc : memref<!tpu.dma_semaphore, #tpu.memory_space<semaphore_mem>>
          %dma_start3A = arith.constant 0 : i32
          %dma_start3A_32 = tpu.memref_slice %arg9[%add3A_31, %dma_start3A] : memref<10240x128xf32, #tpu.memory_space<vmem_shared>> -> memref<128x128xf32, #tpu.memory_space<vmem_shared>>
          %dma_start3A_33 = arith.constant 0 : i32
          %dma_start3A_34 = tpu.memref_slice %arg9[%add3A_31, %dma_start3A_33] : memref<10240x128xf32, #tpu.memory_space<vmem_shared>> -> memref<128x128xf32, #tpu.memory_space<vmem_shared>>
          tpu.enqueue_dma source(%arg10 : memref<128x128xf32, #tpu.memory_space<vmem>>) target(%dma_start3A_34 : memref<128x128xf32, #tpu.memory_space<vmem_shared>>) target_semaphore(%run_scoped3A : memref<!tpu.dma_semaphore, #tpu.memory_space<semaphore_mem>>)
          %dma_wait3A = arith.constant 0 : i32
          %dma_wait3A_35 = tpu.memref_slice %arg9[%add3A_31, %dma_wait3A] : memref<10240x128xf32, #tpu.memory_space<vmem_shared>> -> memref<128x128xf32, #tpu.memory_space<vmem_shared>>
          %dma_wait3A_36 = arith.constant 0 : i32
          %dma_wait3A_37 = tpu.memref_slice %arg9[%add3A_31, %dma_wait3A_36] : memref<10240x128xf32, #tpu.memory_space<vmem_shared>> -> memref<128x128xf32, #tpu.memory_space<vmem_shared>>
          tpu.wait_dma2 semaphore(%run_scoped3A : memref<!tpu.dma_semaphore, #tpu.memory_space<semaphore_mem>>) src(%arg10 : memref<128x128xf32, #tpu.memory_space<vmem>>) dst(%dma_wait3A_37 : memref<128x128xf32, #tpu.memory_space<vmem_shared>>)
          tpu.yield
        }) : () -> ()
      }
      %scan3A_11 = arith.constant 5 : i32
      %barrier3A = arith.constant 0 : index
      tpu.barrier barrier_id(%barrier3A)
      %scan3A_12 = arith.constant 0 : i32
      %scan3A_13 = arith.constant 10 : i32
      %scan3A_14 = arith.addi %scan3A_12, %scan3A_13 : i32
      %scan3A_15 = arith.constant 1 : i32
      scf.for %scan3A_23 = %scan3A_12 to %scan3A_14 step %scan3A_15  : i32 {
        %mul3A_24 = arith.constant 1 : i32
        %mul3A_25 = arith.muli %scan3A_23, %mul3A_24 : i32
        %add3A = arith.constant 0 : i32
        %add3A_26 = arith.addi %add3A, %mul3A_25 : i32
        %mul3A_27 = arith.constant 16 : i32
        %mul3A_28 = arith.muli %add3A_26, %mul3A_27 : i32
        %add3A_29 = arith.addi %mul3A_0, %mul3A_28 : i32
        "tpu.region"() ({
          %run_scoped3A = tpu.sem_alloc : memref<!tpu.dma_semaphore, #tpu.memory_space<semaphore_mem>>
          %dma_start3A = arith.constant 0 : i32
          %dma_start3A_35 = tpu.memref_slice %arg4[%add3A_29, %dma_start3A] : memref<2560x128xi32, #tpu.memory_space<hbm>> -> memref<16x128xi32, #tpu.memory_space<hbm>>
          %dma_start3A_36 = arith.constant 0 : i32
          %dma_start3A_37 = tpu.memref_slice %arg4[%add3A_29, %dma_start3A_36] : memref<2560x128xi32, #tpu.memory_space<hbm>> -> memref<16x128xi32, #tpu.memory_space<hbm>>
          tpu.enqueue_dma source(%dma_start3A_37 : memref<16x128xi32, #tpu.memory_space<hbm>>) target(%arg11 : memref<16x128xi32, #tpu.memory_space<vmem>>) target_semaphore(%run_scoped3A : memref<!tpu.dma_semaphore, #tpu.memory_space<semaphore_mem>>)
          %dma_wait3A = arith.constant 0 : i32
          %dma_wait3A_38 = tpu.memref_slice %arg4[%add3A_29, %dma_wait3A] : memref<2560x128xi32, #tpu.memory_space<hbm>> -> memref<16x128xi32, #tpu.memory_space<hbm>>
          %dma_wait3A_39 = arith.constant 0 : i32
          %dma_wait3A_40 = tpu.memref_slice %arg4[%add3A_29, %dma_wait3A_39] : memref<2560x128xi32, #tpu.memory_space<hbm>> -> memref<16x128xi32, #tpu.memory_space<hbm>>
          tpu.wait_dma2 semaphore(%run_scoped3A : memref<!tpu.dma_semaphore, #tpu.memory_space<semaphore_mem>>) src(%dma_wait3A_40 : memref<16x128xi32, #tpu.memory_space<hbm>>) dst(%arg11 : memref<16x128xi32, #tpu.memory_space<vmem>>)
          tpu.yield
        }) : () -> ()
        "tpu.region"() ({
          %run_scoped3A = tpu.sem_alloc : memref<!tpu.dma_semaphore, #tpu.memory_space<semaphore_mem>>
          %dma_start3A = arith.constant 0 : i32
          %dma_start3A_35 = tpu.memref_slice %arg5[%add3A_29, %dma_start3A] : memref<2560x128xi32, #tpu.memory_space<hbm>> -> memref<16x128xi32, #tpu.memory_space<hbm>>
          %dma_start3A_36 = arith.constant 0 : i32
          %dma_start3A_37 = tpu.memref_slice %arg5[%add3A_29, %dma_start3A_36] : memref<2560x128xi32, #tpu.memory_space<hbm>> -> memref<16x128xi32, #tpu.memory_space<hbm>>
          tpu.enqueue_dma source(%dma_start3A_37 : memref<16x128xi32, #tpu.memory_space<hbm>>) target(%arg12 : memref<16x128xi32, #tpu.memory_space<vmem>>) target_semaphore(%run_scoped3A : memref<!tpu.dma_semaphore, #tpu.memory_space<semaphore_mem>>)
          %dma_wait3A = arith.constant 0 : i32
          %dma_wait3A_38 = tpu.memref_slice %arg5[%add3A_29, %dma_wait3A] : memref<2560x128xi32, #tpu.memory_space<hbm>> -> memref<16x128xi32, #tpu.memory_space<hbm>>
          %dma_wait3A_39 = arith.constant 0 : i32
          %dma_wait3A_40 = tpu.memref_slice %arg5[%add3A_29, %dma_wait3A_39] : memref<2560x128xi32, #tpu.memory_space<hbm>> -> memref<16x128xi32, #tpu.memory_space<hbm>>
          tpu.wait_dma2 semaphore(%run_scoped3A : memref<!tpu.dma_semaphore, #tpu.memory_space<semaphore_mem>>) src(%dma_wait3A_40 : memref<16x128xi32, #tpu.memory_space<hbm>>) dst(%arg12 : memref<16x128xi32, #tpu.memory_space<vmem>>)
          tpu.yield
        }) : () -> ()
        %scan3A_30 = arith.constant 0 : i32
        %scan3A_31 = arith.constant 16 : i32
        %scan3A_32 = arith.addi %scan3A_30, %scan3A_31 : i32
        %scan3A_33 = arith.constant 1 : i32
        scf.for %scan3A_35 = %scan3A_30 to %scan3A_32 step %scan3A_33  : i32 {
          %mul3A_36 = arith.constant 1 : i32
          %mul3A_37 = arith.muli %scan3A_35, %mul3A_36 : i32
          %add3A_38 = arith.constant 0 : i32
          %add3A_39 = arith.addi %add3A_38, %mul3A_37 : i32
          %dma_start3A = arith.constant 0 : i32
          %dma_start3A_40 = tpu.memref_slice %arg11[%add3A_39, %dma_start3A] : memref<16x128xi32, #tpu.memory_space<vmem>> -> memref<1x128xi32, #tpu.memory_space<vmem>>
          %dma_start3A_41 = tpu.memref_squeeze %dma_start3A_40 : memref<1x128xi32, #tpu.memory_space<vmem>> -> memref<128xi32, #tpu.memory_space<vmem>>
          %dma_start3A_42 = arith.constant 0 : i32
          %dma_start3A_43 = arith.constant 0 : i32
          %dma_start3A_44 = tpu.memref_slice %arg3[%dma_start3A_42, %dma_start3A_43] : memref<10240x128xf32, #tpu.memory_space<hbm>> -> memref<10240x128xf32, #tpu.memory_space<hbm>>
          tpu.enqueue_indirect_dma source(%dma_start3A_44 : memref<10240x128xf32, #tpu.memory_space<hbm>>) target(%arg10 : memref<128x128xf32, #tpu.memory_space<vmem>>) offsets(%dma_start3A_41 : memref<128xi32, #tpu.memory_space<vmem>>) semaphore(%arg13 : memref<!tpu.dma_semaphore, #tpu.memory_space<semaphore_mem>>)
          %dma_wait3A = arith.constant 0 : i32
          %dma_wait3A_45 = tpu.memref_slice %arg11[%add3A_39, %dma_wait3A] : memref<16x128xi32, #tpu.memory_space<vmem>> -> memref<1x128xi32, #tpu.memory_space<vmem>>
          %dma_wait3A_46 = tpu.memref_squeeze %dma_wait3A_45 : memref<1x128xi32, #tpu.memory_space<vmem>> -> memref<128xi32, #tpu.memory_space<vmem>>
          %dma_wait3A_47 = arith.constant 0 : i32
          %dma_wait3A_48 = arith.constant 0 : i32
          %dma_wait3A_49 = tpu.memref_slice %arg3[%dma_wait3A_47, %dma_wait3A_48] : memref<10240x128xf32, #tpu.memory_space<hbm>> -> memref<10240x128xf32, #tpu.memory_space<hbm>>
          tpu.wait_indirect_dma semaphore(%arg13 : memref<!tpu.dma_semaphore, #tpu.memory_space<semaphore_mem>>) src(%dma_wait3A_49 : memref<10240x128xf32, #tpu.memory_space<hbm>>) dst(%arg10 : memref<128x128xf32, #tpu.memory_space<vmem>>)
          "tpu.region"() ({
            %run_scoped3A = tpu.sem_alloc : memref<!tpu.dma_semaphore, #tpu.memory_space<semaphore_mem>>
            %dma_start3A_50 = arith.constant 0 : i32
            %dma_start3A_51 = tpu.memref_slice %arg12[%add3A_39, %dma_start3A_50] : memref<16x128xi32, #tpu.memory_space<vmem>> -> memref<1x128xi32, #tpu.memory_space<vmem>>
            %dma_start3A_52 = tpu.memref_squeeze %dma_start3A_51 : memref<1x128xi32, #tpu.memory_space<vmem>> -> memref<128xi32, #tpu.memory_space<vmem>>
            %dma_start3A_53 = arith.constant 0 : i32
            %dma_start3A_54 = arith.constant 0 : i32
            %dma_start3A_55 = tpu.memref_slice %arg9[%dma_start3A_53, %dma_start3A_54] : memref<10240x128xf32, #tpu.memory_space<vmem_shared>> -> memref<10240x128xf32, #tpu.memory_space<vmem_shared>>
            tpu.enqueue_indirect_dma source(%arg10 : memref<128x128xf32, #tpu.memory_space<vmem>>) target(%dma_start3A_55 : memref<10240x128xf32, #tpu.memory_space<vmem_shared>>) offsets(%dma_start3A_52 : memref<128xi32, #tpu.memory_space<vmem>>) semaphore(%run_scoped3A : memref<!tpu.dma_semaphore, #tpu.memory_space<semaphore_mem>>) {add = true}
            %dma_wait3A_56 = arith.constant 0 : i32
            %dma_wait3A_57 = tpu.memref_slice %arg12[%add3A_39, %dma_wait3A_56] : memref<16x128xi32, #tpu.memory_space<vmem>> -> memref<1x128xi32, #tpu.memory_space<vmem>>
            %dma_wait3A_58 = tpu.memref_squeeze %dma_wait3A_57 : memref<1x128xi32, #tpu.memory_space<vmem>> -> memref<128xi32, #tpu.memory_space<vmem>>
            %dma_wait3A_59 = arith.constant 0 : i32
            %dma_wait3A_60 = arith.constant 0 : i32
            %dma_wait3A_61 = tpu.memref_slice %arg9[%dma_wait3A_59, %dma_wait3A_60] : memref<10240x128xf32, #tpu.memory_space<vmem_shared>> -> memref<10240x128xf32, #tpu.memory_space<vmem_shared>>
            tpu.wait_indirect_dma semaphore(%run_scoped3A : memref<!tpu.dma_semaphore, #tpu.memory_space<semaphore_mem>>) src(%arg10 : memref<128x128xf32, #tpu.memory_space<vmem>>) dst(%dma_wait3A_61 : memref<10240x128xf32, #tpu.memory_space<vmem_shared>>)
            tpu.yield
          }) : () -> ()
        }
        %scan3A_34 = arith.constant 16 : i32
      }
      %scan3A_16 = arith.constant 10 : i32
      %barrier3A_17 = arith.constant 0 : index
      tpu.barrier barrier_id(%barrier3A_17)
      %scan3A_18 = arith.constant 0 : i32
      %scan3A_19 = arith.constant 5 : i32
      %scan3A_20 = arith.addi %scan3A_18, %scan3A_19 : i32
      %scan3A_21 = arith.constant 1 : i32
      scf.for %scan3A_23 = %scan3A_18 to %scan3A_20 step %scan3A_21  : i32 {
        %mul3A_24 = arith.constant 1 : i32
        %mul3A_25 = arith.muli %scan3A_23, %mul3A_24 : i32
        %add3A = arith.constant 0 : i32
        %add3A_26 = arith.addi %add3A, %mul3A_25 : i32
        %mul3A_27 = arith.constant 640 : i32
        %mul3A_28 = arith.muli %arg1, %mul3A_27 : i32
        %mul3A_29 = arith.constant 128 : i32
        %mul3A_30 = arith.muli %add3A_26, %mul3A_29 : i32
        %add3A_31 = arith.addi %mul3A_28, %mul3A_30 : i32
        "tpu.region"() ({
          %run_scoped3A = tpu.sem_alloc : memref<!tpu.dma_semaphore, #tpu.memory_space<semaphore_mem>>
          %dma_start3A = arith.constant 0 : i32
          %dma_start3A_32 = tpu.memref_slice %arg9[%add3A_31, %dma_start3A] : memref<10240x128xf32, #tpu.memory_space<vmem_shared>> -> memref<128x128xf32, #tpu.memory_space<vmem_shared>>
          %dma_start3A_33 = arith.constant 0 : i32
          %dma_start3A_34 = tpu.memref_slice %arg9[%add3A_31, %dma_start3A_33] : memref<10240x128xf32, #tpu.memory_space<vmem_shared>> -> memref<128x128xf32, #tpu.memory_space<vmem_shared>>
          tpu.enqueue_dma source(%dma_start3A_34 : memref<128x128xf32, #tpu.memory_space<vmem_shared>>) target(%arg10 : memref<128x128xf32, #tpu.memory_space<vmem>>) target_semaphore(%run_scoped3A : memref<!tpu.dma_semaphore, #tpu.memory_space<semaphore_mem>>)
          %dma_wait3A = arith.constant 0 : i32
          %dma_wait3A_35 = tpu.memref_slice %arg9[%add3A_31, %dma_wait3A] : memref<10240x128xf32, #tpu.memory_space<vmem_shared>> -> memref<128x128xf32, #tpu.memory_space<vmem_shared>>
          %dma_wait3A_36 = arith.constant 0 : i32
          %dma_wait3A_37 = tpu.memref_slice %arg9[%add3A_31, %dma_wait3A_36] : memref<10240x128xf32, #tpu.memory_space<vmem_shared>> -> memref<128x128xf32, #tpu.memory_space<vmem_shared>>
          tpu.wait_dma2 semaphore(%run_scoped3A : memref<!tpu.dma_semaphore, #tpu.memory_space<semaphore_mem>>) src(%dma_wait3A_37 : memref<128x128xf32, #tpu.memory_space<vmem_shared>>) dst(%arg10 : memref<128x128xf32, #tpu.memory_space<vmem>>)
          tpu.yield
        }) : () -> ()
        "tpu.region"() ({
          %run_scoped3A = tpu.sem_alloc : memref<!tpu.dma_semaphore, #tpu.memory_space<semaphore_mem>>
          %dma_start3A = arith.constant 0 : i32
          %dma_start3A_32 = tpu.memref_slice %arg8[%add3A_31, %dma_start3A] : memref<10240x128xf32, #tpu.memory_space<hbm>> -> memref<128x128xf32, #tpu.memory_space<hbm>>
          %dma_start3A_33 = arith.constant 0 : i32
          %dma_start3A_34 = tpu.memref_slice %arg8[%add3A_31, %dma_start3A_33] : memref<10240x128xf32, #tpu.memory_space<hbm>> -> memref<128x128xf32, #tpu.memory_space<hbm>>
          tpu.enqueue_dma source(%arg10 : memref<128x128xf32, #tpu.memory_space<vmem>>) target(%dma_start3A_34 : memref<128x128xf32, #tpu.memory_space<hbm>>) target_semaphore(%run_scoped3A : memref<!tpu.dma_semaphore, #tpu.memory_space<semaphore_mem>>)
          %dma_wait3A = arith.constant 0 : i32
          %dma_wait3A_35 = tpu.memref_slice %arg8[%add3A_31, %dma_wait3A] : memref<10240x128xf32, #tpu.memory_space<hbm>> -> memref<128x128xf32, #tpu.memory_space<hbm>>
          %dma_wait3A_36 = arith.constant 0 : i32
          %dma_wait3A_37 = tpu.memref_slice %arg8[%add3A_31, %dma_wait3A_36] : memref<10240x128xf32, #tpu.memory_space<hbm>> -> memref<128x128xf32, #tpu.memory_space<hbm>>
          tpu.wait_dma2 semaphore(%run_scoped3A : memref<!tpu.dma_semaphore, #tpu.memory_space<semaphore_mem>>) src(%arg10 : memref<128x128xf32, #tpu.memory_space<vmem>>) dst(%dma_wait3A_37 : memref<128x128xf32, #tpu.memory_space<hbm>>)
          tpu.yield
        }) : () -> ()
      }
      %scan3A_22 = arith.constant 5 : i32
    } else {
    }
    return
  }
}

#map = affine_map<(d0, d1) -> (0, 0)>
module attributes {stable_mosaic.version = 14 : i64} {
  func.func @_dec_body(%arg0: i32, %arg1: i32, %arg2: memref<10240x128xf32, #tpu.memory_space<hbm>>, %arg3: memref<320x128xi32, #tpu.memory_space<hbm>>, %arg4: memref<40960x128xf32, #tpu.memory_space<hbm>>, %arg5: memref<128x128xf32, #tpu.memory_space<vmem>>, %arg6: memref<1x128xi32, #tpu.memory_space<vmem>>, %arg7: memref<!tpu.dma_semaphore, #tpu.memory_space<semaphore_mem>>) attributes {dimension_semantics = [#tpu.dimension_semantics<core_parallel>, #tpu.dimension_semantics<subcore_parallel>], iteration_bounds = array<i64: 2, 16>, scalar_prefetch = 0 : i64, scratch_operands = 3 : i64, tpu.core_type = #tpu.core_type<sc_vector_subcore>, window_params = [{transform_indices = #map}, {transform_indices = #map}, {transform_indices = #map}]} {
    %mul3A = arith.constant 2 : i32
    %mul3A_0 = arith.muli %arg1, %mul3A : i32
    %add3A = arith.addi %mul3A_0, %arg0 : i32
    %mul3A_1 = arith.constant 10 : i32
    %mul3A_2 = arith.muli %add3A, %mul3A_1 : i32
    %scan3A = arith.constant 0 : i32
    %scan3A_3 = arith.constant 10 : i32
    %scan3A_4 = arith.addi %scan3A, %scan3A_3 : i32
    %scan3A_5 = arith.constant 1 : i32
    scf.for %scan3A_7 = %scan3A to %scan3A_4 step %scan3A_5  : i32 {
      %mul3A_8 = arith.constant 1 : i32
      %mul3A_9 = arith.muli %scan3A_7, %mul3A_8 : i32
      %add3A_10 = arith.constant 0 : i32
      %add3A_11 = arith.addi %add3A_10, %mul3A_9 : i32
      %add3A_12 = arith.addi %mul3A_2, %add3A_11 : i32
      %run_scoped3A = arith.constant 0 : i32
      "tpu.region"() ({
        %run_scoped3A_27 = tpu.sem_alloc : memref<!tpu.dma_semaphore, #tpu.memory_space<semaphore_mem>>
        %dma_start3A_28 = arith.constant 0 : i32
        %dma_start3A_29 = tpu.memref_slice %arg6[%run_scoped3A, %dma_start3A_28] : memref<1x128xi32, #tpu.memory_space<vmem>> -> memref<1x128xi32, #tpu.memory_space<vmem>>
        %dma_start3A_30 = tpu.memref_squeeze %dma_start3A_29 : memref<1x128xi32, #tpu.memory_space<vmem>> -> memref<128xi32, #tpu.memory_space<vmem>>
        %dma_start3A_31 = arith.constant 0 : i32
        %dma_start3A_32 = tpu.memref_slice %arg3[%add3A_12, %dma_start3A_31] : memref<320x128xi32, #tpu.memory_space<hbm>> -> memref<1x128xi32, #tpu.memory_space<hbm>>
        %dma_start3A_33 = tpu.memref_squeeze %dma_start3A_32 : memref<1x128xi32, #tpu.memory_space<hbm>> -> memref<128xi32, #tpu.memory_space<hbm>>
        %dma_start3A_34 = arith.constant 0 : i32
        %dma_start3A_35 = tpu.memref_slice %arg6[%run_scoped3A, %dma_start3A_34] : memref<1x128xi32, #tpu.memory_space<vmem>> -> memref<1x128xi32, #tpu.memory_space<vmem>>
        %dma_start3A_36 = tpu.memref_squeeze %dma_start3A_35 : memref<1x128xi32, #tpu.memory_space<vmem>> -> memref<128xi32, #tpu.memory_space<vmem>>
        %dma_start3A_37 = arith.constant 0 : i32
        %dma_start3A_38 = tpu.memref_slice %arg3[%add3A_12, %dma_start3A_37] : memref<320x128xi32, #tpu.memory_space<hbm>> -> memref<1x128xi32, #tpu.memory_space<hbm>>
        %dma_start3A_39 = tpu.memref_squeeze %dma_start3A_38 : memref<1x128xi32, #tpu.memory_space<hbm>> -> memref<128xi32, #tpu.memory_space<hbm>>
        tpu.enqueue_dma source(%dma_start3A_39 : memref<128xi32, #tpu.memory_space<hbm>>) target(%dma_start3A_36 : memref<128xi32, #tpu.memory_space<vmem>>) target_semaphore(%run_scoped3A_27 : memref<!tpu.dma_semaphore, #tpu.memory_space<semaphore_mem>>)
        %dma_wait3A_40 = arith.constant 0 : i32
        %dma_wait3A_41 = tpu.memref_slice %arg6[%run_scoped3A, %dma_wait3A_40] : memref<1x128xi32, #tpu.memory_space<vmem>> -> memref<1x128xi32, #tpu.memory_space<vmem>>
        %dma_wait3A_42 = tpu.memref_squeeze %dma_wait3A_41 : memref<1x128xi32, #tpu.memory_space<vmem>> -> memref<128xi32, #tpu.memory_space<vmem>>
        %dma_wait3A_43 = arith.constant 0 : i32
        %dma_wait3A_44 = tpu.memref_slice %arg3[%add3A_12, %dma_wait3A_43] : memref<320x128xi32, #tpu.memory_space<hbm>> -> memref<1x128xi32, #tpu.memory_space<hbm>>
        %dma_wait3A_45 = tpu.memref_squeeze %dma_wait3A_44 : memref<1x128xi32, #tpu.memory_space<hbm>> -> memref<128xi32, #tpu.memory_space<hbm>>
        %dma_wait3A_46 = arith.constant 0 : i32
        %dma_wait3A_47 = tpu.memref_slice %arg6[%run_scoped3A, %dma_wait3A_46] : memref<1x128xi32, #tpu.memory_space<vmem>> -> memref<1x128xi32, #tpu.memory_space<vmem>>
        %dma_wait3A_48 = tpu.memref_squeeze %dma_wait3A_47 : memref<1x128xi32, #tpu.memory_space<vmem>> -> memref<128xi32, #tpu.memory_space<vmem>>
        %dma_wait3A_49 = arith.constant 0 : i32
        %dma_wait3A_50 = tpu.memref_slice %arg3[%add3A_12, %dma_wait3A_49] : memref<320x128xi32, #tpu.memory_space<hbm>> -> memref<1x128xi32, #tpu.memory_space<hbm>>
        %dma_wait3A_51 = tpu.memref_squeeze %dma_wait3A_50 : memref<1x128xi32, #tpu.memory_space<hbm>> -> memref<128xi32, #tpu.memory_space<hbm>>
        tpu.wait_dma2 semaphore(%run_scoped3A_27 : memref<!tpu.dma_semaphore, #tpu.memory_space<semaphore_mem>>) src(%dma_wait3A_51 : memref<128xi32, #tpu.memory_space<hbm>>) dst(%dma_wait3A_48 : memref<128xi32, #tpu.memory_space<vmem>>)
        tpu.yield
      }) : () -> ()
      %dma_start3A = arith.constant 0 : i32
      %dma_start3A_13 = arith.constant 0 : i32
      %dma_start3A_14 = tpu.memref_slice %arg6[%dma_start3A, %dma_start3A_13] : memref<1x128xi32, #tpu.memory_space<vmem>> -> memref<1x128xi32, #tpu.memory_space<vmem>>
      %dma_start3A_15 = tpu.memref_squeeze %dma_start3A_14 : memref<1x128xi32, #tpu.memory_space<vmem>> -> memref<128xi32, #tpu.memory_space<vmem>>
      %dma_start3A_16 = arith.constant 0 : i32
      %dma_start3A_17 = arith.constant 0 : i32
      %dma_start3A_18 = tpu.memref_slice %arg2[%dma_start3A_16, %dma_start3A_17] : memref<10240x128xf32, #tpu.memory_space<hbm>> -> memref<10240x128xf32, #tpu.memory_space<hbm>>
      tpu.enqueue_indirect_dma source(%dma_start3A_18 : memref<10240x128xf32, #tpu.memory_space<hbm>>) target(%arg5 : memref<128x128xf32, #tpu.memory_space<vmem>>) offsets(%dma_start3A_15 : memref<128xi32, #tpu.memory_space<vmem>>) semaphore(%arg7 : memref<!tpu.dma_semaphore, #tpu.memory_space<semaphore_mem>>)
      %dma_wait3A = arith.constant 0 : i32
      %dma_wait3A_19 = arith.constant 0 : i32
      %dma_wait3A_20 = tpu.memref_slice %arg6[%dma_wait3A, %dma_wait3A_19] : memref<1x128xi32, #tpu.memory_space<vmem>> -> memref<1x128xi32, #tpu.memory_space<vmem>>
      %dma_wait3A_21 = tpu.memref_squeeze %dma_wait3A_20 : memref<1x128xi32, #tpu.memory_space<vmem>> -> memref<128xi32, #tpu.memory_space<vmem>>
      %dma_wait3A_22 = arith.constant 0 : i32
      %dma_wait3A_23 = arith.constant 0 : i32
      %dma_wait3A_24 = tpu.memref_slice %arg2[%dma_wait3A_22, %dma_wait3A_23] : memref<10240x128xf32, #tpu.memory_space<hbm>> -> memref<10240x128xf32, #tpu.memory_space<hbm>>
      tpu.wait_indirect_dma semaphore(%arg7 : memref<!tpu.dma_semaphore, #tpu.memory_space<semaphore_mem>>) src(%dma_wait3A_24 : memref<10240x128xf32, #tpu.memory_space<hbm>>) dst(%arg5 : memref<128x128xf32, #tpu.memory_space<vmem>>)
      %mul3A_25 = arith.constant 128 : i32
      %mul3A_26 = arith.muli %add3A_12, %mul3A_25 : i32
      "tpu.region"() ({
        %run_scoped3A_27 = tpu.sem_alloc : memref<!tpu.dma_semaphore, #tpu.memory_space<semaphore_mem>>
        %dma_start3A_28 = arith.constant 0 : i32
        %dma_start3A_29 = tpu.memref_slice %arg4[%mul3A_26, %dma_start3A_28] : memref<40960x128xf32, #tpu.memory_space<hbm>> -> memref<128x128xf32, #tpu.memory_space<hbm>>
        %dma_start3A_30 = arith.constant 0 : i32
        %dma_start3A_31 = tpu.memref_slice %arg4[%mul3A_26, %dma_start3A_30] : memref<40960x128xf32, #tpu.memory_space<hbm>> -> memref<128x128xf32, #tpu.memory_space<hbm>>
        tpu.enqueue_dma source(%arg5 : memref<128x128xf32, #tpu.memory_space<vmem>>) target(%dma_start3A_31 : memref<128x128xf32, #tpu.memory_space<hbm>>) target_semaphore(%run_scoped3A_27 : memref<!tpu.dma_semaphore, #tpu.memory_space<semaphore_mem>>)
        %dma_wait3A_32 = arith.constant 0 : i32
        %dma_wait3A_33 = tpu.memref_slice %arg4[%mul3A_26, %dma_wait3A_32] : memref<40960x128xf32, #tpu.memory_space<hbm>> -> memref<128x128xf32, #tpu.memory_space<hbm>>
        %dma_wait3A_34 = arith.constant 0 : i32
        %dma_wait3A_35 = tpu.memref_slice %arg4[%mul3A_26, %dma_wait3A_34] : memref<40960x128xf32, #tpu.memory_space<hbm>> -> memref<128x128xf32, #tpu.memory_space<hbm>>
        tpu.wait_dma2 semaphore(%run_scoped3A_27 : memref<!tpu.dma_semaphore, #tpu.memory_space<semaphore_mem>>) src(%arg5 : memref<128x128xf32, #tpu.memory_space<vmem>>) dst(%dma_wait3A_35 : memref<128x128xf32, #tpu.memory_space<hbm>>)
        tpu.yield
      }) : () -> ()
    }
    %scan3A_6 = arith.constant 10 : i32
    return
  }
}

#map = affine_map<(d0, d1) -> (0, 0)>
#map1 = affine_map<(d0, d1) -> (0, 0, 0)>
module attributes {stable_mosaic.version = 14 : i64} {
  func.func @_agg2_body(%arg0: i32, %arg1: i32, %arg2: memref<10240x128xf32, #tpu.memory_space<hbm>>, %arg3: memref<2560x128xi32, #tpu.memory_space<hbm>>, %arg4: memref<2560x128xi32, #tpu.memory_space<hbm>>, %arg5: memref<10240x128xf32, #tpu.memory_space<hbm>>, %arg6: memref<2x10240x128xf32, #tpu.memory_space<hbm>>, %arg7: memref<10240x128xf32, #tpu.memory_space<vmem_shared>>, %arg8: memref<128x128xf32, #tpu.memory_space<vmem>>, %arg9: memref<16x128xi32, #tpu.memory_space<vmem>>, %arg10: memref<16x128xi32, #tpu.memory_space<vmem>>, %arg11: memref<!tpu.dma_semaphore, #tpu.memory_space<semaphore_mem>>) attributes {dimension_semantics = [#tpu.dimension_semantics<core_parallel>, #tpu.dimension_semantics<subcore_parallel>], iteration_bounds = array<i64: 2, 16>, scalar_prefetch = 0 : i64, scratch_operands = 5 : i64, tpu.core_type = #tpu.core_type<sc_vector_subcore>, window_params = [{transform_indices = #map}, {transform_indices = #map}, {transform_indices = #map}, {transform_indices = #map}, {transform_indices = #map1}]} {
    %mul3A = arith.constant 2 : i32
    %mul3A_0 = arith.muli %arg1, %mul3A : i32
    %add3A = arith.addi %mul3A_0, %arg0 : i32
    %mul3A_1 = arith.constant 80 : i32
    %mul3A_2 = arith.muli %add3A, %mul3A_1 : i32
    %scan3A = arith.constant 0 : i32
    %scan3A_3 = arith.constant 5 : i32
    %scan3A_4 = arith.addi %scan3A, %scan3A_3 : i32
    %scan3A_5 = arith.constant 1 : i32
    scf.for %scan3A_18 = %scan3A to %scan3A_4 step %scan3A_5  : i32 {
      %mul3A_19 = arith.constant 1 : i32
      %mul3A_20 = arith.muli %scan3A_18, %mul3A_19 : i32
      %add3A_21 = arith.constant 0 : i32
      %add3A_22 = arith.addi %add3A_21, %mul3A_20 : i32
      %mul3A_23 = arith.constant 640 : i32
      %mul3A_24 = arith.muli %arg1, %mul3A_23 : i32
      %mul3A_25 = arith.constant 128 : i32
      %mul3A_26 = arith.muli %add3A_22, %mul3A_25 : i32
      %add3A_27 = arith.addi %mul3A_24, %mul3A_26 : i32
      "tpu.region"() ({
        %run_scoped3A = tpu.sem_alloc : memref<!tpu.dma_semaphore, #tpu.memory_space<semaphore_mem>>
        %dma_start3A = arith.constant 0 : i32
        %dma_start3A_28 = tpu.memref_slice %arg5[%add3A_27, %dma_start3A] : memref<10240x128xf32, #tpu.memory_space<hbm>> -> memref<128x128xf32, #tpu.memory_space<hbm>>
        %dma_start3A_29 = arith.constant 0 : i32
        %dma_start3A_30 = tpu.memref_slice %arg5[%add3A_27, %dma_start3A_29] : memref<10240x128xf32, #tpu.memory_space<hbm>> -> memref<128x128xf32, #tpu.memory_space<hbm>>
        tpu.enqueue_dma source(%dma_start3A_30 : memref<128x128xf32, #tpu.memory_space<hbm>>) target(%arg8 : memref<128x128xf32, #tpu.memory_space<vmem>>) target_semaphore(%run_scoped3A : memref<!tpu.dma_semaphore, #tpu.memory_space<semaphore_mem>>)
        %dma_wait3A = arith.constant 0 : i32
        %dma_wait3A_31 = tpu.memref_slice %arg5[%add3A_27, %dma_wait3A] : memref<10240x128xf32, #tpu.memory_space<hbm>> -> memref<128x128xf32, #tpu.memory_space<hbm>>
        %dma_wait3A_32 = arith.constant 0 : i32
        %dma_wait3A_33 = tpu.memref_slice %arg5[%add3A_27, %dma_wait3A_32] : memref<10240x128xf32, #tpu.memory_space<hbm>> -> memref<128x128xf32, #tpu.memory_space<hbm>>
        tpu.wait_dma2 semaphore(%run_scoped3A : memref<!tpu.dma_semaphore, #tpu.memory_space<semaphore_mem>>) src(%dma_wait3A_33 : memref<128x128xf32, #tpu.memory_space<hbm>>) dst(%arg8 : memref<128x128xf32, #tpu.memory_space<vmem>>)
        tpu.yield
      }) : () -> ()
      "tpu.region"() ({
        %run_scoped3A = tpu.sem_alloc : memref<!tpu.dma_semaphore, #tpu.memory_space<semaphore_mem>>
        %dma_start3A = arith.constant 0 : i32
        %dma_start3A_28 = tpu.memref_slice %arg7[%add3A_27, %dma_start3A] : memref<10240x128xf32, #tpu.memory_space<vmem_shared>> -> memref<128x128xf32, #tpu.memory_space<vmem_shared>>
        %dma_start3A_29 = arith.constant 0 : i32
        %dma_start3A_30 = tpu.memref_slice %arg7[%add3A_27, %dma_start3A_29] : memref<10240x128xf32, #tpu.memory_space<vmem_shared>> -> memref<128x128xf32, #tpu.memory_space<vmem_shared>>
        tpu.enqueue_dma source(%arg8 : memref<128x128xf32, #tpu.memory_space<vmem>>) target(%dma_start3A_30 : memref<128x128xf32, #tpu.memory_space<vmem_shared>>) target_semaphore(%run_scoped3A : memref<!tpu.dma_semaphore, #tpu.memory_space<semaphore_mem>>)
        %dma_wait3A = arith.constant 0 : i32
        %dma_wait3A_31 = tpu.memref_slice %arg7[%add3A_27, %dma_wait3A] : memref<10240x128xf32, #tpu.memory_space<vmem_shared>> -> memref<128x128xf32, #tpu.memory_space<vmem_shared>>
        %dma_wait3A_32 = arith.constant 0 : i32
        %dma_wait3A_33 = tpu.memref_slice %arg7[%add3A_27, %dma_wait3A_32] : memref<10240x128xf32, #tpu.memory_space<vmem_shared>> -> memref<128x128xf32, #tpu.memory_space<vmem_shared>>
        tpu.wait_dma2 semaphore(%run_scoped3A : memref<!tpu.dma_semaphore, #tpu.memory_space<semaphore_mem>>) src(%arg8 : memref<128x128xf32, #tpu.memory_space<vmem>>) dst(%dma_wait3A_33 : memref<128x128xf32, #tpu.memory_space<vmem_shared>>)
        tpu.yield
      }) : () -> ()
    }
    %scan3A_6 = arith.constant 5 : i32
    %barrier3A = arith.constant 0 : index
    tpu.barrier barrier_id(%barrier3A)
    %scan3A_7 = arith.constant 0 : i32
    %scan3A_8 = arith.constant 5 : i32
    %scan3A_9 = arith.addi %scan3A_7, %scan3A_8 : i32
    %scan3A_10 = arith.constant 1 : i32
    scf.for %scan3A_18 = %scan3A_7 to %scan3A_9 step %scan3A_10  : i32 {
      %mul3A_19 = arith.constant 1 : i32
      %mul3A_20 = arith.muli %scan3A_18, %mul3A_19 : i32
      %add3A_21 = arith.constant 0 : i32
      %add3A_22 = arith.addi %add3A_21, %mul3A_20 : i32
      %mul3A_23 = arith.constant 16 : i32
      %mul3A_24 = arith.muli %add3A_22, %mul3A_23 : i32
      %add3A_25 = arith.addi %mul3A_2, %mul3A_24 : i32
      "tpu.region"() ({
        %run_scoped3A = tpu.sem_alloc : memref<!tpu.dma_semaphore, #tpu.memory_space<semaphore_mem>>
        %dma_start3A = arith.constant 0 : i32
        %dma_start3A_31 = tpu.memref_slice %arg3[%add3A_25, %dma_start3A] : memref<2560x128xi32, #tpu.memory_space<hbm>> -> memref<16x128xi32, #tpu.memory_space<hbm>>
        %dma_start3A_32 = arith.constant 0 : i32
        %dma_start3A_33 = tpu.memref_slice %arg3[%add3A_25, %dma_start3A_32] : memref<2560x128xi32, #tpu.memory_space<hbm>> -> memref<16x128xi32, #tpu.memory_space<hbm>>
        tpu.enqueue_dma source(%dma_start3A_33 : memref<16x128xi32, #tpu.memory_space<hbm>>) target(%arg9 : memref<16x128xi32, #tpu.memory_space<vmem>>) target_semaphore(%run_scoped3A : memref<!tpu.dma_semaphore, #tpu.memory_space<semaphore_mem>>)
        %dma_wait3A = arith.constant 0 : i32
        %dma_wait3A_34 = tpu.memref_slice %arg3[%add3A_25, %dma_wait3A] : memref<2560x128xi32, #tpu.memory_space<hbm>> -> memref<16x128xi32, #tpu.memory_space<hbm>>
        %dma_wait3A_35 = arith.constant 0 : i32
        %dma_wait3A_36 = tpu.memref_slice %arg3[%add3A_25, %dma_wait3A_35] : memref<2560x128xi32, #tpu.memory_space<hbm>> -> memref<16x128xi32, #tpu.memory_space<hbm>>
        tpu.wait_dma2 semaphore(%run_scoped3A : memref<!tpu.dma_semaphore, #tpu.memory_space<semaphore_mem>>) src(%dma_wait3A_36 : memref<16x128xi32, #tpu.memory_space<hbm>>) dst(%arg9 : memref<16x128xi32, #tpu.memory_space<vmem>>)
        tpu.yield
      }) : () -> ()
      "tpu.region"() ({
        %run_scoped3A = tpu.sem_alloc : memref<!tpu.dma_semaphore, #tpu.memory_space<semaphore_mem>>
        %dma_start3A = arith.constant 0 : i32
        %dma_start3A_31 = tpu.memref_slice %arg4[%add3A_25, %dma_start3A] : memref<2560x128xi32, #tpu.memory_space<hbm>> -> memref<16x128xi32, #tpu.memory_space<hbm>>
        %dma_start3A_32 = arith.constant 0 : i32
        %dma_start3A_33 = tpu.memref_slice %arg4[%add3A_25, %dma_start3A_32] : memref<2560x128xi32, #tpu.memory_space<hbm>> -> memref<16x128xi32, #tpu.memory_space<hbm>>
        tpu.enqueue_dma source(%dma_start3A_33 : memref<16x128xi32, #tpu.memory_space<hbm>>) target(%arg10 : memref<16x128xi32, #tpu.memory_space<vmem>>) target_semaphore(%run_scoped3A : memref<!tpu.dma_semaphore, #tpu.memory_space<semaphore_mem>>)
        %dma_wait3A = arith.constant 0 : i32
        %dma_wait3A_34 = tpu.memref_slice %arg4[%add3A_25, %dma_wait3A] : memref<2560x128xi32, #tpu.memory_space<hbm>> -> memref<16x128xi32, #tpu.memory_space<hbm>>
        %dma_wait3A_35 = arith.constant 0 : i32
        %dma_wait3A_36 = tpu.memref_slice %arg4[%add3A_25, %dma_wait3A_35] : memref<2560x128xi32, #tpu.memory_space<hbm>> -> memref<16x128xi32, #tpu.memory_space<hbm>>
        tpu.wait_dma2 semaphore(%run_scoped3A : memref<!tpu.dma_semaphore, #tpu.memory_space<semaphore_mem>>) src(%dma_wait3A_36 : memref<16x128xi32, #tpu.memory_space<hbm>>) dst(%arg10 : memref<16x128xi32, #tpu.memory_space<vmem>>)
        tpu.yield
      }) : () -> ()
      %scan3A_26 = arith.constant 0 : i32
      %scan3A_27 = arith.constant 16 : i32
      %scan3A_28 = arith.addi %scan3A_26, %scan3A_27 : i32
      %scan3A_29 = arith.constant 1 : i32
      scf.for %scan3A_31 = %scan3A_26 to %scan3A_28 step %scan3A_29  : i32 {
        %mul3A_32 = arith.constant 1 : i32
        %mul3A_33 = arith.muli %scan3A_31, %mul3A_32 : i32
        %add3A_34 = arith.constant 0 : i32
        %add3A_35 = arith.addi %add3A_34, %mul3A_33 : i32
        %dma_start3A = arith.constant 0 : i32
        %dma_start3A_36 = tpu.memref_slice %arg9[%add3A_35, %dma_start3A] : memref<16x128xi32, #tpu.memory_space<vmem>> -> memref<1x128xi32, #tpu.memory_space<vmem>>
        %dma_start3A_37 = tpu.memref_squeeze %dma_start3A_36 : memref<1x128xi32, #tpu.memory_space<vmem>> -> memref<128xi32, #tpu.memory_space<vmem>>
        %dma_start3A_38 = arith.constant 0 : i32
        %dma_start3A_39 = arith.constant 0 : i32
        %dma_start3A_40 = tpu.memref_slice %arg2[%dma_start3A_38, %dma_start3A_39] : memref<10240x128xf32, #tpu.memory_space<hbm>> -> memref<10240x128xf32, #tpu.memory_space<hbm>>
        tpu.enqueue_indirect_dma source(%dma_start3A_40 : memref<10240x128xf32, #tpu.memory_space<hbm>>) target(%arg8 : memref<128x128xf32, #tpu.memory_space<vmem>>) offsets(%dma_start3A_37 : memref<128xi32, #tpu.memory_space<vmem>>) semaphore(%arg11 : memref<!tpu.dma_semaphore, #tpu.memory_space<semaphore_mem>>)
        %dma_wait3A = arith.constant 0 : i32
        %dma_wait3A_41 = tpu.memref_slice %arg9[%add3A_35, %dma_wait3A] : memref<16x128xi32, #tpu.memory_space<vmem>> -> memref<1x128xi32, #tpu.memory_space<vmem>>
        %dma_wait3A_42 = tpu.memref_squeeze %dma_wait3A_41 : memref<1x128xi32, #tpu.memory_space<vmem>> -> memref<128xi32, #tpu.memory_space<vmem>>
        %dma_wait3A_43 = arith.constant 0 : i32
        %dma_wait3A_44 = arith.constant 0 : i32
        %dma_wait3A_45 = tpu.memref_slice %arg2[%dma_wait3A_43, %dma_wait3A_44] : memref<10240x128xf32, #tpu.memory_space<hbm>> -> memref<10240x128xf32, #tpu.memory_space<hbm>>
        tpu.wait_indirect_dma semaphore(%arg11 : memref<!tpu.dma_semaphore, #tpu.memory_space<semaphore_mem>>) src(%dma_wait3A_45 : memref<10240x128xf32, #tpu.memory_space<hbm>>) dst(%arg8 : memref<128x128xf32, #tpu.memory_space<vmem>>)
        "tpu.region"() ({
          %run_scoped3A = tpu.sem_alloc : memref<!tpu.dma_semaphore, #tpu.memory_space<semaphore_mem>>
          %dma_start3A_46 = arith.constant 0 : i32
          %dma_start3A_47 = tpu.memref_slice %arg10[%add3A_35, %dma_start3A_46] : memref<16x128xi32, #tpu.memory_space<vmem>> -> memref<1x128xi32, #tpu.memory_space<vmem>>
          %dma_start3A_48 = tpu.memref_squeeze %dma_start3A_47 : memref<1x128xi32, #tpu.memory_space<vmem>> -> memref<128xi32, #tpu.memory_space<vmem>>
          %dma_start3A_49 = arith.constant 0 : i32
          %dma_start3A_50 = arith.constant 0 : i32
          %dma_start3A_51 = tpu.memref_slice %arg7[%dma_start3A_49, %dma_start3A_50] : memref<10240x128xf32, #tpu.memory_space<vmem_shared>> -> memref<10240x128xf32, #tpu.memory_space<vmem_shared>>
          tpu.enqueue_indirect_dma source(%arg8 : memref<128x128xf32, #tpu.memory_space<vmem>>) target(%dma_start3A_51 : memref<10240x128xf32, #tpu.memory_space<vmem_shared>>) offsets(%dma_start3A_48 : memref<128xi32, #tpu.memory_space<vmem>>) semaphore(%run_scoped3A : memref<!tpu.dma_semaphore, #tpu.memory_space<semaphore_mem>>) {add = true}
          %dma_wait3A_52 = arith.constant 0 : i32
          %dma_wait3A_53 = tpu.memref_slice %arg10[%add3A_35, %dma_wait3A_52] : memref<16x128xi32, #tpu.memory_space<vmem>> -> memref<1x128xi32, #tpu.memory_space<vmem>>
          %dma_wait3A_54 = tpu.memref_squeeze %dma_wait3A_53 : memref<1x128xi32, #tpu.memory_space<vmem>> -> memref<128xi32, #tpu.memory_space<vmem>>
          %dma_wait3A_55 = arith.constant 0 : i32
          %dma_wait3A_56 = arith.constant 0 : i32
          %dma_wait3A_57 = tpu.memref_slice %arg7[%dma_wait3A_55, %dma_wait3A_56] : memref<10240x128xf32, #tpu.memory_space<vmem_shared>> -> memref<10240x128xf32, #tpu.memory_space<vmem_shared>>
          tpu.wait_indirect_dma semaphore(%run_scoped3A : memref<!tpu.dma_semaphore, #tpu.memory_space<semaphore_mem>>) src(%arg8 : memref<128x128xf32, #tpu.memory_space<vmem>>) dst(%dma_wait3A_57 : memref<10240x128xf32, #tpu.memory_space<vmem_shared>>)
          tpu.yield
        }) : () -> ()
      }
      %scan3A_30 = arith.constant 16 : i32
    }
    %scan3A_11 = arith.constant 5 : i32
    %barrier3A_12 = arith.constant 0 : index
    tpu.barrier barrier_id(%barrier3A_12)
    %scan3A_13 = arith.constant 0 : i32
    %scan3A_14 = arith.constant 5 : i32
    %scan3A_15 = arith.addi %scan3A_13, %scan3A_14 : i32
    %scan3A_16 = arith.constant 1 : i32
    scf.for %scan3A_18 = %scan3A_13 to %scan3A_15 step %scan3A_16  : i32 {
      %mul3A_19 = arith.constant 1 : i32
      %mul3A_20 = arith.muli %scan3A_18, %mul3A_19 : i32
      %add3A_21 = arith.constant 0 : i32
      %add3A_22 = arith.addi %add3A_21, %mul3A_20 : i32
      %mul3A_23 = arith.constant 640 : i32
      %mul3A_24 = arith.muli %arg1, %mul3A_23 : i32
      %mul3A_25 = arith.constant 128 : i32
      %mul3A_26 = arith.muli %add3A_22, %mul3A_25 : i32
      %add3A_27 = arith.addi %mul3A_24, %mul3A_26 : i32
      "tpu.region"() ({
        %run_scoped3A = tpu.sem_alloc : memref<!tpu.dma_semaphore, #tpu.memory_space<semaphore_mem>>
        %dma_start3A = arith.constant 0 : i32
        %dma_start3A_28 = tpu.memref_slice %arg7[%add3A_27, %dma_start3A] : memref<10240x128xf32, #tpu.memory_space<vmem_shared>> -> memref<128x128xf32, #tpu.memory_space<vmem_shared>>
        %dma_start3A_29 = arith.constant 0 : i32
        %dma_start3A_30 = tpu.memref_slice %arg7[%add3A_27, %dma_start3A_29] : memref<10240x128xf32, #tpu.memory_space<vmem_shared>> -> memref<128x128xf32, #tpu.memory_space<vmem_shared>>
        tpu.enqueue_dma source(%dma_start3A_30 : memref<128x128xf32, #tpu.memory_space<vmem_shared>>) target(%arg8 : memref<128x128xf32, #tpu.memory_space<vmem>>) target_semaphore(%run_scoped3A : memref<!tpu.dma_semaphore, #tpu.memory_space<semaphore_mem>>)
        %dma_wait3A = arith.constant 0 : i32
        %dma_wait3A_31 = tpu.memref_slice %arg7[%add3A_27, %dma_wait3A] : memref<10240x128xf32, #tpu.memory_space<vmem_shared>> -> memref<128x128xf32, #tpu.memory_space<vmem_shared>>
        %dma_wait3A_32 = arith.constant 0 : i32
        %dma_wait3A_33 = tpu.memref_slice %arg7[%add3A_27, %dma_wait3A_32] : memref<10240x128xf32, #tpu.memory_space<vmem_shared>> -> memref<128x128xf32, #tpu.memory_space<vmem_shared>>
        tpu.wait_dma2 semaphore(%run_scoped3A : memref<!tpu.dma_semaphore, #tpu.memory_space<semaphore_mem>>) src(%dma_wait3A_33 : memref<128x128xf32, #tpu.memory_space<vmem_shared>>) dst(%arg8 : memref<128x128xf32, #tpu.memory_space<vmem>>)
        tpu.yield
      }) : () -> ()
      "tpu.region"() ({
        %run_scoped3A = tpu.sem_alloc : memref<!tpu.dma_semaphore, #tpu.memory_space<semaphore_mem>>
        %dma_start3A = arith.constant 0 : i32
        %dma_start3A_28 = arith.constant 0 : i32
        %dma_start3A_29 = tpu.memref_slice %arg6[%arg0, %dma_start3A, %dma_start3A_28] : memref<2x10240x128xf32, #tpu.memory_space<hbm>> -> memref<1x10240x128xf32, #tpu.memory_space<hbm>>
        %dma_start3A_30 = tpu.memref_squeeze %dma_start3A_29 : memref<1x10240x128xf32, #tpu.memory_space<hbm>> -> memref<10240x128xf32, #tpu.memory_space<hbm>>
        %dma_start3A_31 = arith.constant 0 : i32
        %dma_start3A_32 = tpu.memref_slice %dma_start3A_30[%add3A_27, %dma_start3A_31] : memref<10240x128xf32, #tpu.memory_space<hbm>> -> memref<128x128xf32, #tpu.memory_space<hbm>>
        %dma_start3A_33 = arith.constant 0 : i32
        %dma_start3A_34 = arith.constant 0 : i32
        %dma_start3A_35 = tpu.memref_slice %arg6[%arg0, %dma_start3A_33, %dma_start3A_34] : memref<2x10240x128xf32, #tpu.memory_space<hbm>> -> memref<1x10240x128xf32, #tpu.memory_space<hbm>>
        %dma_start3A_36 = tpu.memref_squeeze %dma_start3A_35 : memref<1x10240x128xf32, #tpu.memory_space<hbm>> -> memref<10240x128xf32, #tpu.memory_space<hbm>>
        %dma_start3A_37 = arith.constant 0 : i32
        %dma_start3A_38 = tpu.memref_slice %dma_start3A_36[%add3A_27, %dma_start3A_37] : memref<10240x128xf32, #tpu.memory_space<hbm>> -> memref<128x128xf32, #tpu.memory_space<hbm>>
        tpu.enqueue_dma source(%arg8 : memref<128x128xf32, #tpu.memory_space<vmem>>) target(%dma_start3A_38 : memref<128x128xf32, #tpu.memory_space<hbm>>) target_semaphore(%run_scoped3A : memref<!tpu.dma_semaphore, #tpu.memory_space<semaphore_mem>>)
        %dma_wait3A = arith.constant 0 : i32
        %dma_wait3A_39 = arith.constant 0 : i32
        %dma_wait3A_40 = tpu.memref_slice %arg6[%arg0, %dma_wait3A, %dma_wait3A_39] : memref<2x10240x128xf32, #tpu.memory_space<hbm>> -> memref<1x10240x128xf32, #tpu.memory_space<hbm>>
        %dma_wait3A_41 = tpu.memref_squeeze %dma_wait3A_40 : memref<1x10240x128xf32, #tpu.memory_space<hbm>> -> memref<10240x128xf32, #tpu.memory_space<hbm>>
        %dma_wait3A_42 = arith.constant 0 : i32
        %dma_wait3A_43 = tpu.memref_slice %dma_wait3A_41[%add3A_27, %dma_wait3A_42] : memref<10240x128xf32, #tpu.memory_space<hbm>> -> memref<128x128xf32, #tpu.memory_space<hbm>>
        %dma_wait3A_44 = arith.constant 0 : i32
        %dma_wait3A_45 = arith.constant 0 : i32
        %dma_wait3A_46 = tpu.memref_slice %arg6[%arg0, %dma_wait3A_44, %dma_wait3A_45] : memref<2x10240x128xf32, #tpu.memory_space<hbm>> -> memref<1x10240x128xf32, #tpu.memory_space<hbm>>
        %dma_wait3A_47 = tpu.memref_squeeze %dma_wait3A_46 : memref<1x10240x128xf32, #tpu.memory_space<hbm>> -> memref<10240x128xf32, #tpu.memory_space<hbm>>
        %dma_wait3A_48 = arith.constant 0 : i32
        %dma_wait3A_49 = tpu.memref_slice %dma_wait3A_47[%add3A_27, %dma_wait3A_48] : memref<10240x128xf32, #tpu.memory_space<hbm>> -> memref<128x128xf32, #tpu.memory_space<hbm>>
        tpu.wait_dma2 semaphore(%run_scoped3A : memref<!tpu.dma_semaphore, #tpu.memory_space<semaphore_mem>>) src(%arg8 : memref<128x128xf32, #tpu.memory_space<vmem>>) dst(%dma_wait3A_49 : memref<128x128xf32, #tpu.memory_space<hbm>>)
        tpu.yield
      }) : () -> ()
    }
    %scan3A_17 = arith.constant 5 : i32
    return
  }
}

module attributes {stable_mosaic.version = 14 : i64} {
  func.func @_mms_body(%arg0: i32, %arg1: memref<2000x128xf32, #tpu.memory_space<vmem>>, %arg2: memref<128x256xf32, #tpu.memory_space<vmem>>, %arg3: memref<2000x1xf32, #tpu.memory_space<vmem>>, %arg4: memref<2000x1xf32, #tpu.memory_space<vmem>>, %arg5: memref<2000x256xf32, #tpu.memory_space<vmem>>, %arg6: memref<2000x1xf32, #tpu.memory_space<vmem>>) attributes {dimension_semantics = [#tpu.dimension_semantics<arbitrary>], iteration_bounds = array<i64: 5>, scalar_prefetch = 0 : i64, scratch_operands = 0 : i64, tpu.core_type = #tpu.core_type<tc>, window_params = [{transform_indices = @transform_0, window_bounds = array<i64: 2000, 128>}, {pipeline_mode = #tpu.pipeline_mode<synchronous>, transform_indices = @transform_1, window_bounds = array<i64: 128, 256>}, {transform_indices = @transform_2, window_bounds = array<i64: 2000, 1>}, {transform_indices = @transform_3, window_bounds = array<i64: 2000, 1>}, {transform_indices = @transform_4, window_bounds = array<i64: 2000, 256>}, {transform_indices = @transform_5, window_bounds = array<i64: 2000, 1>}]} {
    %get3A = arith.constant 0 : index
    %get3A_0 = arith.constant 0 : index
    %get3A_1 = vector.load %arg3[%get3A, %get3A_0] : memref<2000x1xf32, #tpu.memory_space<vmem>>, vector<2000x1xf32>
    %get3A_2 = arith.constant 0 : index
    %get3A_3 = arith.constant 0 : index
    %get3A_4 = vector.load %arg4[%get3A_2, %get3A_3] : memref<2000x1xf32, #tpu.memory_space<vmem>>, vector<2000x1xf32>
    %add3A = arith.addf %get3A_1, %get3A_4 : vector<2000x1xf32>
    %rsqrt3A = math.rsqrt %add3A : vector<2000x1xf32>
    %swap3A = arith.constant 0 : index
    %swap3A_5 = arith.constant 0 : index
    %swap3A_6 = vector.load %arg6[%swap3A, %swap3A_5] : memref<2000x1xf32, #tpu.memory_space<vmem>>, vector<2000x1xf32>
    tpu.vector_store %arg6[%swap3A, %swap3A_5], %rsqrt3A {strides = array<i32>} : memref<2000x1xf32, #tpu.memory_space<vmem>>, vector<2000x1xf32>,
    %get3A_7 = arith.constant 0 : index
    %get3A_8 = arith.constant 0 : index
    %get3A_9 = vector.load %arg1[%get3A_7, %get3A_8] : memref<2000x128xf32, #tpu.memory_space<vmem>>, vector<2000x128xf32>
    %get3A_10 = arith.constant 0 : index
    %get3A_11 = arith.constant 0 : index
    %get3A_12 = vector.load %arg2[%get3A_10, %get3A_11] : memref<128x256xf32, #tpu.memory_space<vmem>>, vector<128x256xf32>
    %dot_general3A = arith.constant dense<0.000000e+00> : vector<2000x256xf32>
    %dot_general3A_13 = tpu.matmul %get3A_9, %get3A_12, %dot_general3A {dimension_numbers = #tpu.dot_dimension_numbers<[1], [0], [0], [1], [0, 0, 1, 1], [], []>, transpose_lhs_hint = false} : vector<2000x128xf32>, vector<128x256xf32>, vector<2000x256xf32> -> vector<2000x256xf32>
    %mul3A = vector.broadcast %rsqrt3A : vector<2000x1xf32> to vector<2000x256xf32>
    %mul3A_14 = arith.mulf %dot_general3A_13, %mul3A : vector<2000x256xf32>
    %swap3A_15 = arith.constant 0 : index
    %swap3A_16 = arith.constant 0 : index
    %swap3A_17 = vector.load %arg5[%swap3A_15, %swap3A_16] : memref<2000x256xf32, #tpu.memory_space<vmem>>, vector<2000x256xf32>
    tpu.vector_store %arg5[%swap3A_15, %swap3A_16], %mul3A_14 {strides = array<i32>} : memref<2000x256xf32, #tpu.memory_space<vmem>>, vector<2000x256xf32>,
    return
  }
  func.func @transform_0(%arg0: i32) -> (i32, i32) {
    %c0_i32 = arith.constant 0 : i32
    %c0_i32_0 = arith.constant 0 : i32
    return %arg0, %c0_i32 : i32, i32
  }
  func.func @transform_1(%arg0: i32) -> (i32, i32) {
    %c0_i32 = arith.constant 0 : i32
    %c0_i32_0 = arith.constant 0 : i32
    %c0_i32_1 = arith.constant 0 : i32
    return %c0_i32, %c0_i32_0 : i32, i32
  }
  func.func @transform_2(%arg0: i32) -> (i32, i32) {
    %c0_i32 = arith.constant 0 : i32
    %c0_i32_0 = arith.constant 0 : i32
    return %arg0, %c0_i32 : i32, i32
  }
  func.func @transform_3(%arg0: i32) -> (i32, i32) {
    %c0_i32 = arith.constant 0 : i32
    %c0_i32_0 = arith.constant 0 : i32
    return %arg0, %c0_i32 : i32, i32
  }
  func.func @transform_4(%arg0: i32) -> (i32, i32) {
    %c0_i32 = arith.constant 0 : i32
    %c0_i32_0 = arith.constant 0 : i32
    return %arg0, %c0_i32 : i32, i32
  }
  func.func @transform_5(%arg0: i32) -> (i32, i32) {
    %c0_i32 = arith.constant 0 : i32
    %c0_i32_0 = arith.constant 0 : i32
    return %arg0, %c0_i32 : i32, i32
  }
}

module attributes {stable_mosaic.version = 14 : i64} {
  func.func @_mid_body(%arg0: i32, %arg1: memref<2000x128xf32, #tpu.memory_space<vmem>>, %arg2: memref<2000x128xf32, #tpu.memory_space<vmem>>, %arg3: memref<2000x256xf32, #tpu.memory_space<vmem>>, %arg4: memref<2000x1xf32, #tpu.memory_space<vmem>>, %arg5: memref<1x256xf32, #tpu.memory_space<vmem>>, %arg6: memref<256x128xf32, #tpu.memory_space<vmem>>, %arg7: memref<2000x128xf32, #tpu.memory_space<vmem>>) attributes {dimension_semantics = [#tpu.dimension_semantics<arbitrary>], iteration_bounds = array<i64: 5>, scalar_prefetch = 0 : i64, scratch_operands = 0 : i64, tpu.core_type = #tpu.core_type<tc>, window_params = [{transform_indices = @transform_0, window_bounds = array<i64: 2000, 128>}, {transform_indices = @transform_1, window_bounds = array<i64: 2000, 128>}, {transform_indices = @transform_2, window_bounds = array<i64: 2000, 256>}, {transform_indices = @transform_3, window_bounds = array<i64: 2000, 1>}, {pipeline_mode = #tpu.pipeline_mode<synchronous>, transform_indices = @transform_4, window_bounds = array<i64: 1, 256>}, {pipeline_mode = #tpu.pipeline_mode<synchronous>, transform_indices = @transform_5, window_bounds = array<i64: 256, 128>}, {transform_indices = @transform_6, window_bounds = array<i64: 2000, 128>}]} {
    %get3A = arith.constant 0 : index
    %get3A_0 = arith.constant 0 : index
    %get3A_1 = vector.load %arg1[%get3A, %get3A_0] : memref<2000x128xf32, #tpu.memory_space<vmem>>, vector<2000x128xf32>
    %get3A_2 = arith.constant 0 : index
    %get3A_3 = arith.constant 0 : index
    %get3A_4 = vector.load %arg2[%get3A_2, %get3A_3] : memref<2000x128xf32, #tpu.memory_space<vmem>>, vector<2000x128xf32>
    %concatenate3A = tpu.concatenate %get3A_1, %get3A_4 in 1 : vector<2000x128xf32>, vector<2000x128xf32> -> vector<2000x256xf32>
    %get3A_5 = arith.constant 0 : index
    %get3A_6 = arith.constant 0 : index
    %get3A_7 = vector.load %arg4[%get3A_5, %get3A_6] : memref<2000x1xf32, #tpu.memory_space<vmem>>, vector<2000x1xf32>
    %get3A_8 = arith.constant 0 : index
    %get3A_9 = arith.constant 0 : index
    %get3A_10 = vector.load %arg3[%get3A_8, %get3A_9] : memref<2000x256xf32, #tpu.memory_space<vmem>>, vector<2000x256xf32>
    %add3A = arith.addf %concatenate3A, %get3A_10 : vector<2000x256xf32>
    %mul3A = vector.broadcast %get3A_7 : vector<2000x1xf32> to vector<2000x256xf32>
    %mul3A_11 = arith.mulf %mul3A, %add3A : vector<2000x256xf32>
    %get3A_12 = arith.constant 0 : index
    %get3A_13 = arith.constant 0 : index
    %get3A_14 = vector.load %arg5[%get3A_12, %get3A_13] : memref<1x256xf32, #tpu.memory_space<vmem>>, vector<1x256xf32>
    %add3A_15 = vector.broadcast %get3A_14 : vector<1x256xf32> to vector<2000x256xf32>
    %add3A_16 = arith.addf %mul3A_11, %add3A_15 : vector<2000x256xf32>
    %max3A = arith.constant 0.000000e+00 : f32
    %max3A_17 = vector.broadcast %max3A : f32 to vector<2000x256xf32>
    %max3A_18 = arith.maximumf %add3A_16, %max3A_17 : vector<2000x256xf32>
    %get3A_19 = arith.constant 0 : index
    %get3A_20 = arith.constant 0 : index
    %get3A_21 = vector.load %arg6[%get3A_19, %get3A_20] : memref<256x128xf32, #tpu.memory_space<vmem>>, vector<256x128xf32>
    %dot_general3A = arith.constant dense<0.000000e+00> : vector<2000x128xf32>
    %dot_general3A_22 = tpu.matmul %max3A_18, %get3A_21, %dot_general3A {dimension_numbers = #tpu.dot_dimension_numbers<[1], [0], [0], [1], [0, 0, 1, 1], [], []>, transpose_lhs_hint = false} : vector<2000x256xf32>, vector<256x128xf32>, vector<2000x128xf32> -> vector<2000x128xf32>
    %get3A_23 = arith.constant 0 : index
    %get3A_24 = arith.constant 0 : index
    %get3A_25 = vector.load %arg4[%get3A_23, %get3A_24] : memref<2000x1xf32, #tpu.memory_space<vmem>>, vector<2000x1xf32>
    %mul3A_26 = vector.broadcast %get3A_25 : vector<2000x1xf32> to vector<2000x128xf32>
    %mul3A_27 = arith.mulf %dot_general3A_22, %mul3A_26 : vector<2000x128xf32>
    %swap3A = arith.constant 0 : index
    %swap3A_28 = arith.constant 0 : index
    %swap3A_29 = vector.load %arg7[%swap3A, %swap3A_28] : memref<2000x128xf32, #tpu.memory_space<vmem>>, vector<2000x128xf32>
    tpu.vector_store %arg7[%swap3A, %swap3A_28], %mul3A_27 {strides = array<i32>} : memref<2000x128xf32, #tpu.memory_space<vmem>>, vector<2000x128xf32>,
    return
  }
  func.func @transform_0(%arg0: i32) -> (i32, i32) {
    %c0_i32 = arith.constant 0 : i32
    %c0_i32_0 = arith.constant 0 : i32
    return %arg0, %c0_i32 : i32, i32
  }
  func.func @transform_1(%arg0: i32) -> (i32, i32) {
    %c0_i32 = arith.constant 0 : i32
    %c0_i32_0 = arith.constant 0 : i32
    return %arg0, %c0_i32 : i32, i32
  }
  func.func @transform_2(%arg0: i32) -> (i32, i32) {
    %c0_i32 = arith.constant 0 : i32
    %c0_i32_0 = arith.constant 0 : i32
    return %arg0, %c0_i32 : i32, i32
  }
  func.func @transform_3(%arg0: i32) -> (i32, i32) {
    %c0_i32 = arith.constant 0 : i32
    %c0_i32_0 = arith.constant 0 : i32
    return %arg0, %c0_i32 : i32, i32
  }
  func.func @transform_4(%arg0: i32) -> (i32, i32) {
    %c0_i32 = arith.constant 0 : i32
    %c0_i32_0 = arith.constant 0 : i32
    %c0_i32_1 = arith.constant 0 : i32
    return %c0_i32, %c0_i32_0 : i32, i32
  }
  func.func @transform_5(%arg0: i32) -> (i32, i32) {
    %c0_i32 = arith.constant 0 : i32
    %c0_i32_0 = arith.constant 0 : i32
    %c0_i32_1 = arith.constant 0 : i32
    return %c0_i32, %c0_i32_0 : i32, i32
  }
  func.func @transform_6(%arg0: i32) -> (i32, i32) {
    %c0_i32 = arith.constant 0 : i32
    %c0_i32_0 = arith.constant 0 : i32
    return %arg0, %c0_i32 : i32, i32
  }
}

module attributes {stable_mosaic.version = 14 : i64} {
  func.func @_z_body(%arg0: i32, %arg1: memref<2000x128xf32, #tpu.memory_space<vmem>>, %arg2: memref<2000x128xf32, #tpu.memory_space<vmem>>, %arg3: memref<2000x128xf32, #tpu.memory_space<vmem>>, %arg4: memref<2000x1xf32, #tpu.memory_space<vmem>>, %arg5: memref<1x128xf32, #tpu.memory_space<vmem>>, %arg6: memref<2000x128xf32, #tpu.memory_space<vmem>>) attributes {dimension_semantics = [#tpu.dimension_semantics<arbitrary>], iteration_bounds = array<i64: 5>, scalar_prefetch = 0 : i64, scratch_operands = 0 : i64, tpu.core_type = #tpu.core_type<tc>, window_params = [{transform_indices = @transform_0, window_bounds = array<i64: 2000, 128>}, {transform_indices = @transform_1, window_bounds = array<i64: 2000, 128>}, {transform_indices = @transform_2, window_bounds = array<i64: 2000, 128>}, {transform_indices = @transform_3, window_bounds = array<i64: 2000, 1>}, {pipeline_mode = #tpu.pipeline_mode<synchronous>, transform_indices = @transform_4, window_bounds = array<i64: 1, 128>}, {transform_indices = @transform_5, window_bounds = array<i64: 2000, 128>}]} {
    %get3A = arith.constant 0 : index
    %get3A_0 = arith.constant 0 : index
    %get3A_1 = vector.load %arg4[%get3A, %get3A_0] : memref<2000x1xf32, #tpu.memory_space<vmem>>, vector<2000x1xf32>
    %get3A_2 = arith.constant 0 : index
    %get3A_3 = arith.constant 0 : index
    %get3A_4 = vector.load %arg1[%get3A_2, %get3A_3] : memref<2000x128xf32, #tpu.memory_space<vmem>>, vector<2000x128xf32>
    %get3A_5 = arith.constant 0 : index
    %get3A_6 = arith.constant 0 : index
    %get3A_7 = vector.load %arg2[%get3A_5, %get3A_6] : memref<2000x128xf32, #tpu.memory_space<vmem>>, vector<2000x128xf32>
    %add3A = arith.addf %get3A_4, %get3A_7 : vector<2000x128xf32>
    %get3A_8 = arith.constant 0 : index
    %get3A_9 = arith.constant 0 : index
    %get3A_10 = vector.load %arg3[%get3A_8, %get3A_9] : memref<2000x128xf32, #tpu.memory_space<vmem>>, vector<2000x128xf32>
    %add3A_11 = arith.addf %add3A, %get3A_10 : vector<2000x128xf32>
    %mul3A = vector.broadcast %get3A_1 : vector<2000x1xf32> to vector<2000x128xf32>
    %mul3A_12 = arith.mulf %mul3A, %add3A_11 : vector<2000x128xf32>
    %get3A_13 = arith.constant 0 : index
    %get3A_14 = arith.constant 0 : index
    %get3A_15 = vector.load %arg5[%get3A_13, %get3A_14] : memref<1x128xf32, #tpu.memory_space<vmem>>, vector<1x128xf32>
    %add3A_16 = vector.broadcast %get3A_15 : vector<1x128xf32> to vector<2000x128xf32>
    %add3A_17 = arith.addf %mul3A_12, %add3A_16 : vector<2000x128xf32>
    %swap3A = arith.constant 0 : index
    %swap3A_18 = arith.constant 0 : index
    %swap3A_19 = vector.load %arg6[%swap3A, %swap3A_18] : memref<2000x128xf32, #tpu.memory_space<vmem>>, vector<2000x128xf32>
    tpu.vector_store %arg6[%swap3A, %swap3A_18], %add3A_17 {strides = array<i32>} : memref<2000x128xf32, #tpu.memory_space<vmem>>, vector<2000x128xf32>,
    return
  }
  func.func @transform_0(%arg0: i32) -> (i32, i32) {
    %c0_i32 = arith.constant 0 : i32
    %c0_i32_0 = arith.constant 0 : i32
    return %arg0, %c0_i32 : i32, i32
  }
  func.func @transform_1(%arg0: i32) -> (i32, i32) {
    %c0_i32 = arith.constant 0 : i32
    %c0_i32_0 = arith.constant 0 : i32
    return %arg0, %c0_i32 : i32, i32
  }
  func.func @transform_2(%arg0: i32) -> (i32, i32) {
    %c0_i32 = arith.constant 0 : i32
    %c0_i32_0 = arith.constant 0 : i32
    return %arg0, %c0_i32 : i32, i32
  }
  func.func @transform_3(%arg0: i32) -> (i32, i32) {
    %c0_i32 = arith.constant 0 : i32
    %c0_i32_0 = arith.constant 0 : i32
    return %arg0, %c0_i32 : i32, i32
  }
  func.func @transform_4(%arg0: i32) -> (i32, i32) {
    %c0_i32 = arith.constant 0 : i32
    %c0_i32_0 = arith.constant 0 : i32
    %c0_i32_1 = arith.constant 0 : i32
    return %c0_i32, %c0_i32_0 : i32, i32
  }
  func.func @transform_5(%arg0: i32) -> (i32, i32) {
    %c0_i32 = arith.constant 0 : i32
    %c0_i32_0 = arith.constant 0 : i32
    return %arg0, %c0_i32 : i32, i32
  }
}

module attributes {stable_mosaic.version = 14 : i64} {
  func.func @_dot_body(%arg0: i32, %arg1: memref<2000x128xf32, #tpu.memory_space<vmem>>, %arg2: memref<2000x128xf32, #tpu.memory_space<vmem>>, %arg3: memref<2000x1xf32, #tpu.memory_space<vmem>>) attributes {dimension_semantics = [#tpu.dimension_semantics<arbitrary>], iteration_bounds = array<i64: 10>, scalar_prefetch = 0 : i64, scratch_operands = 0 : i64, tpu.core_type = #tpu.core_type<tc>, window_params = [{transform_indices = @transform_0, window_bounds = array<i64: 2000, 128>}, {transform_indices = @transform_1, window_bounds = array<i64: 2000, 128>}, {transform_indices = @transform_2, window_bounds = array<i64: 2000, 1>}]} {
    %get3A = arith.constant 0 : index
    %get3A_0 = arith.constant 0 : index
    %get3A_1 = vector.load %arg1[%get3A, %get3A_0] : memref<2000x128xf32, #tpu.memory_space<vmem>>, vector<2000x128xf32>
    %get3A_2 = arith.constant 0 : index
    %get3A_3 = arith.constant 0 : index
    %get3A_4 = vector.load %arg2[%get3A_2, %get3A_3] : memref<2000x128xf32, #tpu.memory_space<vmem>>, vector<2000x128xf32>
    %mul3A = arith.mulf %get3A_1, %get3A_4 : vector<2000x128xf32>
    %reduce_sum3A = arith.constant dense<0.000000e+00> : vector<2000xf32>
    %reduce_sum3A_5 = vector.multi_reduction <add>, %mul3A, %reduce_sum3A [1] : vector<2000x128xf32> to vector<2000xf32>
    %broadcast_in_dim3A = vector.shape_cast %reduce_sum3A_5 : vector<2000xf32> to vector<2000x1xf32>
    %swap3A = arith.constant 0 : index
    %swap3A_6 = arith.constant 0 : index
    %swap3A_7 = vector.load %arg3[%swap3A, %swap3A_6] : memref<2000x1xf32, #tpu.memory_space<vmem>>, vector<2000x1xf32>
    tpu.vector_store %arg3[%swap3A, %swap3A_6], %broadcast_in_dim3A {strides = array<i32>} : memref<2000x1xf32, #tpu.memory_space<vmem>>, vector<2000x1xf32>,
    return
  }
  func.func @transform_0(%arg0: i32) -> (i32, i32) {
    %c0_i32 = arith.constant 0 : i32
    %c0_i32_0 = arith.constant 0 : i32
    return %arg0, %c0_i32 : i32, i32
  }
  func.func @transform_1(%arg0: i32) -> (i32, i32) {
    %c0_i32 = arith.constant 0 : i32
    %c0_i32_0 = arith.constant 0 : i32
    return %arg0, %c0_i32 : i32, i32
  }
  func.func @transform_2(%arg0: i32) -> (i32, i32) {
    %c0_i32 = arith.constant 0 : i32
    %c0_i32_0 = arith.constant 0 : i32
    return %arg0, %c0_i32 : i32, i32
  }
}

</mosaic_0001>

<sc_bundles>
// kernel: kernel.10.cloned.1.call-start
scs
__scs_entry_jumppad:
0x0: {  	(pc) =	sbr.rel $0x88, $3  }
0x1: {  	(tag) =	ssettag $0x0;
	lr =	simm.s32 $0x1  }
0x2: {  	[smem:$0x3F9A] =	sst lr;
	_ =	strace $0xD0000000  }
0x3: {  	_ = 	snop  }
0x4: {  	_ = 	snop  }
0x5: {  	_ = 	snop  }
0x6: {  	_ = 	snop  }
0x7: {  	_ = 	snop  }
__scs_overlays_trampoline_lowered:
0x8: {  	[smem:$0x3FA9] =	sst s0  }
0x9: {  	[smem:$0x3FAA] =	sst s1  }
0xa: {  	[smem:$0x3FAB] =	sst s2  }
0xb: {  	[smem:$0x3FAC] =	sst s3  }
0xc: {  	[smem:$0x3FAD] =	sst s4  }
0xd: {  	[smem:$0x3FAE] =	sst s5  }
0xe: {  	[smem:$0x3FAF] =	sst s6  }
0xf: {  	[smem:$0x3FB0] =	sst s7  }
0x10: {  	[smem:$0x3FB1] =	sst s8  }
0x11: {  	[smem:$0x3FB2] =	sst s9;
	s0 =	simm.s32 @!p0 $0x0  }
0x12: {  	s1 =	sld [smem:$0x3F98];
	s0 =	simm.s32 @p0 $0x1  }
0x13: {  	[smem:$0x3FB3] =	sst s0;
	s0 =	simm.s32 @!p1 $0x0  }
0x14: {  	s2 =	sld [smem:$0x3F97];
	s0 =	simm.s32 @p1 $0x1  }
0x15: {  	[smem:$0x3FB4] =	sst s0;
	s0 =	simm.s32 @!p2 $0x0  }
0x16: {  	s3 =	sld [smem:$0x3FDB];
	s0 =	simm.s32 @p2 $0x1  }
0x17: {  	s4 =	simm.s32 $0x1BF5;
	[smem:$0x3FB6] =	sst s0  }
0x18: {  	s0 =	sld [smem:$0x3F99];
	_ =	swait.ge [sflag:s4], $0x0  }
0x19: {  	s7 =	sld [smem:$0x3F9A]  }
0x1a: {  	s8 =	sadd.s32 $0xFFFFE003, lr  }
0x1b: {  	s9 =	sadd.s32 $0xFFFFFEF7, lr;
	s5 =	simm.s32 $0xFFFFFFFF;
	p2 =	slt.u32 s8, $0xFFFFF086  }
0x1c: {  	p1 =	slt.u32 s9, $0xF7A;
	s5 =	simm.s32 @!p2 $0x0  }
0x1d: {  	s5 =	simm.s32 @p1 $0x1;
	p0 =	seq.s32 s7, s2  }
0x1e: {  	s7 =	smul.u32 @!p0 $0xF7A, s2;
	p2 =	seq.s32 @!p0 s5, $0x0  }
0x1f: {  	s9 =	smul.u32 $0xF7A, s1;
	s8 =	simm.s32 @!p0 $0x1BF5;
	p2 =	por !p2, p0  }
0x20: {  	[sflag:s8] =	ssyncset.s32 @!p0 $0xFFFFF086;
	s6 =	sadd.s32 @!p0 s3, s7;
	s7 =	simm.s32 @!p0 $0x108  }
0x21: {  	s3 =	sadd.s32 s3, s9;
	s6 =	sadd.s32 @!p0 $0x88, s6;
	s7 =	simm.s32 @p2 $0x1082  }
0x22: {  	[simem:s7], [sflag:s8] =	dma.local @!p0 [hbm:s6], $0xF7A  }
0x23: {  	s9 =	sor.u32 $0xD0000000, s2;
	s6 =	simm.s32 $0x108;
	_ =	swait.ge @!p0 [sflag:s8], $0x0  }
0x24: {  	s3 =	sadd.s32 $0x88, s3;
	s6 =	simm.s32 @!p1 $0x1082;
	[sflag:s4] =	ssyncset.s32 $0xFFFFF086  }
0x25: {  	[simem:s6], [sflag:s4] =	dma.local [hbm:s3], $0xF7A  }
0x26: {  	[smem:$0x3F9A] =	sst s1;
	(tag) =	ssettag s2;
	_ =	strace s9  }
0x27: {  	s1 =	sld [smem:$0x3FAA]  }
0x28: {  	s2 =	sld [smem:$0x3FAB]  }
0x29: {  	s4 =	sld [smem:$0x3FAD]  }
0x2a: {  	p0 =	seq.s32 s5, $0x0;
	s5 =	sld [smem:$0x3FAE]  }
0x2b: {  	s6 =	sld [smem:$0x3FAF]  }
0x2c: {  	s7 =	sld [smem:$0x3FB0]  }
0x2d: {  	s3 =	simm.s32 $0x108;
	s8 =	sld [smem:$0x3FB1]  }
0x2e: {  	s3 =	simm.s32 @!p0 $0x1082;
	s9 =	sld [smem:$0x3FB2]  }
0x2f: {  	lr =	sadd.s32 s0, s3;
	s0 =	sld [smem:$0x3FA9]  }
0x30: {  	s3 =	sld [smem:$0x3FAC]  }
0x31: {  	[smem:$0x3FB5] =	sst s10  }
0x32: {  	s10 =	sld [smem:$0x3FB3];
	_ =	sdelay $0x3  }
0x33: {  	p0 =	seq.s32 s10, $0x1;
	s10 =	sld [smem:$0x3FB5];
	_ =	sdelay $0x3  }
0x34: {  	[smem:$0x3FB5] =	sst s10  }
0x35: {  	s10 =	sld [smem:$0x3FB4];
	_ =	sdelay $0x3  }
0x36: {  	p1 =	seq.s32 s10, $0x1;
	s10 =	sld [smem:$0x3FB5];
	_ =	sdelay $0x3  }
0x37: {  	[smem:$0x3FB5] =	sst s10  }
0x38: {  	s10 =	sld [smem:$0x3FB6]  }
0x39: {  	_ = 	snop;
	(pc) =	sbr.ind lr, $3  }
0x3a: {  	_ = 	snop  }
0x3b: {  	_ = 	snop  }
0x3c: {  	p2 =	seq.s32 s10, $0x1;
	s10 =	sld [smem:$0x3FB5]  }
0x3d: {  	_ =	shalt  }
0x3e: {  	_ =	shalt  }
0x3f: {  	_ =	shalt  }
0x40: {  	_ =	shalt  }
0x41: {  	_ =	shalt  }
0x42: {  	_ =	shalt  }
0x43: {  	_ =	shalt  }
0x44: {  	_ =	shalt  }
0x45: {  	_ =	shalt  }
0x46: {  	_ =	shalt  }
0x47: {  	_ =	shalt  }
0x48: {  	_ =	shalt  }
0x49: {  	_ =	shalt  }
0x4a: {  	_ =	shalt  }
0x4b: {  	_ =	shalt  }
0x4c: {  	_ =	shalt  }
0x4d: {  	_ =	shalt  }
0x4e: {  	_ =	shalt  }
0x4f: {  	_ =	shalt  }
0x50: {  	_ =	shalt  }
0x51: {  	_ =	shalt  }
0x52: {  	_ =	shalt  }
0x53: {  	_ =	shalt  }
0x54: {  	_ =	shalt  }
0x55: {  	_ =	shalt  }
0x56: {  	_ =	shalt  }
0x57: {  	_ =	shalt  }
0x58: {  	_ =	shalt  }
0x59: {  	_ =	shalt  }
0x5a: {  	_ =	shalt  }
0x5b: {  	_ =	shalt  }
0x5c: {  	_ =	shalt  }
0x5d: {  	_ =	shalt  }
0x5e: {  	_ =	shalt  }
0x5f: {  	_ =	shalt  }
0x60: {  	_ =	shalt  }
0x61: {  	_ =	shalt  }
0x62: {  	_ =	shalt  }
0x63: {  	_ =	shalt  }
0x64: {  	_ =	shalt  }
0x65: {  	_ =	shalt  }
0x66: {  	_ =	shalt  }
0x67: {  	_ =	shalt  }
0x68: {  	_ =	shalt  }
0x69: {  	_ =	shalt  }
0x6a: {  	_ =	shalt  }
0x6b: {  	_ =	shalt  }
0x6c: {  	_ =	shalt  }
0x6d: {  	_ =	shalt  }
0x6e: {  	_ =	shalt  }
0x6f: {  	_ =	shalt  }
0x70: {  	_ =	shalt  }
0x71: {  	_ =	shalt  }
0x72: {  	_ =	shalt  }
0x73: {  	_ =	shalt  }
0x74: {  	_ =	shalt  }
0x75: {  	_ =	shalt  }
0x76: {  	_ =	shalt  }
0x77: {  	_ =	shalt  }
0x78: {  	_ =	shalt  }
0x79: {  	_ =	shalt  }
0x7a: {  	_ =	shalt  }
0x7b: {  	_ =	shalt  }
0x7c: {  	_ =	shalt  }
0x7d: {  	_ =	shalt  }
0x7e: {  	_ =	shalt  }
0x7f: {  	_ =	shalt  }
0x80: {  	_ =	shalt  }
0x81: {  	_ =	shalt  }
0x82: {  	_ =	shalt  }
0x83: {  	_ =	shalt  }
0x84: {  	_ =	shalt  }
0x85: {  	_ =	shalt  }
0x86: {  	_ =	shalt  }
0x87: {  	_ =	shalt  }
.Lfunc_end0:
.L_simem_size_0:
called_computation_lowered:
.L_overlay_start_0:
0x88: {  	s2 =	sld [smem:$0x3FD9]  }
0x89: {  	s3 =	sld [smem:$0x3FFE];
	_ =	sdelay $0x1  }
0x8a: {  	s1 =	srdreg.scid  }
0x8b: {  	s0 =	sand.u32 $0x1, s1  }
0x8c: {  	s17 =	sshll.u32 s0, $0xA;
	s2 =	sadd.s32 s3, s2  }
0x8d: {  	s2 =	sadd.s32 s2, s17  }
0x8e: {  	[smem:$0x3FC1] =	sst s2  }
0x8f: {  	_ = 	snop  }
0x90: {  	s2 =	sld [smem:$0x3FD0];
	(tm) =	ssettm $0x1  }
0x91: {  	s18 =	sld [smem:$0x3FFB];
	_ =	sdelay $0x3  }
0x92: {  	_ =	strace s18  }
0x93: {  	s3 =	sld [smem:$0x3FFC];
	_ =	sdelay $0x3  }
0x94: {  	_ =	strace s3  }
0x95: {  	s3 =	sld [smem:$0x3FFD];
	_ =	sdelay $0x3  }
0x96: {  	_ =	strace s3  }
0x97: {  	_ =	strace $0x8FFFFFFF  }
0x98: {  	s19 =	sld [smem:$0x3FDB];
	_ =	sdelay $0x1  }
0x99: {  	s4 =	simm.s32 $_scs_section_size  }
0x9a: {  	s5 =	simm.s32 $_size__tile_overlayer_lowered;
	s6 =	simm.s32 $_tile_overlayer_lowered  }
0x9b: {  	s22 =	simm.s32 $0x1BFF;
	s21 =	sshll.u32 s6, $0x1;
	s3 =	sadd.s32 s4, s19  }
0x9c: {  	s7 =	simm.s32 $0x0;
	s20 =	sshll.u32 s5, $0x1;
	s5 =	sadd.s32 s21, s3  }
0x9d: {  	[timem:s7], [sflag:s22] =	dma.local [hbm:s5], s20  }
0x9e: {  	_ =	swait.ge [sflag:s22], s20  }
0x9f: {  	s4 =	ssub.s32 $0x0, s20;
	[sflag:s22] =	ssyncset.done $0x0  }
0xa0: {  	[sflag:s22] =	ssyncadd.s32 s4;
	_ =	sdelay $0x1  }
0xa1: {  	s23 =	simm.s32 $0x1B8B  }
0xa2: {  	_ =	swait.ge [sflag:s23], $0x1  }
0xa3: {  	[sflag:s23] =	ssyncset.done $0x0  }
0xa4: {  	s25 =	simm.s32 $0x1B8E;
	s24 =	sld [smem:$0x3FFE];
	[sflag:s23] =	ssyncadd.s32 $0xFFFFFFFF  }
0xa5: {  	s26 =	simm.s32 $execute0_lowered;
	[smem:$0x3FD2] =	sst s25  }
0xa6: {  	s5 =	sshll.u32 s26, $0x1;
	_ =	strace $0x80000046;
	[dreg:$0x1] =	wrdreg $0xFFFFFFFF  }
0xa7: {  	s28 =	simm.s32 $_size_execute0_lowered;
	s3 =	sadd.s32 s3, s5;
	[dreg:$0x0] =	wrdreg $0x0  }
0xa8: {  	s5 =	sshll.u32 s28, $0x1;
	[dreg:$0x2] =	wrdreg s3  }
0xa9: {  	[dreg:$0x3] =	wrdreg s5  }
0xaa: {  	[dreg:$0x4] =	wrdreg $0xC0  }
0xab: {  	_ =	task [dreg:s7], $0x5FFFF  }
0xac: {  	[dreg:$0x1] =	wrdreg $0xFFFFFFFF  }
0xad: {  	[dreg:$0x0] =	wrdreg $0x60  }
0xae: {  	[dreg:$0x2] =	wrdreg s24  }
0xaf: {  	[dreg:$0x3] =	wrdreg s2  }
0xb0: {  	[dreg:$0x4] =	wrdreg $0x0  }
0xb1: {  	[dreg:$0x5] =	wrdreg $0x9  }
0xb2: {  	_ =	task.clear_ibuf [dreg:s7], $0x6FFFF;
	_ =	strace $0x90000046  }
0xb3: {  	s29 =	simm.s32 $0x9;
	_ =	strace $0x80000048  }
0xb4: {  	_ =	swait.ge [sflag:s29], $0x1  }
0xb5: {  	[sflag:s29] =	ssyncadd.s32 $0xFFFFFFFF  }
0xb6: {  	_ =	strace $0x90000048  }
0xb7: {  	_ =	sfence  }
0xb8: {  	s30 =	sld [smem:$0x0];
	_ =	sdelay $0x2  }
0xb9: {  	s31 =	sshll.u32 s1, $0xD;
	s1 =	sshrl.u32 s1, $0x2  }
0xba: {  	s3 =	sand.u32 $0x4000, s31;
	s1 =	sadd.s32 s1, s30  }
0xbb: {  	s0 =	sor.u32 s3, s0;
	s1 =	sshll.u32 s1, $0x11  }
0xbc: {  	s0 =	sor.u32 s1, s0  }
0xbd: {  	s0 =	sadd.s32 $0x8F2B, s0  }
0xbe: {  	[sflag:s0] =	ssyncadd.remote.s32 $0x1  }
0xbf: {  	_ =	sfence.sel $0xFFFF  }
0xc0: {  	[dreg:$0x0] =	wrdreg $0xFFFFFFFF;
	(pc) =	sbr.abs _section_cstart, $3  }
0xc1: {  	[dreg:$0x1] =	wrdreg $0xFFFFFFFF  }
0xc2: {  	_ =	task.clear_ibuf [dreg:s7], $0x2FFFF;
	_ =	strace $0x9FFFFFFF  }
0xc3: {  	(tm) =	ssettm $0x7FFFFFFF  }
tec
execute0_lowered:
.L_overlay_start_1:
0x0: {  	(tag) =	ssettag $0x1  }
0x1: {  	s0 =	rddreg [dreg:$0x0]  }
0x2: {  	s1 =	srdreg.scid;
	s13 =	stileid.u32  }
0x3: {  	s3 =	rddreg [dreg:$0x2];
	s2 =	smul.u32 $0x5000, s13  }
0x4: {  	s4 =	simm.s32 $0x0;
	s28 =	simm.s32 $0x1C080;
	s6 =	smul.u32 $0x50000, s13  }
0x5: {  	s29 =	simm.s32 $0x1C100;
	s30 =	simm.s32 $0x1C180;
	s8 =	smul.u32 $0x280, s13  }
0x6: {  	s31 =	simm.s32 $0x1C200;
	s1 =	sand.u32 $0x1, s1;
	s10 =	smul.u32 $0x2800, s13  }
0x7: {  	[smem:$0x7FF] =	sst s4;
	s26 =	sadd.s32 $0xC800, s0;
	s5 =	smul.u32 $0x2800, s1  }
0x8: {  	_ =	strace $0x80000047;
	s7 =	ssub.s32 $0x2, s1;
	s1 =	smul.u32 $0x140000, s1  }
0x9: {  	s9 =	sshrl.u32 s7, $0x1;
	s6 =	sshrl.u32 s6, $0x2;
	s11 =	sadd.s32 s26, s10  }
0xa: {  	s12 =	sadd.s32 $0x80, s8;
	s15 =	sadd.s32 $0x100, s8;
	s18 =	sadd.s32 $0x180, s8  }
0xb: {  	s8 =	sadd.s32 $0x200, s8;
	s2 =	sadd.s32 s5, s2;
	s7 =	ssub.s32 s7, s9  }
0xc: {  	s9 =	sadd.s32 s6, s3;
	[dreg:$0x5] =	wrdreg s11;
	s14 =	sshll.u32 s12, $0x4  }
0xd: {  	s6 =	sshll.u32 s12, $0x7;
	s16 =	sshll.u32 s15, $0x4;
	s17 =	sshll.u32 s15, $0x7  }
0xe: {  	s12 =	sshll.u32 s18, $0x4;
	s10 =	sshll.u32 s18, $0x7;
	s15 =	smul.u32 $0x14000, s13  }
0xf: {  	s21 =	sshll.u32 s8, $0x7;
	s18 =	simm.s32 $0x0;
	s2 =	sshrl.u32 s2, $0x3  }
0x10: {  	s7 =	smax.u32 s7, $0x1;
	s19 =	sadd.s32 s6, s3;
	s20 =	sadd.s32 s17, s3  }
0x11: {  	s11 =	sadd.s32 s26, s12;
	s6 =	sadd.s32 s1, s6;
	s13 =	sadd.s32 s21, s3  }
0x12: {  	s23 =	sadd.s32 s1, s17;
	s24 =	sadd.s32 s1, s10;
	s12 =	simm.s32 $0x1C600  }
0x13: {  	s17 =	simm.s32 $0x1C780;
	[dreg:$0xa] =	wrdreg s9;
	s2 =	sadd.s32 s2, s0  }
0x14: {  	s0 =	sadd.s32 $0x34800, s0;
	[dreg:$0x4] =	wrdreg s7;
	s7 =	sadd.s32 s26, s14  }
0x15: {  	s14 =	sshll.u32 s8, $0x4;
	[dreg:$0x8] =	wrdreg s11;
	s11 =	sadd.s32 s10, s3  }
0x16: {  	s22 =	sadd.s32 s1, s15;
	s6 =	sshrl.u32 s6, $0x3;
	[dreg:$0xc] =	wrdreg s13  }
0x17: {  	s1 =	sadd.s32 s1, s21;
	s10 =	simm.s32 $0x1C580;
	[dreg:$0x6] =	wrdreg s7  }
0x18: {  	s7 =	sadd.s32 s26, s16;
	s5 =	sadd.s32 s26, s14;
	s8 =	sshrl.u32 s22, $0x3  }
0x19: {  	s6 =	sadd.s32 s0, s6;
	s26 =	sshrl.u32 s24, $0x3;
	s1 =	sshrl.u32 s1, $0x3  }
0x1a: {  	s21 =	sadd.s32 $0x2800, s2;
	s22 =	simm.s32 $0x14000;
	[dreg:$0x9] =	wrdreg s11  }
0x1b: {  	s24 =	simm.s32 $0x18000;
	s2 =	simm.s32 $0x1C380;
	[dreg:$0x7] =	wrdreg s7  }
0x1c: {  	s14 =	simm.s32 $0x1C680;
	s16 =	simm.s32 $0x1C700;
	[dreg:$0xb] =	wrdreg s5  }
0x1d: {  	s8 =	sadd.s32 s0, s8;
	[dreg:$0xe] =	wrdreg s6;
	s6 =	sshrl.u32 s23, $0x3  }
0x1e: {  	s5 =	sadd.s32 s0, s26;
	s23 =	simm.s32 $0x1;
	s26 =	simm.s32 $0x80  }
0x1f: {  	s7 =	simm.s32 $0x1C480;
	[dreg:$0xd] =	wrdreg s8;
	s25 =	sadd.s32 s0, s6  }
0x20: {  	[dreg:$0x10] =	wrdreg s5;
	s0 =	sadd.s32 s0, s1;
	s1 =	simm.s32 $0x1C280  }
0x21: {  	s6 =	simm.s32 $0x1C400;
	s8 =	simm.s32 $0x1C500;
	[dreg:$0xf] =	wrdreg s25  }
0x22: {  	[dreg:$0x11] =	wrdreg s0;
	s25 =	simm.s32 $0x1C000;
	s0 =	simm.s32 $0x1C300  }
.LBB2_1:
0x23: {  	s5 =	rddreg [dreg:$0x1]  }
0x24: {  	[tilespmem:s22], [sflag:$0x1] =	stream.linear.gather [hbm4b:s5+s4], $0x4000, $0x38;
	[tilespmem:$0x1C800] =	vst v63  }
0x25: {  	_ =	swait.ge [sflag:s23], $0x4000  }
0x26: {  	[sflag:s23] =	ssyncset.done $0x0  }
0x27: {  	s15 =	rddreg [dreg:$0x5];
	[sflag:s23] =	ssyncadd.s32 $0xFFFFC000  }
0x28: {  	[tilespmem:s24], [sflag:$0x1] =	stream.linear.gather [hbm4b:s15+s4], $0x4000, $0x38;
	[tilespmem:$0x1C800] =	vst v63  }
0x29: {  	_ =	swait.ge [sflag:s23], $0x4000  }
0x2a: {  	[sflag:s23] =	ssyncset.done $0x0  }
0x2b: {  	[sflag:s23] =	ssyncadd.s32 $0xFFFFC000  }
0x2c: {  	[spmem:s9] =	stream.linear.scatter [tilespmem:s24], [sflag:$0x1], $0x4000, $0x38;
	[tilespmem:$0x1C800] =	vst v63  }
0x2d: {  	_ =	swait.ge [sflag:s23], $0x4000  }
0x2e: {  	[sflag:s23] =	ssyncset.done $0x0  }
0x2f: {  	s15 =	rddreg [dreg:$0x6];
	[sflag:s23] =	ssyncadd.s32 $0xFFFFC000  }
0x30: {  	[tilespmem:s24], [sflag:$0x1] =	stream.linear.gather [hbm4b:s15+s4], $0x4000, $0x38;
	[tilespmem:$0x1C800] =	vst v63  }
0x31: {  	_ =	swait.ge [sflag:s23], $0x4000  }
0x32: {  	[sflag:s23] =	ssyncset.done $0x0  }
0x33: {  	[sflag:s23] =	ssyncadd.s32 $0xFFFFC000  }
0x34: {  	[spmem:s19] =	stream.linear.scatter [tilespmem:s24], [sflag:$0x1], $0x4000, $0x38;
	[tilespmem:$0x1C800] =	vst v63  }
0x35: {  	_ =	swait.ge [sflag:s23], $0x4000  }
0x36: {  	s9 =	smov.u32 s13;
	[sflag:s23] =	ssyncset.done $0x0  }
0x37: {  	s13 =	smov.u32 s19;
	s19 =	rddreg [dreg:$0x7];
	[sflag:s23] =	ssyncadd.s32 $0xFFFFC000  }
0x38: {  	[tilespmem:s24], [sflag:$0x1] =	stream.linear.gather [hbm4b:s19+s4], $0x4000, $0x38;
	[tilespmem:$0x1C800] =	vst v63  }
0x39: {  	_ =	swait.ge [sflag:s23], $0x4000  }
0x3a: {  	[sflag:s23] =	ssyncset.done $0x0  }
0x3b: {  	[sflag:s23] =	ssyncadd.s32 $0xFFFFC000  }
0x3c: {  	[spmem:s20] =	stream.linear.scatter [tilespmem:s24], [sflag:$0x1], $0x4000, $0x38;
	[tilespmem:$0x1C800] =	vst v63  }
0x3d: {  	_ =	swait.ge [sflag:s23], $0x4000  }
0x3e: {  	[sflag:s23] =	ssyncset.done $0x0  }
0x3f: {  	s15 =	smov.u32 s20;
	s20 =	rddreg [dreg:$0x8];
	[sflag:s23] =	ssyncadd.s32 $0xFFFFC000  }
0x40: {  	[tilespmem:s24], [sflag:$0x1] =	stream.linear.gather [hbm4b:s20+s4], $0x4000, $0x38;
	[tilespmem:$0x1C800] =	vst v63  }
0x41: {  	_ =	swait.ge [sflag:s23], $0x4000  }
0x42: {  	[sflag:s23] =	ssyncset.done $0x0  }
0x43: {  	[sflag:s23] =	ssyncadd.s32 $0xFFFFC000  }
0x44: {  	[spmem:s11] =	stream.linear.scatter [tilespmem:s24], [sflag:$0x1], $0x4000, $0x38;
	[tilespmem:$0x1C800] =	vst v63  }
0x45: {  	_ =	swait.ge [sflag:s23], $0x4000  }
0x46: {  	[sflag:s23] =	ssyncset.done $0x0  }
0x47: {  	s19 =	rddreg [dreg:$0xb];
	[sflag:s23] =	ssyncadd.s32 $0xFFFFC000  }
0x48: {  	[tilespmem:s24], [sflag:$0x1] =	stream.linear.gather [hbm4b:s19+s4], $0x4000, $0x38;
	[tilespmem:$0x1C800] =	vst v63  }
0x49: {  	_ =	swait.ge [sflag:s23], $0x4000  }
0x4a: {  	[sflag:s23] =	ssyncset.done $0x0  }
0x4b: {  	[sflag:s23] =	ssyncadd.s32 $0xFFFFC000  }
0x4c: {  	[spmem:s9] =	stream.linear.scatter [tilespmem:s24], [sflag:$0x1], $0x4000, $0x38;
	[tilespmem:$0x1C800] =	vst v63  }
0x4d: {  	_ =	swait.ge [sflag:s23], $0x4000  }
0x4e: {  	[sflag:s23] =	ssyncset.done $0x0  }
0x4f: {  	[sflag:s23] =	ssyncadd.s32 $0xFFFFC000  }
0x50: {  	s20 =	sadd.s32 $0x0, s21;
	[bflag:$0x0] =	sbarrier.arrive $0xFFFF  }
0x51: {  	[tilespmem:s25], [sflag:$0x1] =	stream.linear.gather [hbm4b:s20+s4], $0x800, $0x38;
	[tilespmem:$0x1C800] =	vst v63  }
0x52: {  	_ =	swait.ge [sflag:s23], $0x800  }
0x53: {  	[sflag:s23] =	ssyncset.done $0x0  }
0x54: {  	[sflag:s23] =	ssyncadd.s32 $0xFFFFF800  }
0x55: {  	[spmem:s3] =	stream.indirect.scatter.add.f32 [tilespmem:s22], [sflag:$0x1], $0x80, s25, s26, $0xb8;
	[tilespmem:$0x1C800] =	vst v63  }
0x56: {  	_ =	swait.ge [sflag:s23], $0x4000  }
0x57: {  	[sflag:s23] =	ssyncset.done $0x0  }
0x58: {  	[sflag:s23] =	ssyncadd.s32 $0xFFFFC000  }
0x59: {  	[spmem:s3] =	stream.indirect.scatter.add.f32 [tilespmem:s22], [sflag:$0x1], $0x80, s28, s26, $0xb8;
	[tilespmem:$0x1C800] =	vst v63  }
0x5a: {  	_ =	swait.ge [sflag:s23], $0x4000  }
0x5b: {  	[sflag:s23] =	ssyncset.done $0x0  }
0x5c: {  	[sflag:s23] =	ssyncadd.s32 $0xFFFFC000  }
0x5d: {  	[spmem:s3] =	stream.indirect.scatter.add.f32 [tilespmem:s22], [sflag:$0x1], $0x80, s29, s26, $0xb8;
	[tilespmem:$0x1C800] =	vst v63  }
0x5e: {  	_ =	swait.ge [sflag:s23], $0x4000  }
0x5f: {  	[sflag:s23] =	ssyncset.done $0x0  }
0x60: {  	[sflag:s23] =	ssyncadd.s32 $0xFFFFC000  }
0x61: {  	[spmem:s3] =	stream.indirect.scatter.add.f32 [tilespmem:s22], [sflag:$0x1], $0x80, s30, s26, $0xb8;
	[tilespmem:$0x1C800] =	vst v63  }
0x62: {  	_ =	swait.ge [sflag:s23], $0x4000  }
0x63: {  	[sflag:s23] =	ssyncset.done $0x0  }
0x64: {  	[sflag:s23] =	ssyncadd.s32 $0xFFFFC000  }
0x65: {  	[spmem:s3] =	stream.indirect.scatter.add.f32 [tilespmem:s22], [sflag:$0x1], $0x80, s31, s26, $0xb8;
	[tilespmem:$0x1C800] =	vst v63  }
0x66: {  	_ =	swait.ge [sflag:s23], $0x4000  }
0x67: {  	[sflag:s23] =	ssyncset.done $0x0  }
0x68: {  	[sflag:s23] =	ssyncadd.s32 $0xFFFFC000  }
0x69: {  	[spmem:s3] =	stream.indirect.scatter.add.f32 [tilespmem:s22], [sflag:$0x1], $0x80, s1, s26, $0xb8;
	[tilespmem:$0x1C800] =	vst v63  }
0x6a: {  	_ =	swait.ge [sflag:s23], $0x4000  }
0x6b: {  	[sflag:s23] =	ssyncset.done $0x0  }
0x6c: {  	[sflag:s23] =	ssyncadd.s32 $0xFFFFC000  }
0x6d: {  	[spmem:s3] =	stream.indirect.scatter.add.f32 [tilespmem:s22], [sflag:$0x1], $0x80, s0, s26, $0xb8;
	[tilespmem:$0x1C800] =	vst v63  }
0x6e: {  	_ =	swait.ge [sflag:s23], $0x4000  }
0x6f: {  	[sflag:s23] =	ssyncset.done $0x0  }
0x70: {  	[sflag:s23] =	ssyncadd.s32 $0xFFFFC000  }
0x71: {  	[spmem:s3] =	stream.indirect.scatter.add.f32 [tilespmem:s22], [sflag:$0x1], $0x80, s2, s26, $0xb8;
	[tilespmem:$0x1C800] =	vst v63  }
0x72: {  	_ =	swait.ge [sflag:s23], $0x4000  }
0x73: {  	[sflag:s23] =	ssyncset.done $0x0  }
0x74: {  	[sflag:s23] =	ssyncadd.s32 $0xFFFFC000  }
0x75: {  	[spmem:s3] =	stream.indirect.scatter.add.f32 [tilespmem:s22], [sflag:$0x1], $0x80, s6, s26, $0xb8;
	[tilespmem:$0x1C800] =	vst v63  }
0x76: {  	_ =	swait.ge [sflag:s23], $0x4000  }
0x77: {  	[sflag:s23] =	ssyncset.done $0x0  }
0x78: {  	[sflag:s23] =	ssyncadd.s32 $0xFFFFC000  }
0x79: {  	[spmem:s3] =	stream.indirect.scatter.add.f32 [tilespmem:s22], [sflag:$0x1], $0x80, s7, s26, $0xb8;
	[tilespmem:$0x1C800] =	vst v63  }
0x7a: {  	_ =	swait.ge [sflag:s23], $0x4000  }
0x7b: {  	[sflag:s23] =	ssyncset.done $0x0  }
0x7c: {  	[sflag:s23] =	ssyncadd.s32 $0xFFFFC000  }
0x7d: {  	[spmem:s3] =	stream.indirect.scatter.add.f32 [tilespmem:s22], [sflag:$0x1], $0x80, s8, s26, $0xb8;
	[tilespmem:$0x1C800] =	vst v63  }
0x7e: {  	_ =	swait.ge [sflag:s23], $0x4000  }
0x7f: {  	[sflag:s23] =	ssyncset.done $0x0  }
0x80: {  	[sflag:s23] =	ssyncadd.s32 $0xFFFFC000  }
0x81: {  	[spmem:s3] =	stream.indirect.scatter.add.f32 [tilespmem:s22], [sflag:$0x1], $0x80, s10, s26, $0xb8;
	[tilespmem:$0x1C800] =	vst v63  }
0x82: {  	_ =	swait.ge [sflag:s23], $0x4000  }
0x83: {  	[sflag:s23] =	ssyncset.done $0x0  }
0x84: {  	[sflag:s23] =	ssyncadd.s32 $0xFFFFC000  }
0x85: {  	[spmem:s3] =	stream.indirect.scatter.add.f32 [tilespmem:s22], [sflag:$0x1], $0x80, s12, s26, $0xb8;
	[tilespmem:$0x1C800] =	vst v63  }
0x86: {  	_ =	swait.ge [sflag:s23], $0x4000  }
0x87: {  	[sflag:s23] =	ssyncset.done $0x0  }
0x88: {  	[sflag:s23] =	ssyncadd.s32 $0xFFFFC000  }
0x89: {  	[spmem:s3] =	stream.indirect.scatter.add.f32 [tilespmem:s22], [sflag:$0x1], $0x80, s14, s26, $0xb8;
	[tilespmem:$0x1C800] =	vst v63  }
0x8a: {  	_ =	swait.ge [sflag:s23], $0x4000  }
0x8b: {  	[sflag:s23] =	ssyncset.done $0x0  }
0x8c: {  	[sflag:s23] =	ssyncadd.s32 $0xFFFFC000  }
0x8d: {  	[spmem:s3] =	stream.indirect.scatter.add.f32 [tilespmem:s22], [sflag:$0x1], $0x80, s16, s26, $0xb8;
	[tilespmem:$0x1C800] =	vst v63  }
0x8e: {  	_ =	swait.ge [sflag:s23], $0x4000  }
0x8f: {  	[sflag:s23] =	ssyncset.done $0x0  }
0x90: {  	[sflag:s23] =	ssyncadd.s32 $0xFFFFC000  }
0x91: {  	[spmem:s3] =	stream.indirect.scatter.add.f32 [tilespmem:s22], [sflag:$0x1], $0x80, s17, s26, $0xb8;
	[tilespmem:$0x1C800] =	vst v63  }
0x92: {  	_ =	swait.ge [sflag:s23], $0x4000  }
0x93: {  	s19 =	simm.s32 $0x100;
	s20 =	simm.s32 $0x200;
	[sflag:s23] =	ssyncset.done $0x0  }
.LBB2_2:
0x94: {  	s9 =	sadd.s32 s19, s21  }
0x95: {  	[sflag:s23] =	ssyncadd.s32 $0xFFFFC000;
	s19 =	smov.u32 s20;
	s5 =	sadd.s32 $0x100, s20  }
0x96: {  	[tilespmem:s25], [sflag:$0x1] =	stream.linear.gather [hbm4b:s9+s4], $0x800, $0x38;
	[tilespmem:$0x1C800] =	vst v63  }
0x97: {  	p0 =	sne.s32 s20, $0x400;
	_ =	swait.ge [sflag:s23], $0x800  }
0x98: {  	[sflag:s23] =	ssyncset.done $0x0  }
0x99: {  	[sflag:s23] =	ssyncadd.s32 $0xFFFFF800  }
0x9a: {  	[spmem:s3] =	stream.indirect.scatter.add.f32 [tilespmem:s22], [sflag:$0x1], $0x80, s25, s26, $0xb8;
	[tilespmem:$0x1C800] =	vst v63  }
0x9b: {  	_ =	swait.ge [sflag:s23], $0x4000  }
0x9c: {  	[sflag:s23] =	ssyncset.done $0x0  }
0x9d: {  	[sflag:s23] =	ssyncadd.s32 $0xFFFFC000  }
0x9e: {  	[spmem:s3] =	stream.indirect.scatter.add.f32 [tilespmem:s22], [sflag:$0x1], $0x80, s28, s26, $0xb8;
	[tilespmem:$0x1C800] =	vst v63  }
0x9f: {  	_ =	swait.ge [sflag:s23], $0x4000  }
0xa0: {  	[sflag:s23] =	ssyncset.done $0x0  }
0xa1: {  	[sflag:s23] =	ssyncadd.s32 $0xFFFFC000  }
0xa2: {  	[spmem:s3] =	stream.indirect.scatter.add.f32 [tilespmem:s22], [sflag:$0x1], $0x80, s29, s26, $0xb8;
	[tilespmem:$0x1C800] =	vst v63  }
0xa3: {  	_ =	swait.ge [sflag:s23], $0x4000  }
0xa4: {  	[sflag:s23] =	ssyncset.done $0x0  }
0xa5: {  	[sflag:s23] =	ssyncadd.s32 $0xFFFFC000  }
0xa6: {  	[spmem:s3] =	stream.indirect.scatter.add.f32 [tilespmem:s22], [sflag:$0x1], $0x80, s30, s26, $0xb8;
	[tilespmem:$0x1C800] =	vst v63  }
0xa7: {  	_ =	swait.ge [sflag:s23], $0x4000  }
0xa8: {  	[sflag:s23] =	ssyncset.done $0x0  }
0xa9: {  	[sflag:s23] =	ssyncadd.s32 $0xFFFFC000  }
0xaa: {  	[spmem:s3] =	stream.indirect.scatter.add.f32 [tilespmem:s22], [sflag:$0x1], $0x80, s31, s26, $0xb8;
	[tilespmem:$0x1C800] =	vst v63  }
0xab: {  	_ =	swait.ge [sflag:s23], $0x4000  }
0xac: {  	[sflag:s23] =	ssyncset.done $0x0  }
0xad: {  	[sflag:s23] =	ssyncadd.s32 $0xFFFFC000  }
0xae: {  	[spmem:s3] =	stream.indirect.scatter.add.f32 [tilespmem:s22], [sflag:$0x1], $0x80, s1, s26, $0xb8;
	[tilespmem:$0x1C800] =	vst v63  }
0xaf: {  	_ =	swait.ge [sflag:s23], $0x4000  }
0xb0: {  	[sflag:s23] =	ssyncset.done $0x0  }
0xb1: {  	[sflag:s23] =	ssyncadd.s32 $0xFFFFC000  }
0xb2: {  	[spmem:s3] =	stream.indirect.scatter.add.f32 [tilespmem:s22], [sflag:$0x1], $0x80, s0, s26, $0xb8;
	[tilespmem:$0x1C800] =	vst v63  }
0xb3: {  	_ =	swait.ge [sflag:s23], $0x4000  }
0xb4: {  	[sflag:s23] =	ssyncset.done $0x0  }
0xb5: {  	[sflag:s23] =	ssyncadd.s32 $0xFFFFC000  }
0xb6: {  	[spmem:s3] =	stream.indirect.scatter.add.f32 [tilespmem:s22], [sflag:$0x1], $0x80, s2, s26, $0xb8;
	[tilespmem:$0x1C800] =	vst v63  }
0xb7: {  	_ =	swait.ge [sflag:s23], $0x4000  }
0xb8: {  	[sflag:s23] =	ssyncset.done $0x0  }
0xb9: {  	[sflag:s23] =	ssyncadd.s32 $0xFFFFC000  }
0xba: {  	[spmem:s3] =	stream.indirect.scatter.add.f32 [tilespmem:s22], [sflag:$0x1], $0x80, s6, s26, $0xb8;
	[tilespmem:$0x1C800] =	vst v63  }
0xbb: {  	_ =	swait.ge [sflag:s23], $0x4000  }
0xbc: {  	[sflag:s23] =	ssyncset.done $0x0  }
0xbd: {  	[sflag:s23] =	ssyncadd.s32 $0xFFFFC000  }
0xbe: {  	[spmem:s3] =	stream.indirect.scatter.add.f32 [tilespmem:s22], [sflag:$0x1], $0x80, s7, s26, $0xb8;
	[tilespmem:$0x1C800] =	vst v63  }
0xbf: {  	_ =	swait.ge [sflag:s23], $0x4000  }
0xc0: {  	[sflag:s23] =	ssyncset.done $0x0  }
0xc1: {  	[sflag:s23] =	ssyncadd.s32 $0xFFFFC000  }
0xc2: {  	[spmem:s3] =	stream.indirect.scatter.add.f32 [tilespmem:s22], [sflag:$0x1], $0x80, s8, s26, $0xb8;
	[tilespmem:$0x1C800] =	vst v63  }
0xc3: {  	_ =	swait.ge [sflag:s23], $0x4000  }
0xc4: {  	[sflag:s23] =	ssyncset.done $0x0  }
0xc5: {  	[sflag:s23] =	ssyncadd.s32 $0xFFFFC000  }
0xc6: {  	[spmem:s3] =	stream.indirect.scatter.add.f32 [tilespmem:s22], [sflag:$0x1], $0x80, s10, s26, $0xb8;
	[tilespmem:$0x1C800] =	vst v63  }
0xc7: {  	_ =	swait.ge [sflag:s23], $0x4000  }
0xc8: {  	[sflag:s23] =	ssyncset.done $0x0  }
0xc9: {  	[sflag:s23] =	ssyncadd.s32 $0xFFFFC000  }
0xca: {  	[spmem:s3] =	stream.indirect.scatter.add.f32 [tilespmem:s22], [sflag:$0x1], $0x80, s12, s26, $0xb8;
	[tilespmem:$0x1C800] =	vst v63  }
0xcb: {  	_ =	swait.ge [sflag:s23], $0x4000  }
0xcc: {  	[sflag:s23] =	ssyncset.done $0x0  }
0xcd: {  	[sflag:s23] =	ssyncadd.s32 $0xFFFFC000  }
0xce: {  	[spmem:s3] =	stream.indirect.scatter.add.f32 [tilespmem:s22], [sflag:$0x1], $0x80, s14, s26, $0xb8;
	[tilespmem:$0x1C800] =	vst v63  }
0xcf: {  	_ =	swait.ge [sflag:s23], $0x4000  }
0xd0: {  	[sflag:s23] =	ssyncset.done $0x0  }
0xd1: {  	[sflag:s23] =	ssyncadd.s32 $0xFFFFC000  }
0xd2: {  	[spmem:s3] =	stream.indirect.scatter.add.f32 [tilespmem:s22], [sflag:$0x1], $0x80, s16, s26, $0xb8;
	[tilespmem:$0x1C800] =	vst v63  }
0xd3: {  	_ =	swait.ge [sflag:s23], $0x4000  }
.Ltmp0:
0xd4: {  	[sflag:s23] =	ssyncset.done $0x0;
	(pc) =	sbr.rel @p0 .LBB2_2-.Ltmp0, $4  }
0xd5: {  	[sflag:s23] =	ssyncadd.s32 $0xFFFFC000  }
0xd6: {  	[spmem:s3] =	stream.indirect.scatter.add.f32 [tilespmem:s22], [sflag:$0x1], $0x80, s17, s26, $0xb8;
	[tilespmem:$0x1C800] =	vst v63  }
0xd7: {  	_ =	swait.ge [sflag:s23], $0x4000  }
0xd8: {  	s20 =	smov.u32 s5;
	[sflag:s23] =	ssyncset.done $0x0  }
0xd9: {  	s5 =	sadd.s32 s19, s21;
	[sflag:s23] =	ssyncadd.s32 $0xFFFFC000  }
0xda: {  	[tilespmem:s25], [sflag:$0x1] =	stream.linear.gather [hbm4b:s5+s4], $0x800, $0x38;
	[tilespmem:$0x1C800] =	vst v63  }
0xdb: {  	_ =	swait.ge [sflag:s23], $0x800  }
0xdc: {  	[sflag:s23] =	ssyncset.done $0x0  }
0xdd: {  	[sflag:s23] =	ssyncadd.s32 $0xFFFFF800  }
0xde: {  	[spmem:s3] =	stream.indirect.scatter.add.f32 [tilespmem:s22], [sflag:$0x1], $0x80, s25, s26, $0xb8;
	[tilespmem:$0x1C800] =	vst v63  }
0xdf: {  	_ =	swait.ge [sflag:s23], $0x4000  }
0xe0: {  	[sflag:s23] =	ssyncset.done $0x0  }
0xe1: {  	[sflag:s23] =	ssyncadd.s32 $0xFFFFC000  }
0xe2: {  	[spmem:s3] =	stream.indirect.scatter.add.f32 [tilespmem:s22], [sflag:$0x1], $0x80, s28, s26, $0xb8;
	[tilespmem:$0x1C800] =	vst v63  }
0xe3: {  	_ =	swait.ge [sflag:s23], $0x4000  }
0xe4: {  	[sflag:s23] =	ssyncset.done $0x0  }
0xe5: {  	[sflag:s23] =	ssyncadd.s32 $0xFFFFC000  }
0xe6: {  	[spmem:s3] =	stream.indirect.scatter.add.f32 [tilespmem:s22], [sflag:$0x1], $0x80, s29, s26, $0xb8;
	[tilespmem:$0x1C800] =	vst v63  }
0xe7: {  	_ =	swait.ge [sflag:s23], $0x4000  }
0xe8: {  	[sflag:s23] =	ssyncset.done $0x0  }
0xe9: {  	[sflag:s23] =	ssyncadd.s32 $0xFFFFC000  }
0xea: {  	[spmem:s3] =	stream.indirect.scatter.add.f32 [tilespmem:s22], [sflag:$0x1], $0x80, s30, s26, $0xb8;
	[tilespmem:$0x1C800] =	vst v63  }
0xeb: {  	_ =	swait.ge [sflag:s23], $0x4000  }
0xec: {  	[sflag:s23] =	ssyncset.done $0x0  }
0xed: {  	[sflag:s23] =	ssyncadd.s32 $0xFFFFC000  }
0xee: {  	[spmem:s3] =	stream.indirect.scatter.add.f32 [tilespmem:s22], [sflag:$0x1], $0x80, s31, s26, $0xb8;
	[tilespmem:$0x1C800] =	vst v63  }
0xef: {  	_ =	swait.ge [sflag:s23], $0x4000  }
0xf0: {  	[sflag:s23] =	ssyncset.done $0x0  }
0xf1: {  	[sflag:s23] =	ssyncadd.s32 $0xFFFFC000  }
0xf2: {  	[spmem:s3] =	stream.indirect.scatter.add.f32 [tilespmem:s22], [sflag:$0x1], $0x80, s1, s26, $0xb8;
	[tilespmem:$0x1C800] =	vst v63  }
0xf3: {  	_ =	swait.ge [sflag:s23], $0x4000  }
0xf4: {  	[sflag:s23] =	ssyncset.done $0x0  }
0xf5: {  	[sflag:s23] =	ssyncadd.s32 $0xFFFFC000  }
0xf6: {  	[spmem:s3] =	stream.indirect.scatter.add.f32 [tilespmem:s22], [sflag:$0x1], $0x80, s0, s26, $0xb8;
	[tilespmem:$0x1C800] =	vst v63  }
0xf7: {  	_ =	swait.ge [sflag:s23], $0x4000  }
0xf8: {  	[sflag:s23] =	ssyncset.done $0x0  }
0xf9: {  	[sflag:s23] =	ssyncadd.s32 $0xFFFFC000  }
0xfa: {  	[spmem:s3] =	stream.indirect.scatter.add.f32 [tilespmem:s22], [sflag:$0x1], $0x80, s2, s26, $0xb8;
	[tilespmem:$0x1C800] =	vst v63  }
0xfb: {  	_ =	swait.ge [sflag:s23], $0x4000  }
0xfc: {  	[sflag:s23] =	ssyncset.done $0x0  }
0xfd: {  	[sflag:s23] =	ssyncadd.s32 $0xFFFFC000  }
0xfe: {  	[spmem:s3] =	stream.indirect.scatter.add.f32 [tilespmem:s22], [sflag:$0x1], $0x80, s6, s26, $0xb8;
	[tilespmem:$0x1C800] =	vst v63  }
0xff: {  	_ =	swait.ge [sflag:s23], $0x4000  }
0x100: {  	[sflag:s23] =	ssyncset.done $0x0  }
0x101: {  	[sflag:s23] =	ssyncadd.s32 $0xFFFFC000  }
0x102: {  	[spmem:s3] =	stream.indirect.scatter.add.f32 [tilespmem:s22], [sflag:$0x1], $0x80, s7, s26, $0xb8;
	[tilespmem:$0x1C800] =	vst v63  }
0x103: {  	_ =	swait.ge [sflag:s23], $0x4000  }
0x104: {  	[sflag:s23] =	ssyncset.done $0x0  }
0x105: {  	[sflag:s23] =	ssyncadd.s32 $0xFFFFC000  }
0x106: {  	[spmem:s3] =	stream.indirect.scatter.add.f32 [tilespmem:s22], [sflag:$0x1], $0x80, s8, s26, $0xb8;
	[tilespmem:$0x1C800] =	vst v63  }
0x107: {  	_ =	swait.ge [sflag:s23], $0x4000  }
0x108: {  	[sflag:s23] =	ssyncset.done $0x0  }
0x109: {  	[sflag:s23] =	ssyncadd.s32 $0xFFFFC000  }
0x10a: {  	[spmem:s3] =	stream.indirect.scatter.add.f32 [tilespmem:s22], [sflag:$0x1], $0x80, s10, s26, $0xb8;
	[tilespmem:$0x1C800] =	vst v63  }
0x10b: {  	_ =	swait.ge [sflag:s23], $0x4000  }
0x10c: {  	[sflag:s23] =	ssyncset.done $0x0  }
0x10d: {  	[sflag:s23] =	ssyncadd.s32 $0xFFFFC000  }
0x10e: {  	[spmem:s3] =	stream.indirect.scatter.add.f32 [tilespmem:s22], [sflag:$0x1], $0x80, s12, s26, $0xb8;
	[tilespmem:$0x1C800] =	vst v63  }
0x10f: {  	_ =	swait.ge [sflag:s23], $0x4000  }
0x110: {  	[sflag:s23] =	ssyncset.done $0x0  }
0x111: {  	[sflag:s23] =	ssyncadd.s32 $0xFFFFC000  }
0x112: {  	[spmem:s3] =	stream.indirect.scatter.add.f32 [tilespmem:s22], [sflag:$0x1], $0x80, s14, s26, $0xb8;
	[tilespmem:$0x1C800] =	vst v63  }
0x113: {  	_ =	swait.ge [sflag:s23], $0x4000  }
0x114: {  	[sflag:s23] =	ssyncset.done $0x0  }
0x115: {  	[sflag:s23] =	ssyncadd.s32 $0xFFFFC000  }
0x116: {  	[spmem:s3] =	stream.indirect.scatter.add.f32 [tilespmem:s22], [sflag:$0x1], $0x80, s16, s26, $0xb8;
	[tilespmem:$0x1C800] =	vst v63  }
0x117: {  	_ =	swait.ge [sflag:s23], $0x4000  }
0x118: {  	[sflag:s23] =	ssyncset.done $0x0  }
0x119: {  	[sflag:s23] =	ssyncadd.s32 $0xFFFFC000  }
0x11a: {  	[spmem:s3] =	stream.indirect.scatter.add.f32 [tilespmem:s22], [sflag:$0x1], $0x80, s17, s26, $0xb8;
	[tilespmem:$0x1C800] =	vst v63  }
0x11b: {  	_ =	swait.ge [sflag:s23], $0x4000  }
0x11c: {  	[sflag:s23] =	ssyncset.done $0x0  }
0x11d: {  	[sflag:s23] =	ssyncadd.s32 $0xFFFFC000  }
0x11e: {  	[bflag:$0x0] =	sbarrier.arrive $0xFFFF  }
0x11f: {  	s9 =	rddreg [dreg:$0xa]  }
0x120: {  	[tilespmem:s24], [sflag:$0x1] =	stream.linear.gather [spmem:s9], $0x4000, $0x38;
	[tilespmem:$0x1C800] =	vst v63  }
0x121: {  	_ =	swait.ge [sflag:s23], $0x4000  }
0x122: {  	[sflag:s23] =	ssyncset.done $0x0  }
0x123: {  	s19 =	rddreg [dreg:$0xd];
	[sflag:s23] =	ssyncadd.s32 $0xFFFFC000  }
0x124: {  	[hbm4b:s19+s4] =	stream.linear.scatter [tilespmem:s24], [sflag:$0x1], $0x4000, $0x38;
	[tilespmem:$0x1C800] =	vst v63  }
0x125: {  	_ =	swait.ge [sflag:s23], $0x4000  }
0x126: {  	[sflag:s23] =	ssyncset.done $0x0  }
0x127: {  	[sflag:s23] =	ssyncadd.s32 $0xFFFFC000  }
0x128: {  	[tilespmem:s24], [sflag:$0x1] =	stream.linear.gather [spmem:s13], $0x4000, $0x38;
	[tilespmem:$0x1C800] =	vst v63  }
0x129: {  	_ =	swait.ge [sflag:s23], $0x4000  }
0x12a: {  	[sflag:s23] =	ssyncset.done $0x0  }
0x12b: {  	s20 =	rddreg [dreg:$0xe];
	[sflag:s23] =	ssyncadd.s32 $0xFFFFC000  }
0x12c: {  	[hbm4b:s20+s4] =	stream.linear.scatter [tilespmem:s24], [sflag:$0x1], $0x4000, $0x38;
	[tilespmem:$0x1C800] =	vst v63  }
0x12d: {  	_ =	swait.ge [sflag:s23], $0x4000  }
0x12e: {  	[sflag:s23] =	ssyncset.done $0x0  }
0x12f: {  	[sflag:s23] =	ssyncadd.s32 $0xFFFFC000  }
0x130: {  	[tilespmem:s24], [sflag:$0x1] =	stream.linear.gather [spmem:s15], $0x4000, $0x38;
	[tilespmem:$0x1C800] =	vst v63  }
0x131: {  	_ =	swait.ge [sflag:s23], $0x4000  }
0x132: {  	[sflag:s23] =	ssyncset.done $0x0  }
0x133: {  	s11 =	rddreg [dreg:$0xf];
	[sflag:s23] =	ssyncadd.s32 $0xFFFFC000  }
0x134: {  	[hbm4b:s11+s4] =	stream.linear.scatter [tilespmem:s24], [sflag:$0x1], $0x4000, $0x38;
	[tilespmem:$0x1C800] =	vst v63  }
0x135: {  	_ =	swait.ge [sflag:s23], $0x4000  }
0x136: {  	[sflag:s23] =	ssyncset.done $0x0  }
0x137: {  	s11 =	rddreg [dreg:$0x9];
	[sflag:s23] =	ssyncadd.s32 $0xFFFFC000  }
0x138: {  	[tilespmem:s24], [sflag:$0x1] =	stream.linear.gather [spmem:s11], $0x4000, $0x38;
	[tilespmem:$0x1C800] =	vst v63  }
0x139: {  	_ =	swait.ge [sflag:s23], $0x4000  }
0x13a: {  	[sflag:s23] =	ssyncset.done $0x0  }
0x13b: {  	s19 =	smov.u32 s13;
	s13 =	rddreg [dreg:$0x10];
	[sflag:s23] =	ssyncadd.s32 $0xFFFFC000  }
0x13c: {  	[hbm4b:s13+s4] =	stream.linear.scatter [tilespmem:s24], [sflag:$0x1], $0x4000, $0x38;
	[tilespmem:$0x1C800] =	vst v63  }
0x13d: {  	_ =	swait.ge [sflag:s23], $0x4000  }
0x13e: {  	[sflag:s23] =	ssyncset.done $0x0  }
0x13f: {  	s13 =	rddreg [dreg:$0xc];
	[sflag:s23] =	ssyncadd.s32 $0xFFFFC000  }
0x140: {  	[tilespmem:s24], [sflag:$0x1] =	stream.linear.gather [spmem:s13], $0x4000, $0x38;
	[tilespmem:$0x1C800] =	vst v63  }
0x141: {  	_ =	swait.ge [sflag:s23], $0x4000  }
0x142: {  	[sflag:s23] =	ssyncset.done $0x0  }
0x143: {  	s20 =	smov.u32 s15;
	s15 =	rddreg [dreg:$0x11];
	[sflag:s23] =	ssyncadd.s32 $0xFFFFC000  }
0x144: {  	[hbm4b:s15+s4] =	stream.linear.scatter [tilespmem:s24], [sflag:$0x1], $0x4000, $0x38;
	[tilespmem:$0x1C800] =	vst v63  }
0x145: {  	_ =	swait.ge [sflag:s23], $0x4000  }
0x146: {  	s18 =	sadd.s32 $0x1, s18;
	s15 =	rddreg [dreg:$0x4]  }
0x147: {  	p0 =	sne.s32 s18, s15  }
.Ltmp1:
0x148: {  	_ = 	snop;
	(pc) =	sbr.rel @p0 .LBB2_1-.Ltmp1, $3  }
0x149: {  	_ =	sdelay $0x1  }
0x14a: {  	[sflag:s23] =	ssyncset.done $0x0  }
0x14b: {  	[sflag:s23] =	ssyncadd.s32 $0xFFFFC000  }
0x14c: {  	_ =	sfence.sel $0x180000  }
0x14d: {  	[bflag:$0x0] =	sbarrier.arrive $0xFFFF  }
0x14e: {  	_ =	strace $0x90000047  }
0x14f: {  	s0 =	stileid.u32;
	[bflag:$0x2] =	sbarrier.arrive $0xFFFF  }
0x150: {  	p0 =	sne.s32 s0, $0x0;
	s0 =	rddreg [dreg:$0x3]  }
0x151: {  	s0 =	sadd.s32 @!p0 $0x100000, s0  }
0x152: {  	[sflag:s0] =	ssyncadd.tile.s32 @!p0 $0x1;
	_ =	shalt  }
.Lfunc_end2:
_tile_overlayer_lowered:
.L_overlay_start_2:
0x153: {  	(tag) =	ssettag $0x2  }
0x154: {  	s0 =	rddreg [dreg:$0x0];
	s2 =	stileid.u32  }
0x155: {  	s1 =	rddreg [dreg:$0x1];
	p0 =	sne.s32 s2, $0x0  }
0x156: {  	s3 =	rddreg [dreg:$0x2];
	[bflag:$0x3] =	sbarrier.arrive $0xFFFF;
	s2 =	simm.s32 @!p0 $0x1C01  }
0x157: {  	[timem:s3], [sflag:s2] =	dma.local @!p0 [hbm:s0], s1  }
0x158: {  	s0 =	simm.s32 @!p0 $0x1  }
0x159: {  	_ =	swait.ge @!p0 [sflag:s0], s1  }
0x15a: {  	s1 =	ssub.s32 @!p0 $0x0, s1;
	[sflag:s0] =	ssyncset.done @!p0 $0x0  }
0x15b: {  	[sflag:s0] =	ssyncadd.s32 @!p0 s1  }
0x15c: {  	[bflag:$0x3] =	sbarrier.arrive $0xFFFF  }
0x15d: {  	_ =	shalt  }

// kernel: kernel.13.cloned.1.call-start
scs
__scs_entry_jumppad:
0x0: {  	(pc) =	sbr.rel $0x88, $3  }
0x1: {  	(tag) =	ssettag $0x0;
	lr =	simm.s32 $0x1  }
0x2: {  	[smem:$0x3F9A] =	sst lr;
	_ =	strace $0xD0000000  }
0x3: {  	_ = 	snop  }
0x4: {  	_ = 	snop  }
0x5: {  	_ = 	snop  }
0x6: {  	_ = 	snop  }
0x7: {  	_ = 	snop  }
__scs_overlays_trampoline_lowered:
0x8: {  	[smem:$0x3FA9] =	sst s0  }
0x9: {  	[smem:$0x3FAA] =	sst s1  }
0xa: {  	[smem:$0x3FAB] =	sst s2  }
0xb: {  	[smem:$0x3FAC] =	sst s3  }
0xc: {  	[smem:$0x3FAD] =	sst s4  }
0xd: {  	[smem:$0x3FAE] =	sst s5  }
0xe: {  	[smem:$0x3FAF] =	sst s6  }
0xf: {  	[smem:$0x3FB0] =	sst s7  }
0x10: {  	[smem:$0x3FB1] =	sst s8  }
0x11: {  	[smem:$0x3FB2] =	sst s9;
	s0 =	simm.s32 @!p0 $0x0  }
0x12: {  	s1 =	sld [smem:$0x3F98];
	s0 =	simm.s32 @p0 $0x1  }
0x13: {  	[smem:$0x3FB3] =	sst s0;
	s0 =	simm.s32 @!p1 $0x0  }
0x14: {  	s2 =	sld [smem:$0x3F97];
	s0 =	simm.s32 @p1 $0x1  }
0x15: {  	[smem:$0x3FB4] =	sst s0;
	s0 =	simm.s32 @!p2 $0x0  }
0x16: {  	s3 =	sld [smem:$0x3FDB];
	s0 =	simm.s32 @p2 $0x1  }
0x17: {  	s4 =	simm.s32 $0x1BF5;
	[smem:$0x3FB6] =	sst s0  }
0x18: {  	s0 =	sld [smem:$0x3F99];
	_ =	swait.ge [sflag:s4], $0x0  }
0x19: {  	s7 =	sld [smem:$0x3F9A]  }
0x1a: {  	s8 =	sadd.s32 $0xFFFFE003, lr  }
0x1b: {  	s9 =	sadd.s32 $0xFFFFFEF7, lr;
	s5 =	simm.s32 $0xFFFFFFFF;
	p2 =	slt.u32 s8, $0xFFFFF086  }
0x1c: {  	p1 =	slt.u32 s9, $0xF7A;
	s5 =	simm.s32 @!p2 $0x0  }
0x1d: {  	s5 =	simm.s32 @p1 $0x1;
	p0 =	seq.s32 s7, s2  }
0x1e: {  	s7 =	smul.u32 @!p0 $0xF7A, s2;
	p2 =	seq.s32 @!p0 s5, $0x0  }
0x1f: {  	s9 =	smul.u32 $0xF7A, s1;
	s8 =	simm.s32 @!p0 $0x1BF5;
	p2 =	por !p2, p0  }
0x20: {  	[sflag:s8] =	ssyncset.s32 @!p0 $0xFFFFF086;
	s6 =	sadd.s32 @!p0 s3, s7;
	s7 =	simm.s32 @!p0 $0x108  }
0x21: {  	s3 =	sadd.s32 s3, s9;
	s6 =	sadd.s32 @!p0 $0x88, s6;
	s7 =	simm.s32 @p2 $0x1082  }
0x22: {  	[simem:s7], [sflag:s8] =	dma.local @!p0 [hbm:s6], $0xF7A  }
0x23: {  	s9 =	sor.u32 $0xD0000000, s2;
	s6 =	simm.s32 $0x108;
	_ =	swait.ge @!p0 [sflag:s8], $0x0  }
0x24: {  	s3 =	sadd.s32 $0x88, s3;
	s6 =	simm.s32 @!p1 $0x1082;
	[sflag:s4] =	ssyncset.s32 $0xFFFFF086  }
0x25: {  	[simem:s6], [sflag:s4] =	dma.local [hbm:s3], $0xF7A  }
0x26: {  	[smem:$0x3F9A] =	sst s1;
	(tag) =	ssettag s2;
	_ =	strace s9  }
0x27: {  	s1 =	sld [smem:$0x3FAA]  }
0x28: {  	s2 =	sld [smem:$0x3FAB]  }
0x29: {  	s4 =	sld [smem:$0x3FAD]  }
0x2a: {  	p0 =	seq.s32 s5, $0x0;
	s5 =	sld [smem:$0x3FAE]  }
0x2b: {  	s6 =	sld [smem:$0x3FAF]  }
0x2c: {  	s7 =	sld [smem:$0x3FB0]  }
0x2d: {  	s3 =	simm.s32 $0x108;
	s8 =	sld [smem:$0x3FB1]  }
0x2e: {  	s3 =	simm.s32 @!p0 $0x1082;
	s9 =	sld [smem:$0x3FB2]  }
0x2f: {  	lr =	sadd.s32 s0, s3;
	s0 =	sld [smem:$0x3FA9]  }
0x30: {  	s3 =	sld [smem:$0x3FAC]  }
0x31: {  	[smem:$0x3FB5] =	sst s10  }
0x32: {  	s10 =	sld [smem:$0x3FB3];
	_ =	sdelay $0x3  }
0x33: {  	p0 =	seq.s32 s10, $0x1;
	s10 =	sld [smem:$0x3FB5];
	_ =	sdelay $0x3  }
0x34: {  	[smem:$0x3FB5] =	sst s10  }
0x35: {  	s10 =	sld [smem:$0x3FB4];
	_ =	sdelay $0x3  }
0x36: {  	p1 =	seq.s32 s10, $0x1;
	s10 =	sld [smem:$0x3FB5];
	_ =	sdelay $0x3  }
0x37: {  	[smem:$0x3FB5] =	sst s10  }
0x38: {  	s10 =	sld [smem:$0x3FB6]  }
0x39: {  	_ = 	snop;
	(pc) =	sbr.ind lr, $3  }
0x3a: {  	_ = 	snop  }
0x3b: {  	_ = 	snop  }
0x3c: {  	p2 =	seq.s32 s10, $0x1;
	s10 =	sld [smem:$0x3FB5]  }
0x3d: {  	_ =	shalt  }
0x3e: {  	_ =	shalt  }
0x3f: {  	_ =	shalt  }
0x40: {  	_ =	shalt  }
0x41: {  	_ =	shalt  }
0x42: {  	_ =	shalt  }
0x43: {  	_ =	shalt  }
0x44: {  	_ =	shalt  }
0x45: {  	_ =	shalt  }
0x46: {  	_ =	shalt  }
0x47: {  	_ =	shalt  }
0x48: {  	_ =	shalt  }
0x49: {  	_ =	shalt  }
0x4a: {  	_ =	shalt  }
0x4b: {  	_ =	shalt  }
0x4c: {  	_ =	shalt  }
0x4d: {  	_ =	shalt  }
0x4e: {  	_ =	shalt  }
0x4f: {  	_ =	shalt  }
0x50: {  	_ =	shalt  }
0x51: {  	_ =	shalt  }
0x52: {  	_ =	shalt  }
0x53: {  	_ =	shalt  }
0x54: {  	_ =	shalt  }
0x55: {  	_ =	shalt  }
0x56: {  	_ =	shalt  }
0x57: {  	_ =	shalt  }
0x58: {  	_ =	shalt  }
0x59: {  	_ =	shalt  }
0x5a: {  	_ =	shalt  }
0x5b: {  	_ =	shalt  }
0x5c: {  	_ =	shalt  }
0x5d: {  	_ =	shalt  }
0x5e: {  	_ =	shalt  }
0x5f: {  	_ =	shalt  }
0x60: {  	_ =	shalt  }
0x61: {  	_ =	shalt  }
0x62: {  	_ =	shalt  }
0x63: {  	_ =	shalt  }
0x64: {  	_ =	shalt  }
0x65: {  	_ =	shalt  }
0x66: {  	_ =	shalt  }
0x67: {  	_ =	shalt  }
0x68: {  	_ =	shalt  }
0x69: {  	_ =	shalt  }
0x6a: {  	_ =	shalt  }
0x6b: {  	_ =	shalt  }
0x6c: {  	_ =	shalt  }
0x6d: {  	_ =	shalt  }
0x6e: {  	_ =	shalt  }
0x6f: {  	_ =	shalt  }
0x70: {  	_ =	shalt  }
0x71: {  	_ =	shalt  }
0x72: {  	_ =	shalt  }
0x73: {  	_ =	shalt  }
0x74: {  	_ =	shalt  }
0x75: {  	_ =	shalt  }
0x76: {  	_ =	shalt  }
0x77: {  	_ =	shalt  }
0x78: {  	_ =	shalt  }
0x79: {  	_ =	shalt  }
0x7a: {  	_ =	shalt  }
0x7b: {  	_ =	shalt  }
0x7c: {  	_ =	shalt  }
0x7d: {  	_ =	shalt  }
0x7e: {  	_ =	shalt  }
0x7f: {  	_ =	shalt  }
0x80: {  	_ =	shalt  }
0x81: {  	_ =	shalt  }
0x82: {  	_ =	shalt  }
0x83: {  	_ =	shalt  }
0x84: {  	_ =	shalt  }
0x85: {  	_ =	shalt  }
0x86: {  	_ =	shalt  }
0x87: {  	_ =	shalt  }
.Lfunc_end0:
.L_simem_size_0:
called_computation.1_lowered:
.L_overlay_start_0:
0x88: {  	s2 =	sld [smem:$0x3FD9]  }
0x89: {  	s3 =	sld [smem:$0x3FFE];
	_ =	sdelay $0x1  }
0x8a: {  	s1 =	srdreg.scid  }
0x8b: {  	s0 =	sand.u32 $0x1, s1  }
0x8c: {  	s16 =	sshll.u32 s0, $0xA;
	s2 =	sadd.s32 s3, s2  }
0x8d: {  	s2 =	sadd.s32 s2, s16  }
0x8e: {  	[smem:$0x3FC1] =	sst s2  }
0x8f: {  	_ = 	snop  }
0x90: {  	(tm) =	ssettm $0x1  }
0x91: {  	s17 =	sld [smem:$0x3FFB];
	_ =	sdelay $0x3  }
0x92: {  	_ =	strace s17  }
0x93: {  	s2 =	sld [smem:$0x3FFC];
	_ =	sdelay $0x3  }
0x94: {  	_ =	strace s2  }
0x95: {  	s2 =	sld [smem:$0x3FFD];
	_ =	sdelay $0x3  }
0x96: {  	_ =	strace s2  }
0x97: {  	_ =	strace $0x8FFFFFFF  }
0x98: {  	s18 =	sld [smem:$0x3FDB];
	_ =	sdelay $0x1  }
0x99: {  	s19 =	simm.s32 $_scs_section_size  }
0x9a: {  	s4 =	simm.s32 $_size__tile_overlayer_lowered;
	s5 =	simm.s32 $_tile_overlayer_lowered  }
0x9b: {  	s22 =	simm.s32 $0x1BFF;
	s21 =	sshll.u32 s5, $0x1;
	s2 =	sadd.s32 s19, s18  }
0x9c: {  	s6 =	simm.s32 $0x0;
	s20 =	sshll.u32 s4, $0x1;
	s4 =	sadd.s32 s21, s2  }
0x9d: {  	[timem:s6], [sflag:s22] =	dma.local [hbm:s4], s20  }
0x9e: {  	_ =	swait.ge [sflag:s22], s20  }
0x9f: {  	s3 =	ssub.s32 $0x0, s20;
	[sflag:s22] =	ssyncset.done $0x0  }
0xa0: {  	[sflag:s22] =	ssyncadd.s32 s3;
	_ =	sdelay $0x1  }
0xa1: {  	s23 =	simm.s32 $0x1B8B  }
0xa2: {  	_ =	swait.ge [sflag:s23], $0x1  }
0xa3: {  	[sflag:s23] =	ssyncset.done $0x0  }
0xa4: {  	s25 =	simm.s32 $0x1B8E;
	s24 =	sld [smem:$0x3FFE];
	[sflag:s23] =	ssyncadd.s32 $0xFFFFFFFF  }
0xa5: {  	s26 =	simm.s32 $execute0_lowered;
	[smem:$0x3FD2] =	sst s25  }
0xa6: {  	s4 =	sshll.u32 s26, $0x1;
	_ =	strace $0x80000049;
	[dreg:$0x1] =	wrdreg $0xFFFFFFFF  }
0xa7: {  	s28 =	simm.s32 $_size_execute0_lowered;
	s2 =	sadd.s32 s2, s4;
	[dreg:$0x0] =	wrdreg $0x0  }
0xa8: {  	s4 =	sshll.u32 s28, $0x1;
	[dreg:$0x2] =	wrdreg s2  }
0xa9: {  	[dreg:$0x3] =	wrdreg s4  }
0xaa: {  	[dreg:$0x4] =	wrdreg $0xC0  }
0xab: {  	_ =	task [dreg:s6], $0x5FFFF  }
0xac: {  	[dreg:$0x1] =	wrdreg $0xFFFFFFFF  }
0xad: {  	[dreg:$0x0] =	wrdreg $0x60  }
0xae: {  	[dreg:$0x2] =	wrdreg s24  }
0xaf: {  	[dreg:$0x3] =	wrdreg $0x0  }
0xb0: {  	[dreg:$0x4] =	wrdreg $0x9  }
0xb1: {  	_ =	task.clear_ibuf [dreg:s6], $0x5FFFF;
	_ =	strace $0x90000049  }
0xb2: {  	s29 =	simm.s32 $0x9;
	_ =	strace $0x8000004B  }
0xb3: {  	_ =	swait.ge [sflag:s29], $0x1  }
0xb4: {  	[sflag:s29] =	ssyncadd.s32 $0xFFFFFFFF  }
0xb5: {  	_ =	strace $0x9000004B  }
0xb6: {  	_ =	sfence  }
0xb7: {  	s30 =	sld [smem:$0x0];
	_ =	sdelay $0x2  }
0xb8: {  	s31 =	sshll.u32 s1, $0xD;
	s1 =	sshrl.u32 s1, $0x2  }
0xb9: {  	s3 =	sand.u32 $0x4000, s31;
	s1 =	sadd.s32 s1, s30  }
0xba: {  	s0 =	sor.u32 s3, s0;
	s1 =	sshll.u32 s1, $0x11  }
0xbb: {  	s0 =	sor.u32 s1, s0  }
0xbc: {  	s0 =	sadd.s32 $0x8F2B, s0  }
0xbd: {  	[sflag:s0] =	ssyncadd.remote.s32 $0x1  }
0xbe: {  	_ =	sfence.sel $0xFFFF  }
0xbf: {  	[dreg:$0x0] =	wrdreg $0xFFFFFFFF;
	(pc) =	sbr.abs _section_cstart, $3  }
0xc0: {  	[dreg:$0x1] =	wrdreg $0xFFFFFFFF  }
0xc1: {  	_ =	task.clear_ibuf [dreg:s6], $0x2FFFF;
	_ =	strace $0x9FFFFFFF  }
0xc2: {  	(tm) =	ssettm $0x7FFFFFFF  }
0xc3: {  	_ =	shalt  }
tec
execute0_lowered:
.L_overlay_start_1:
0x0: {  	(tag) =	ssettag $0x1  }
0x1: {  	s0 =	rddreg [dreg:$0x0]  }
0x2: {  	s1 =	rddreg [dreg:$0x1];
	s2 =	simm.s32 $0x0  }
0x3: {  	s4 =	srdreg.scid;
	s14 =	stileid.u32;
	s28 =	simm.s32 $0x14000  }
0x4: {  	s29 =	simm.s32 $0x2;
	s30 =	simm.s32 $0x18000;
	s31 =	simm.s32 $0x18800  }
0x5: {  	[smem:$0x7FF] =	sst s2;
	s3 =	sadd.s32 $0xB5A00, s0;
	s5 =	sadd.s32 $0xDDA00, s0  }
0x6: {  	s6 =	sadd.s32 $0x84800, s0;
	s7 =	sadd.s32 $0x2800, s0;
	s10 =	smul.u32 $0x280, s14  }
0x7: {  	s4 =	sand.u32 $0x1, s4;
	s11 =	sadd.s32 $0x105A00, s0;
	s12 =	smul.u32 $0x50000, s14  }
0x8: {  	s8 =	sadd.s32 $0xC800, s0;
	s0 =	sadd.s32 $0x12DA00, s0;
	s17 =	smul.u32 $0x2800, s14  }
0x9: {  	_ =	strace $0x8000004A;
	s9 =	ssub.s32 $0x2, s4;
	[dreg:$0x3] =	wrdreg s11  }
0xa: {  	[dreg:$0x4] =	wrdreg s0;
	p0 =	seq.s32 s4, $0x1;
	s15 =	sshrl.u32 s9, $0x1  }
0xb: {  	s18 =	sshrl.u32 s12, $0x2;
	[dreg:$0x5] =	wrdreg s17;
	s19 =	sadd.s32 s8, s17  }
0xc: {  	s20 =	sadd.s32 $0x80, s10;
	s22 =	sadd.s32 $0x100, s10;
	s25 =	sadd.s32 $0x180, s10  }
0xd: {  	s26 =	sadd.s32 $0x200, s10;
	s16 =	ssub.s32 s9, s15;
	[dreg:$0x7] =	wrdreg s19  }
0xe: {  	s13 =	sadd.s32 s18, s1;
	s21 =	sshll.u32 s20, $0x4;
	s17 =	sshll.u32 s22, $0x4  }
0xf: {  	s24 =	sshll.u32 s22, $0x7;
	s4 =	sshll.u32 s25, $0x7;
	s22 =	sshll.u32 s26, $0x4  }
0x10: {  	s0 =	smax.u32 s16, $0x1;
	[dreg:$0x8] =	wrdreg s21;
	s9 =	sadd.s32 s8, s21  }
0x11: {  	s23 =	sadd.s32 s8, s17;
	s19 =	sadd.s32 s24, s1;
	[dreg:$0x6] =	wrdreg s0  }
.Ltmp0:
0x12: {  	s24 =	sadd.s32 s8, s22;
	[dreg:$0x9] =	wrdreg s9;
	(pc) =	sbr.rel .LBB2_1-.Ltmp0, $4  }
0x13: {  	s0 =	sshll.u32 s20, $0x7;
	[dreg:$0xa] =	wrdreg s23;
	s20 =	sshll.u32 s25, $0x4  }
0x14: {  	s23 =	sadd.s32 s4, s1;
	s4 =	simm.s32 $0x1;
	s16 =	sadd.s32 s0, s1  }
0x15: {  	s21 =	sadd.s32 s8, s20;
	s0 =	sshll.u32 s26, $0x7;
	s26 =	smul.u32 $0x5000, s14  }
0x16: {  	s8 =	simm.s32 $0x0;
	s25 =	sadd.s32 s0, s1;
	s0 =	simm.s32 $0x80  }
.LBB2_12:
0x17: {  	[bflag:$0x0] =	sbarrier.arrive $0xFFFF  }
0x18: {  	[tilespmem:s28], [sflag:$0x2] =	stream.linear.gather [spmem:s13], $0x4000, $0x38;
	[tilespmem:$0x19000] =	vst v63  }
0x19: {  	_ =	swait.ge [sflag:s29], $0x4000  }
0x1a: {  	[sflag:s29] =	ssyncset.done $0x0;
	s10 =	rddreg [dreg:$0x5]  }
0x1b: {  	s10 =	sadd.s32 s9, s10;
	[sflag:s29] =	ssyncadd.s32 $0xFFFFC000  }
0x1c: {  	[hbm4b:s10+s2] =	stream.linear.scatter [tilespmem:s28], [sflag:$0x2], $0x4000, $0x38;
	[tilespmem:$0x19000] =	vst v63  }
0x1d: {  	_ =	swait.ge [sflag:s29], $0x4000  }
0x1e: {  	[sflag:s29] =	ssyncset.done $0x0  }
0x1f: {  	[sflag:s29] =	ssyncadd.s32 $0xFFFFC000  }
0x20: {  	[tilespmem:s28], [sflag:$0x2] =	stream.linear.gather [spmem:s16], $0x4000, $0x38;
	[tilespmem:$0x19000] =	vst v63  }
0x21: {  	_ =	swait.ge [sflag:s29], $0x4000  }
0x22: {  	[sflag:s29] =	ssyncset.done $0x0;
	s11 =	rddreg [dreg:$0x8]  }
0x23: {  	s10 =	sadd.s32 s9, s11;
	[sflag:s29] =	ssyncadd.s32 $0xFFFFC000  }
0x24: {  	[hbm4b:s10+s2] =	stream.linear.scatter [tilespmem:s28], [sflag:$0x2], $0x4000, $0x38;
	[tilespmem:$0x19000] =	vst v63  }
0x25: {  	_ =	swait.ge [sflag:s29], $0x4000  }
0x26: {  	[sflag:s29] =	ssyncset.done $0x0  }
0x27: {  	[sflag:s29] =	ssyncadd.s32 $0xFFFFC000  }
0x28: {  	[tilespmem:s28], [sflag:$0x2] =	stream.linear.gather [spmem:s19], $0x4000, $0x38;
	[tilespmem:$0x19000] =	vst v63  }
0x29: {  	_ =	swait.ge [sflag:s29], $0x4000  }
0x2a: {  	[sflag:s29] =	ssyncset.done $0x0  }
0x2b: {  	s12 =	sadd.s32 s9, s17;
	[sflag:s29] =	ssyncadd.s32 $0xFFFFC000  }
0x2c: {  	[hbm4b:s12+s2] =	stream.linear.scatter [tilespmem:s28], [sflag:$0x2], $0x4000, $0x38;
	[tilespmem:$0x19000] =	vst v63  }
0x2d: {  	_ =	swait.ge [sflag:s29], $0x4000  }
0x2e: {  	[sflag:s29] =	ssyncset.done $0x0  }
0x2f: {  	[sflag:s29] =	ssyncadd.s32 $0xFFFFC000  }
0x30: {  	[tilespmem:s28], [sflag:$0x2] =	stream.linear.gather [spmem:s23], $0x4000, $0x38;
	[tilespmem:$0x19000] =	vst v63  }
0x31: {  	_ =	swait.ge [sflag:s29], $0x4000  }
0x32: {  	[sflag:s29] =	ssyncset.done $0x0  }
0x33: {  	s14 =	sadd.s32 s9, s20;
	[sflag:s29] =	ssyncadd.s32 $0xFFFFC000  }
0x34: {  	[hbm4b:s14+s2] =	stream.linear.scatter [tilespmem:s28], [sflag:$0x2], $0x4000, $0x38;
	[tilespmem:$0x19000] =	vst v63  }
0x35: {  	_ =	swait.ge [sflag:s29], $0x4000  }
0x36: {  	[sflag:s29] =	ssyncset.done $0x0  }
0x37: {  	[sflag:s29] =	ssyncadd.s32 $0xFFFFC000  }
0x38: {  	[tilespmem:s28], [sflag:$0x2] =	stream.linear.gather [spmem:s25], $0x4000, $0x38;
	[tilespmem:$0x19000] =	vst v63  }
0x39: {  	_ =	swait.ge [sflag:s29], $0x4000  }
0x3a: {  	[sflag:s29] =	ssyncset.done $0x0  }
0x3b: {  	s15 =	sadd.s32 s9, s22;
	[sflag:s29] =	ssyncadd.s32 $0xFFFFC000  }
0x3c: {  	[hbm4b:s15+s2] =	stream.linear.scatter [tilespmem:s28], [sflag:$0x2], $0x4000, $0x38;
	[tilespmem:$0x19000] =	vst v63  }
0x3d: {  	_ =	swait.ge [sflag:s29], $0x4000  }
0x3e: {  	s8 =	sadd.s32 $0x1, s8;
	s18 =	rddreg [dreg:$0x6]  }
0x3f: {  	p1 =	sne.s32 s8, s18  }
.Ltmp1:
0x40: {  	_ = 	snop;
	(pc) =	sbr.rel @!p1 .LBB2_13-.Ltmp1, $3  }
0x41: {  	_ =	sdelay $0x1  }
0x42: {  	[sflag:s29] =	ssyncset.done $0x0  }
0x43: {  	[sflag:s29] =	ssyncadd.s32 $0xFFFFC000  }
.LBB2_1:
.Ltmp2:
0x44: {  	(pc) =	sbr.rel @!p0 .LBB2_2-.Ltmp2, $2  }
0x45: {  	_ =	sdelay $0x2  }
0x46: {  	s9 =	simm.s32 $0x0  }
0x47: {  	s10 =	rddreg [dreg:$0x7]  }
0x48: {  	[tilespmem:s28], [sflag:$0x2] =	stream.linear.gather [hbm4b:s10+s9], $0x4000, $0x38;
	[tilespmem:$0x19000] =	vst v63  }
0x49: {  	_ =	swait.ge [sflag:s29], $0x4000  }
0x4a: {  	[sflag:s29] =	ssyncset.done $0x0  }
0x4b: {  	[sflag:s29] =	ssyncadd.s32 $0xFFFFC000  }
0x4c: {  	[spmem:s13] =	stream.linear.scatter [tilespmem:s28], [sflag:$0x2], $0x4000, $0x38;
	[tilespmem:$0x19000] =	vst v63  }
0x4d: {  	_ =	swait.ge [sflag:s29], $0x4000  }
0x4e: {  	[sflag:s29] =	ssyncset.done $0x0  }
0x4f: {  	s15 =	rddreg [dreg:$0x9];
	[sflag:s29] =	ssyncadd.s32 $0xFFFFC000  }
0x50: {  	[tilespmem:s28], [sflag:$0x2] =	stream.linear.gather [hbm4b:s15+s9], $0x4000, $0x38;
	[tilespmem:$0x19000] =	vst v63  }
0x51: {  	_ =	swait.ge [sflag:s29], $0x4000  }
0x52: {  	[sflag:s29] =	ssyncset.done $0x0  }
0x53: {  	[sflag:s29] =	ssyncadd.s32 $0xFFFFC000  }
0x54: {  	[spmem:s16] =	stream.linear.scatter [tilespmem:s28], [sflag:$0x2], $0x4000, $0x38;
	[tilespmem:$0x19000] =	vst v63  }
0x55: {  	_ =	swait.ge [sflag:s29], $0x4000  }
0x56: {  	[sflag:s29] =	ssyncset.done $0x0  }
0x57: {  	s18 =	rddreg [dreg:$0xa];
	[sflag:s29] =	ssyncadd.s32 $0xFFFFC000  }
0x58: {  	[tilespmem:s28], [sflag:$0x2] =	stream.linear.gather [hbm4b:s18+s9], $0x4000, $0x38;
	[tilespmem:$0x19000] =	vst v63  }
0x59: {  	_ =	swait.ge [sflag:s29], $0x4000  }
0x5a: {  	[sflag:s29] =	ssyncset.done $0x0  }
0x5b: {  	[sflag:s29] =	ssyncadd.s32 $0xFFFFC000  }
0x5c: {  	[spmem:s19] =	stream.linear.scatter [tilespmem:s28], [sflag:$0x2], $0x4000, $0x38;
	[tilespmem:$0x19000] =	vst v63  }
0x5d: {  	_ =	swait.ge [sflag:s29], $0x4000  }
0x5e: {  	[sflag:s29] =	ssyncset.done $0x0  }
0x5f: {  	[sflag:s29] =	ssyncadd.s32 $0xFFFFC000  }
0x60: {  	[tilespmem:s28], [sflag:$0x2] =	stream.linear.gather [hbm4b:s21+s9], $0x4000, $0x38;
	[tilespmem:$0x19000] =	vst v63  }
0x61: {  	_ =	swait.ge [sflag:s29], $0x4000  }
0x62: {  	[sflag:s29] =	ssyncset.done $0x0  }
0x63: {  	[sflag:s29] =	ssyncadd.s32 $0xFFFFC000  }
0x64: {  	[spmem:s23] =	stream.linear.scatter [tilespmem:s28], [sflag:$0x2], $0x4000, $0x38;
	[tilespmem:$0x19000] =	vst v63  }
0x65: {  	_ =	swait.ge [sflag:s29], $0x4000  }
0x66: {  	[sflag:s29] =	ssyncset.done $0x0  }
0x67: {  	[sflag:s29] =	ssyncadd.s32 $0xFFFFC000  }
0x68: {  	[tilespmem:s28], [sflag:$0x2] =	stream.linear.gather [hbm4b:s24+s9], $0x4000, $0x38;
	[tilespmem:$0x19000] =	vst v63  }
0x69: {  	_ =	swait.ge [sflag:s29], $0x4000  }
0x6a: {  	[sflag:s29] =	ssyncset.done $0x0  }
0x6b: {  	[sflag:s29] =	ssyncadd.s32 $0xFFFFC000  }
0x6c: {  	[spmem:s25] =	stream.linear.scatter [tilespmem:s28], [sflag:$0x2], $0x4000, $0x38;
	[tilespmem:$0x19000] =	vst v63  }
0x6d: {  	_ =	swait.ge [sflag:s29], $0x4000  }
0x6e: {  	[sflag:s29] =	ssyncset.done $0x0  }
0x6f: {  	[sflag:s29] =	ssyncadd.s32 $0xFFFFC000  }
0x70: {  	s11 =	simm.s32 $0x0;
	[bflag:$0x0] =	sbarrier.arrive $0xFFFF  }
.LBB2_8:
0x71: {  	s10 =	sshll.u32 s11, $0xB  }
0x72: {  	s10 =	sadd.s32 s26, s10  }
0x73: {  	s10 =	sshrl.u32 s10, $0x3  }
0x74: {  	s12 =	sadd.s32 s6, s10  }
0x75: {  	[tilespmem:s30], [sflag:$0x2] =	stream.linear.gather [hbm4b:s12+s9], $0x800, $0x38;
	[tilespmem:$0x19000] =	vst v63  }
0x76: {  	_ =	swait.ge [sflag:s29], $0x800  }
0x77: {  	[sflag:s29] =	ssyncset.done $0x0  }
0x78: {  	s10 =	sadd.s32 s7, s10;
	[sflag:s29] =	ssyncadd.s32 $0xFFFFF800  }
0x79: {  	[tilespmem:s31], [sflag:$0x2] =	stream.linear.gather [hbm4b:s10+s9], $0x800, $0x38;
	[tilespmem:$0x19000] =	vst v63  }
0x7a: {  	_ =	swait.ge [sflag:s29], $0x800  }
0x7b: {  	[sflag:s29] =	ssyncset.done $0x0  }
0x7c: {  	s15 =	simm.s32 $0x18000;
	[sflag:s29] =	ssyncadd.s32 $0xFFFFF800  }
0x7d: {  	[tilespmem:s28], [sflag:$0x1] =	stream.indirect.gather [hbm4b:s5+s0], $0x80, s15, s0, $0xb8;
	[tilespmem:$0x19000] =	vst v63  }
0x7e: {  	_ =	swait.ge [sflag:s4], $0x4000  }
0x7f: {  	[sflag:s4] =	ssyncset.done $0x0  }
0x80: {  	s18 =	simm.s32 $0x18800;
	[sflag:s4] =	ssyncadd.s32 $0xFFFFC000  }
0x81: {  	[spmem:s1] =	stream.indirect.scatter.add.f32 [tilespmem:s28], [sflag:$0x2], $0x80, s18, s0, $0xb8;
	[tilespmem:$0x19000] =	vst v63  }
0x82: {  	_ =	swait.ge [sflag:s29], $0x4000  }
0x83: {  	s12 =	simm.s32 $0x80;
	s10 =	simm.s32 $0x400;
	[sflag:s29] =	ssyncset.done $0x0  }
.LBB2_9:
0x84: {  	s14 =	sadd.s32 $0x18000, s12  }
0x85: {  	[sflag:s29] =	ssyncadd.s32 $0xFFFFC000;
	s15 =	smov.u32 s10;
	s18 =	sadd.s32 $0x200, s10  }
0x86: {  	[tilespmem:s28], [sflag:$0x1] =	stream.indirect.gather [hbm4b:s5+s0], $0x80, s14, s0, $0xb8;
	[tilespmem:$0x19000] =	vst v63  }
0x87: {  	p1 =	sne.s32 s10, $0x1E00;
	_ =	swait.ge [sflag:s4], $0x4000  }
.Ltmp3:
0x88: {  	[sflag:s4] =	ssyncset.done $0x0;
	(pc) =	sbr.rel @p1 .LBB2_9-.Ltmp3, $4  }
0x89: {  	s10 =	sadd.s32 $0x18800, s12;
	[sflag:s4] =	ssyncadd.s32 $0xFFFFC000  }
0x8a: {  	[spmem:s1] =	stream.indirect.scatter.add.f32 [tilespmem:s28], [sflag:$0x2], $0x80, s10, s0, $0xb8;
	[tilespmem:$0x19000] =	vst v63  }
0x8b: {  	_ =	swait.ge [sflag:s29], $0x4000  }
0x8c: {  	s12 =	sshra.s32 s15, $0x2;
	s10 =	smov.u32 s18;
	[sflag:s29] =	ssyncset.done $0x0  }
0x8d: {  	s10 =	sadd.s32 $0x18000, s12;
	[sflag:s29] =	ssyncadd.s32 $0xFFFFC000  }
0x8e: {  	[tilespmem:s28], [sflag:$0x1] =	stream.indirect.gather [hbm4b:s5+s0], $0x80, s10, s0, $0xb8;
	[tilespmem:$0x19000] =	vst v63  }
0x8f: {  	s11 =	sadd.s32 $0x1, s11;
	_ =	swait.ge [sflag:s4], $0x4000  }
0x90: {  	p1 =	sne.s32 s11, $0xA;
	[sflag:s4] =	ssyncset.done $0x0  }
.Ltmp4:
0x91: {  	s18 =	sadd.s32 $0x18800, s12;
	[sflag:s4] =	ssyncadd.s32 $0xFFFFC000;
	(pc) =	sbr.rel @p1 .LBB2_8-.Ltmp4, $4  }
0x92: {  	[spmem:s1] =	stream.indirect.scatter.add.f32 [tilespmem:s28], [sflag:$0x2], $0x80, s18, s0, $0xb8;
	[tilespmem:$0x19000] =	vst v63  }
0x93: {  	_ =	swait.ge [sflag:s29], $0x4000  }
0x94: {  	[sflag:s29] =	ssyncset.done $0x0  }
0x95: {  	[sflag:s29] =	ssyncadd.s32 $0xFFFFC000  }
.Ltmp5:
0x96: {  	(pc) =	sbr.rel .LBB2_12-.Ltmp5, $2  }
0x97: {  	_ =	sdelay $0x2  }
0x98: {  	s9 =	rddreg [dreg:$0x4]  }
.LBB2_2:
0x99: {  	s10 =	rddreg [dreg:$0x7]  }
0x9a: {  	[tilespmem:s28], [sflag:$0x2] =	stream.linear.gather [hbm4b:s10+s9], $0x4000, $0x38;
	[tilespmem:$0x19000] =	vst v63  }
0x9b: {  	_ =	swait.ge [sflag:s29], $0x4000  }
0x9c: {  	[sflag:s29] =	ssyncset.done $0x0  }
0x9d: {  	[sflag:s29] =	ssyncadd.s32 $0xFFFFC000  }
0x9e: {  	[spmem:s13] =	stream.linear.scatter [tilespmem:s28], [sflag:$0x2], $0x4000, $0x38;
	[tilespmem:$0x19000] =	vst v63  }
0x9f: {  	_ =	swait.ge [sflag:s29], $0x4000  }
0xa0: {  	[sflag:s29] =	ssyncset.done $0x0  }
0xa1: {  	s15 =	rddreg [dreg:$0x9];
	[sflag:s29] =	ssyncadd.s32 $0xFFFFC000  }
0xa2: {  	[tilespmem:s28], [sflag:$0x2] =	stream.linear.gather [hbm4b:s15+s9], $0x4000, $0x38;
	[tilespmem:$0x19000] =	vst v63  }
0xa3: {  	_ =	swait.ge [sflag:s29], $0x4000  }
0xa4: {  	[sflag:s29] =	ssyncset.done $0x0  }
0xa5: {  	[sflag:s29] =	ssyncadd.s32 $0xFFFFC000  }
0xa6: {  	[spmem:s16] =	stream.linear.scatter [tilespmem:s28], [sflag:$0x2], $0x4000, $0x38;
	[tilespmem:$0x19000] =	vst v63  }
0xa7: {  	_ =	swait.ge [sflag:s29], $0x4000  }
0xa8: {  	[sflag:s29] =	ssyncset.done $0x0  }
0xa9: {  	s18 =	rddreg [dreg:$0xa];
	[sflag:s29] =	ssyncadd.s32 $0xFFFFC000  }
0xaa: {  	[tilespmem:s28], [sflag:$0x2] =	stream.linear.gather [hbm4b:s18+s9], $0x4000, $0x38;
	[tilespmem:$0x19000] =	vst v63  }
0xab: {  	_ =	swait.ge [sflag:s29], $0x4000  }
0xac: {  	[sflag:s29] =	ssyncset.done $0x0  }
0xad: {  	[sflag:s29] =	ssyncadd.s32 $0xFFFFC000  }
0xae: {  	[spmem:s19] =	stream.linear.scatter [tilespmem:s28], [sflag:$0x2], $0x4000, $0x38;
	[tilespmem:$0x19000] =	vst v63  }
0xaf: {  	_ =	swait.ge [sflag:s29], $0x4000  }
0xb0: {  	[sflag:s29] =	ssyncset.done $0x0  }
0xb1: {  	[sflag:s29] =	ssyncadd.s32 $0xFFFFC000  }
0xb2: {  	[tilespmem:s28], [sflag:$0x2] =	stream.linear.gather [hbm4b:s21+s9], $0x4000, $0x38;
	[tilespmem:$0x19000] =	vst v63  }
0xb3: {  	_ =	swait.ge [sflag:s29], $0x4000  }
0xb4: {  	[sflag:s29] =	ssyncset.done $0x0  }
0xb5: {  	[sflag:s29] =	ssyncadd.s32 $0xFFFFC000  }
0xb6: {  	[spmem:s23] =	stream.linear.scatter [tilespmem:s28], [sflag:$0x2], $0x4000, $0x38;
	[tilespmem:$0x19000] =	vst v63  }
0xb7: {  	_ =	swait.ge [sflag:s29], $0x4000  }
0xb8: {  	[sflag:s29] =	ssyncset.done $0x0  }
0xb9: {  	[sflag:s29] =	ssyncadd.s32 $0xFFFFC000  }
0xba: {  	[tilespmem:s28], [sflag:$0x2] =	stream.linear.gather [hbm4b:s24+s9], $0x4000, $0x38;
	[tilespmem:$0x19000] =	vst v63  }
0xbb: {  	_ =	swait.ge [sflag:s29], $0x4000  }
0xbc: {  	[sflag:s29] =	ssyncset.done $0x0  }
0xbd: {  	[sflag:s29] =	ssyncadd.s32 $0xFFFFC000  }
0xbe: {  	[spmem:s25] =	stream.linear.scatter [tilespmem:s28], [sflag:$0x2], $0x4000, $0x38;
	[tilespmem:$0x19000] =	vst v63  }
0xbf: {  	_ =	swait.ge [sflag:s29], $0x4000  }
0xc0: {  	[sflag:s29] =	ssyncset.done $0x0  }
0xc1: {  	[sflag:s29] =	ssyncadd.s32 $0xFFFFC000  }
0xc2: {  	s11 =	simm.s32 $0x0;
	[bflag:$0x0] =	sbarrier.arrive $0xFFFF  }
.LBB2_3:
0xc3: {  	s10 =	sshll.u32 s11, $0xB  }
0xc4: {  	s10 =	sadd.s32 s26, s10  }
0xc5: {  	s10 =	sshrl.u32 s10, $0x3  }
0xc6: {  	s12 =	sadd.s32 s6, s10  }
0xc7: {  	[tilespmem:s30], [sflag:$0x2] =	stream.linear.gather [hbm4b:s12+s9], $0x800, $0x38;
	[tilespmem:$0x19000] =	vst v63  }
0xc8: {  	_ =	swait.ge [sflag:s29], $0x800  }
0xc9: {  	[sflag:s29] =	ssyncset.done $0x0  }
0xca: {  	s10 =	sadd.s32 s7, s10;
	[sflag:s29] =	ssyncadd.s32 $0xFFFFF800  }
0xcb: {  	[tilespmem:s31], [sflag:$0x2] =	stream.linear.gather [hbm4b:s10+s9], $0x800, $0x38;
	[tilespmem:$0x19000] =	vst v63  }
0xcc: {  	_ =	swait.ge [sflag:s29], $0x800  }
0xcd: {  	[sflag:s29] =	ssyncset.done $0x0  }
0xce: {  	s15 =	simm.s32 $0x18000;
	[sflag:s29] =	ssyncadd.s32 $0xFFFFF800  }
0xcf: {  	[tilespmem:s28], [sflag:$0x1] =	stream.indirect.gather [hbm4b:s3+s0], $0x80, s15, s0, $0xb8;
	[tilespmem:$0x19000] =	vst v63  }
0xd0: {  	_ =	swait.ge [sflag:s4], $0x4000  }
0xd1: {  	[sflag:s4] =	ssyncset.done $0x0  }
0xd2: {  	s18 =	simm.s32 $0x18800;
	[sflag:s4] =	ssyncadd.s32 $0xFFFFC000  }
0xd3: {  	[spmem:s1] =	stream.indirect.scatter.add.f32 [tilespmem:s28], [sflag:$0x2], $0x80, s18, s0, $0xb8;
	[tilespmem:$0x19000] =	vst v63  }
0xd4: {  	_ =	swait.ge [sflag:s29], $0x4000  }
0xd5: {  	s12 =	simm.s32 $0x80;
	s10 =	simm.s32 $0x400;
	[sflag:s29] =	ssyncset.done $0x0  }
.LBB2_4:
0xd6: {  	s15 =	sadd.s32 $0x18000, s12  }
0xd7: {  	[sflag:s29] =	ssyncadd.s32 $0xFFFFC000;
	s18 =	smov.u32 s10;
	s14 =	sadd.s32 $0x200, s10  }
0xd8: {  	[tilespmem:s28], [sflag:$0x1] =	stream.indirect.gather [hbm4b:s3+s0], $0x80, s15, s0, $0xb8;
	[tilespmem:$0x19000] =	vst v63  }
0xd9: {  	p1 =	sne.s32 s10, $0x1E00;
	_ =	swait.ge [sflag:s4], $0x4000  }
.Ltmp6:
0xda: {  	[sflag:s4] =	ssyncset.done $0x0;
	(pc) =	sbr.rel @p1 .LBB2_4-.Ltmp6, $4  }
0xdb: {  	s10 =	sadd.s32 $0x18800, s12;
	[sflag:s4] =	ssyncadd.s32 $0xFFFFC000  }
0xdc: {  	[spmem:s1] =	stream.indirect.scatter.add.f32 [tilespmem:s28], [sflag:$0x2], $0x80, s10, s0, $0xb8;
	[tilespmem:$0x19000] =	vst v63  }
0xdd: {  	_ =	swait.ge [sflag:s29], $0x4000  }
0xde: {  	s12 =	sshra.s32 s18, $0x2;
	s10 =	smov.u32 s14;
	[sflag:s29] =	ssyncset.done $0x0  }
0xdf: {  	s10 =	sadd.s32 $0x18000, s12;
	[sflag:s29] =	ssyncadd.s32 $0xFFFFC000  }
0xe0: {  	[tilespmem:s28], [sflag:$0x1] =	stream.indirect.gather [hbm4b:s3+s0], $0x80, s10, s0, $0xb8;
	[tilespmem:$0x19000] =	vst v63  }
0xe1: {  	s11 =	sadd.s32 $0x1, s11;
	_ =	swait.ge [sflag:s4], $0x4000  }
0xe2: {  	p1 =	seq.s32 s11, $0xA;
	[sflag:s4] =	ssyncset.done $0x0  }
.Ltmp7:
0xe3: {  	s18 =	sadd.s32 $0x18800, s12;
	[sflag:s4] =	ssyncadd.s32 $0xFFFFC000;
	(pc) =	sbr.rel @!p1 .LBB2_3-.Ltmp7, $4  }
0xe4: {  	[spmem:s1] =	stream.indirect.scatter.add.f32 [tilespmem:s28], [sflag:$0x2], $0x80, s18, s0, $0xb8;
	[tilespmem:$0x19000] =	vst v63  }
0xe5: {  	_ =	swait.ge [sflag:s29], $0x4000  }
0xe6: {  	[sflag:s29] =	ssyncset.done $0x0  }
0xe7: {  	[sflag:s29] =	ssyncadd.s32 $0xFFFFC000  }
.Ltmp8:
0xe8: {  	(pc) =	sbr.rel .LBB2_12-.Ltmp8, $2  }
0xe9: {  	_ =	sdelay $0x2  }
0xea: {  	s9 =	rddreg [dreg:$0x3]  }
.LBB2_13:
0xeb: {  	_ =	sfence.sel $0x180000  }
0xec: {  	[bflag:$0x0] =	sbarrier.arrive $0xFFFF  }
0xed: {  	_ =	strace $0x9000004A  }
0xee: {  	s0 =	stileid.u32;
	[bflag:$0x2] =	sbarrier.arrive $0xFFFF  }
0xef: {  	p0 =	sne.s32 s0, $0x0;
	s0 =	rddreg [dreg:$0x2]  }
0xf0: {  	s0 =	sadd.s32 @!p0 $0x100000, s0  }
0xf1: {  	[sflag:s0] =	ssyncadd.tile.s32 @!p0 $0x1;
	_ =	shalt  }
.Lfunc_end2:
_tile_overlayer_lowered:
.L_overlay_start_2:
0xf2: {  	(tag) =	ssettag $0x2  }
0xf3: {  	s0 =	rddreg [dreg:$0x0];
	s2 =	stileid.u32  }
0xf4: {  	s1 =	rddreg [dreg:$0x1];
	p0 =	sne.s32 s2, $0x0  }
0xf5: {  	s3 =	rddreg [dreg:$0x2];
	[bflag:$0x3] =	sbarrier.arrive $0xFFFF;
	s2 =	simm.s32 @!p0 $0x1C02  }
0xf6: {  	[timem:s3], [sflag:s2] =	dma.local @!p0 [hbm:s0], s1  }
0xf7: {  	s0 =	simm.s32 @!p0 $0x2  }
0xf8: {  	_ =	swait.ge @!p0 [sflag:s0], s1  }
0xf9: {  	s1 =	ssub.s32 @!p0 $0x0, s1;
	[sflag:s0] =	ssyncset.done @!p0 $0x0  }
0xfa: {  	[sflag:s0] =	ssyncadd.s32 @!p0 s1  }
0xfb: {  	[bflag:$0x3] =	sbarrier.arrive $0xFFFF  }
0xfc: {  	_ =	shalt  }

// kernel: kernel.16.cloned.1.call-start
scs
__scs_entry_jumppad:
0x0: {  	(pc) =	sbr.rel $0x88, $3  }
0x1: {  	(tag) =	ssettag $0x0;
	lr =	simm.s32 $0x1  }
0x2: {  	[smem:$0x3F9A] =	sst lr;
	_ =	strace $0xD0000000  }
0x3: {  	_ = 	snop  }
0x4: {  	_ = 	snop  }
0x5: {  	_ = 	snop  }
0x6: {  	_ = 	snop  }
0x7: {  	_ = 	snop  }
__scs_overlays_trampoline_lowered:
0x8: {  	[smem:$0x3FA9] =	sst s0  }
0x9: {  	[smem:$0x3FAA] =	sst s1  }
0xa: {  	[smem:$0x3FAB] =	sst s2  }
0xb: {  	[smem:$0x3FAC] =	sst s3  }
0xc: {  	[smem:$0x3FAD] =	sst s4  }
0xd: {  	[smem:$0x3FAE] =	sst s5  }
0xe: {  	[smem:$0x3FAF] =	sst s6  }
0xf: {  	[smem:$0x3FB0] =	sst s7  }
0x10: {  	[smem:$0x3FB1] =	sst s8  }
0x11: {  	[smem:$0x3FB2] =	sst s9;
	s0 =	simm.s32 @!p0 $0x0  }
0x12: {  	s1 =	sld [smem:$0x3F98];
	s0 =	simm.s32 @p0 $0x1  }
0x13: {  	[smem:$0x3FB3] =	sst s0;
	s0 =	simm.s32 @!p1 $0x0  }
0x14: {  	s2 =	sld [smem:$0x3F97];
	s0 =	simm.s32 @p1 $0x1  }
0x15: {  	[smem:$0x3FB4] =	sst s0;
	s0 =	simm.s32 @!p2 $0x0  }
0x16: {  	s3 =	sld [smem:$0x3FDB];
	s0 =	simm.s32 @p2 $0x1  }
0x17: {  	s4 =	simm.s32 $0x1BF5;
	[smem:$0x3FB6] =	sst s0  }
0x18: {  	s0 =	sld [smem:$0x3F99];
	_ =	swait.ge [sflag:s4], $0x0  }
0x19: {  	s7 =	sld [smem:$0x3F9A]  }
0x1a: {  	s8 =	sadd.s32 $0xFFFFE003, lr  }
0x1b: {  	s9 =	sadd.s32 $0xFFFFFEF7, lr;
	s5 =	simm.s32 $0xFFFFFFFF;
	p2 =	slt.u32 s8, $0xFFFFF086  }
0x1c: {  	p1 =	slt.u32 s9, $0xF7A;
	s5 =	simm.s32 @!p2 $0x0  }
0x1d: {  	s5 =	simm.s32 @p1 $0x1;
	p0 =	seq.s32 s7, s2  }
0x1e: {  	s7 =	smul.u32 @!p0 $0xF7A, s2;
	p2 =	seq.s32 @!p0 s5, $0x0  }
0x1f: {  	s9 =	smul.u32 $0xF7A, s1;
	s8 =	simm.s32 @!p0 $0x1BF5;
	p2 =	por !p2, p0  }
0x20: {  	[sflag:s8] =	ssyncset.s32 @!p0 $0xFFFFF086;
	s6 =	sadd.s32 @!p0 s3, s7;
	s7 =	simm.s32 @!p0 $0x108  }
0x21: {  	s3 =	sadd.s32 s3, s9;
	s6 =	sadd.s32 @!p0 $0x88, s6;
	s7 =	simm.s32 @p2 $0x1082  }
0x22: {  	[simem:s7], [sflag:s8] =	dma.local @!p0 [hbm:s6], $0xF7A  }
0x23: {  	s9 =	sor.u32 $0xD0000000, s2;
	s6 =	simm.s32 $0x108;
	_ =	swait.ge @!p0 [sflag:s8], $0x0  }
0x24: {  	s3 =	sadd.s32 $0x88, s3;
	s6 =	simm.s32 @!p1 $0x1082;
	[sflag:s4] =	ssyncset.s32 $0xFFFFF086  }
0x25: {  	[simem:s6], [sflag:s4] =	dma.local [hbm:s3], $0xF7A  }
0x26: {  	[smem:$0x3F9A] =	sst s1;
	(tag) =	ssettag s2;
	_ =	strace s9  }
0x27: {  	s1 =	sld [smem:$0x3FAA]  }
0x28: {  	s2 =	sld [smem:$0x3FAB]  }
0x29: {  	s4 =	sld [smem:$0x3FAD]  }
0x2a: {  	p0 =	seq.s32 s5, $0x0;
	s5 =	sld [smem:$0x3FAE]  }
0x2b: {  	s6 =	sld [smem:$0x3FAF]  }
0x2c: {  	s7 =	sld [smem:$0x3FB0]  }
0x2d: {  	s3 =	simm.s32 $0x108;
	s8 =	sld [smem:$0x3FB1]  }
0x2e: {  	s3 =	simm.s32 @!p0 $0x1082;
	s9 =	sld [smem:$0x3FB2]  }
0x2f: {  	lr =	sadd.s32 s0, s3;
	s0 =	sld [smem:$0x3FA9]  }
0x30: {  	s3 =	sld [smem:$0x3FAC]  }
0x31: {  	[smem:$0x3FB5] =	sst s10  }
0x32: {  	s10 =	sld [smem:$0x3FB3];
	_ =	sdelay $0x3  }
0x33: {  	p0 =	seq.s32 s10, $0x1;
	s10 =	sld [smem:$0x3FB5];
	_ =	sdelay $0x3  }
0x34: {  	[smem:$0x3FB5] =	sst s10  }
0x35: {  	s10 =	sld [smem:$0x3FB4];
	_ =	sdelay $0x3  }
0x36: {  	p1 =	seq.s32 s10, $0x1;
	s10 =	sld [smem:$0x3FB5];
	_ =	sdelay $0x3  }
0x37: {  	[smem:$0x3FB5] =	sst s10  }
0x38: {  	s10 =	sld [smem:$0x3FB6]  }
0x39: {  	_ = 	snop;
	(pc) =	sbr.ind lr, $3  }
0x3a: {  	_ = 	snop  }
0x3b: {  	_ = 	snop  }
0x3c: {  	p2 =	seq.s32 s10, $0x1;
	s10 =	sld [smem:$0x3FB5]  }
0x3d: {  	_ =	shalt  }
0x3e: {  	_ =	shalt  }
0x3f: {  	_ =	shalt  }
0x40: {  	_ =	shalt  }
0x41: {  	_ =	shalt  }
0x42: {  	_ =	shalt  }
0x43: {  	_ =	shalt  }
0x44: {  	_ =	shalt  }
0x45: {  	_ =	shalt  }
0x46: {  	_ =	shalt  }
0x47: {  	_ =	shalt  }
0x48: {  	_ =	shalt  }
0x49: {  	_ =	shalt  }
0x4a: {  	_ =	shalt  }
0x4b: {  	_ =	shalt  }
0x4c: {  	_ =	shalt  }
0x4d: {  	_ =	shalt  }
0x4e: {  	_ =	shalt  }
0x4f: {  	_ =	shalt  }
0x50: {  	_ =	shalt  }
0x51: {  	_ =	shalt  }
0x52: {  	_ =	shalt  }
0x53: {  	_ =	shalt  }
0x54: {  	_ =	shalt  }
0x55: {  	_ =	shalt  }
0x56: {  	_ =	shalt  }
0x57: {  	_ =	shalt  }
0x58: {  	_ =	shalt  }
0x59: {  	_ =	shalt  }
0x5a: {  	_ =	shalt  }
0x5b: {  	_ =	shalt  }
0x5c: {  	_ =	shalt  }
0x5d: {  	_ =	shalt  }
0x5e: {  	_ =	shalt  }
0x5f: {  	_ =	shalt  }
0x60: {  	_ =	shalt  }
0x61: {  	_ =	shalt  }
0x62: {  	_ =	shalt  }
0x63: {  	_ =	shalt  }
0x64: {  	_ =	shalt  }
0x65: {  	_ =	shalt  }
0x66: {  	_ =	shalt  }
0x67: {  	_ =	shalt  }
0x68: {  	_ =	shalt  }
0x69: {  	_ =	shalt  }
0x6a: {  	_ =	shalt  }
0x6b: {  	_ =	shalt  }
0x6c: {  	_ =	shalt  }
0x6d: {  	_ =	shalt  }
0x6e: {  	_ =	shalt  }
0x6f: {  	_ =	shalt  }
0x70: {  	_ =	shalt  }
0x71: {  	_ =	shalt  }
0x72: {  	_ =	shalt  }
0x73: {  	_ =	shalt  }
0x74: {  	_ =	shalt  }
0x75: {  	_ =	shalt  }
0x76: {  	_ =	shalt  }
0x77: {  	_ =	shalt  }
0x78: {  	_ =	shalt  }
0x79: {  	_ =	shalt  }
0x7a: {  	_ =	shalt  }
0x7b: {  	_ =	shalt  }
0x7c: {  	_ =	shalt  }
0x7d: {  	_ =	shalt  }
0x7e: {  	_ =	shalt  }
0x7f: {  	_ =	shalt  }
0x80: {  	_ =	shalt  }
0x81: {  	_ =	shalt  }
0x82: {  	_ =	shalt  }
0x83: {  	_ =	shalt  }
0x84: {  	_ =	shalt  }
0x85: {  	_ =	shalt  }
0x86: {  	_ =	shalt  }
0x87: {  	_ =	shalt  }
.Lfunc_end0:
.L_simem_size_0:
called_computation.2_lowered:
.L_overlay_start_0:
0x88: {  	s2 =	sld [smem:$0x3FD9]  }
0x89: {  	s3 =	sld [smem:$0x3FFE];
	_ =	sdelay $0x1  }
0x8a: {  	s1 =	srdreg.scid  }
0x8b: {  	s0 =	sand.u32 $0x1, s1  }
0x8c: {  	s16 =	sshll.u32 s0, $0xA;
	s2 =	sadd.s32 s3, s2  }
0x8d: {  	s2 =	sadd.s32 s2, s16  }
0x8e: {  	[smem:$0x3FC1] =	sst s2  }
0x8f: {  	_ = 	snop  }
0x90: {  	(tm) =	ssettm $0x1  }
0x91: {  	s17 =	sld [smem:$0x3FFB];
	_ =	sdelay $0x3  }
0x92: {  	_ =	strace s17  }
0x93: {  	s2 =	sld [smem:$0x3FFC];
	_ =	sdelay $0x3  }
0x94: {  	_ =	strace s2  }
0x95: {  	s2 =	sld [smem:$0x3FFD];
	_ =	sdelay $0x3  }
0x96: {  	_ =	strace s2  }
0x97: {  	_ =	strace $0x8FFFFFFF  }
0x98: {  	s18 =	sld [smem:$0x3FDB];
	_ =	sdelay $0x1  }
0x99: {  	s19 =	simm.s32 $_scs_section_size  }
0x9a: {  	s4 =	simm.s32 $_size__tile_overlayer_lowered;
	s5 =	simm.s32 $_tile_overlayer_lowered  }
0x9b: {  	s22 =	simm.s32 $0x1BFF;
	s21 =	sshll.u32 s5, $0x1;
	s2 =	sadd.s32 s19, s18  }
0x9c: {  	s6 =	simm.s32 $0x0;
	s20 =	sshll.u32 s4, $0x1;
	s4 =	sadd.s32 s21, s2  }
0x9d: {  	[timem:s6], [sflag:s22] =	dma.local [hbm:s4], s20  }
0x9e: {  	_ =	swait.ge [sflag:s22], s20  }
0x9f: {  	s3 =	ssub.s32 $0x0, s20;
	[sflag:s22] =	ssyncset.done $0x0  }
0xa0: {  	[sflag:s22] =	ssyncadd.s32 s3;
	_ =	sdelay $0x1  }
0xa1: {  	s23 =	simm.s32 $0x1B8B  }
0xa2: {  	_ =	swait.ge [sflag:s23], $0x1  }
0xa3: {  	[sflag:s23] =	ssyncset.done $0x0  }
0xa4: {  	s25 =	simm.s32 $0x1B8E;
	s24 =	sld [smem:$0x3FFE];
	[sflag:s23] =	ssyncadd.s32 $0xFFFFFFFF  }
0xa5: {  	s26 =	simm.s32 $execute0_lowered;
	[smem:$0x3FD2] =	sst s25  }
0xa6: {  	s4 =	sshll.u32 s26, $0x1;
	_ =	strace $0x8000004C;
	[dreg:$0x1] =	wrdreg $0xFFFFFFFF  }
0xa7: {  	s28 =	simm.s32 $_size_execute0_lowered;
	s2 =	sadd.s32 s2, s4;
	[dreg:$0x0] =	wrdreg $0x0  }
0xa8: {  	s4 =	sshll.u32 s28, $0x1;
	[dreg:$0x2] =	wrdreg s2  }
0xa9: {  	[dreg:$0x3] =	wrdreg s4  }
0xaa: {  	[dreg:$0x4] =	wrdreg $0xC0  }
0xab: {  	_ =	task [dreg:s6], $0x5FFFF  }
0xac: {  	[dreg:$0x1] =	wrdreg $0xFFFFFFFF  }
0xad: {  	[dreg:$0x0] =	wrdreg $0x60  }
0xae: {  	[dreg:$0x2] =	wrdreg s24  }
0xaf: {  	[dreg:$0x3] =	wrdreg $0x0  }
0xb0: {  	[dreg:$0x4] =	wrdreg $0x9  }
0xb1: {  	_ =	task.clear_ibuf [dreg:s6], $0x5FFFF;
	_ =	strace $0x9000004C  }
0xb2: {  	s29 =	simm.s32 $0x9;
	_ =	strace $0x8000004E  }
0xb3: {  	_ =	swait.ge [sflag:s29], $0x1  }
0xb4: {  	[sflag:s29] =	ssyncadd.s32 $0xFFFFFFFF  }
0xb5: {  	_ =	strace $0x9000004E  }
0xb6: {  	_ =	sfence  }
0xb7: {  	s30 =	sld [smem:$0x0];
	_ =	sdelay $0x2  }
0xb8: {  	s31 =	sshll.u32 s1, $0xD;
	s1 =	sshrl.u32 s1, $0x2  }
0xb9: {  	s3 =	sand.u32 $0x4000, s31;
	s1 =	sadd.s32 s1, s30  }
0xba: {  	s0 =	sor.u32 s3, s0;
	s1 =	sshll.u32 s1, $0x11  }
0xbb: {  	s0 =	sor.u32 s1, s0  }
0xbc: {  	s0 =	sadd.s32 $0x8F2B, s0  }
0xbd: {  	[sflag:s0] =	ssyncadd.remote.s32 $0x1  }
0xbe: {  	_ =	sfence.sel $0xFFFF  }
0xbf: {  	[dreg:$0x0] =	wrdreg $0xFFFFFFFF;
	(pc) =	sbr.abs _section_cstart, $3  }
0xc0: {  	[dreg:$0x1] =	wrdreg $0xFFFFFFFF  }
0xc1: {  	_ =	task.clear_ibuf [dreg:s6], $0x2FFFF;
	_ =	strace $0x9FFFFFFF  }
0xc2: {  	(tm) =	ssettm $0x7FFFFFFF  }
0xc3: {  	_ =	shalt  }
tec
execute0_lowered:
.L_overlay_start_1:
0x0: {  	(tag) =	ssettag $0x1  }
0x1: {  	s0 =	rddreg [dreg:$0x0]  }
0x2: {  	s1 =	rddreg [dreg:$0x1];
	s2 =	simm.s32 $0x0  }
0x3: {  	s5 =	srdreg.scid;
	s14 =	stileid.u32;
	s28 =	simm.s32 $0x18000  }
0x4: {  	s29 =	simm.s32 $0x18800;
	s30 =	simm.s32 $0x80;
	s31 =	simm.s32 $0x1  }
0x5: {  	[smem:$0x7FF] =	sst s2;
	s3 =	sadd.s32 $0x34800, s0;
	s4 =	sadd.s32 $0x84800, s0  }
0x6: {  	s6 =	sadd.s32 $0x2800, s0;
	s5 =	sand.u32 $0x1, s5;
	s12 =	smul.u32 $0x280, s14  }
0x7: {  	s11 =	sadd.s32 $0xC800, s0;
	s9 =	sshll.u32 s14, $0x1;
	s16 =	smul.u32 $0x50000, s14  }
0x8: {  	s18 =	smul.u32 $0x2800, s14;
	_ =	strace $0x8000004D;
	s8 =	ssub.s32 $0x2, s5  }
0x9: {  	s7 =	smul.u32 $0x28000, s5;
	s5 =	sor.u32 s5, s9;
	s10 =	sshrl.u32 s8, $0x1  }
0xa: {  	s17 =	sshrl.u32 s16, $0x2;
	s20 =	sadd.s32 $0x80, s12;
	[dreg:$0x3] =	wrdreg s18  }
0xb: {  	s22 =	sadd.s32 $0x100, s12;
	s23 =	sadd.s32 $0x180, s12;
	s25 =	sadd.s32 $0x200, s12  }
0xc: {  	s0 =	sadd.s32 s7, s0;
	s13 =	ssub.s32 s8, s10;
	s7 =	smul.u32 $0x2800, s5  }
0xd: {  	s10 =	sadd.s32 s17, s1;
	s5 =	sadd.s32 s11, s18;
	s21 =	sshll.u32 s20, $0x4  }
0xe: {  	s16 =	sshll.u32 s22, $0x4;
	s24 =	sshll.u32 s23, $0x7;
	s26 =	sshll.u32 s25, $0x7  }
0xf: {  	s8 =	sadd.s32 $0xB5A00, s0;
	s19 =	smax.u32 s13, $0x1;
	[dreg:$0x5] =	wrdreg s5  }
0x10: {  	s0 =	sshll.u32 s20, $0x7;
	[dreg:$0x6] =	wrdreg s21;
	s5 =	sadd.s32 s11, s21  }
0x11: {  	s17 =	sadd.s32 s11, s16;
	s21 =	sadd.s32 s24, s1;
	[dreg:$0x4] =	wrdreg s19  }
0x12: {  	s24 =	sadd.s32 s26, s1;
	s26 =	simm.s32 $0x2;
	[dreg:$0x7] =	wrdreg s5  }
0x13: {  	s15 =	sadd.s32 s0, s1;
	s0 =	sshll.u32 s22, $0x7;
	s19 =	sshll.u32 s23, $0x4  }
0x14: {  	s22 =	sshll.u32 s25, $0x4;
	s25 =	simm.s32 $0x14000;
	s18 =	sadd.s32 s0, s1  }
0x15: {  	s20 =	sadd.s32 s11, s19;
	s23 =	sadd.s32 s11, s22;
	s0 =	simm.s32 $0x0  }
.LBB2_1:
0x16: {  	s5 =	rddreg [dreg:$0x5]  }
0x17: {  	[tilespmem:s25], [sflag:$0x2] =	stream.linear.gather [hbm4b:s5+s2], $0x4000, $0x38;
	[tilespmem:$0x19000] =	vst v63  }
0x18: {  	_ =	swait.ge [sflag:s26], $0x4000  }
0x19: {  	[sflag:s26] =	ssyncset.done $0x0  }
0x1a: {  	[sflag:s26] =	ssyncadd.s32 $0xFFFFC000  }
0x1b: {  	[spmem:s10] =	stream.linear.scatter [tilespmem:s25], [sflag:$0x2], $0x4000, $0x38;
	[tilespmem:$0x19000] =	vst v63  }
0x1c: {  	_ =	swait.ge [sflag:s26], $0x4000  }
0x1d: {  	[sflag:s26] =	ssyncset.done $0x0  }
0x1e: {  	s14 =	rddreg [dreg:$0x7];
	[sflag:s26] =	ssyncadd.s32 $0xFFFFC000  }
0x1f: {  	[tilespmem:s25], [sflag:$0x2] =	stream.linear.gather [hbm4b:s14+s2], $0x4000, $0x38;
	[tilespmem:$0x19000] =	vst v63  }
0x20: {  	_ =	swait.ge [sflag:s26], $0x4000  }
0x21: {  	[sflag:s26] =	ssyncset.done $0x0  }
0x22: {  	[sflag:s26] =	ssyncadd.s32 $0xFFFFC000  }
0x23: {  	[spmem:s15] =	stream.linear.scatter [tilespmem:s25], [sflag:$0x2], $0x4000, $0x38;
	[tilespmem:$0x19000] =	vst v63  }
0x24: {  	_ =	swait.ge [sflag:s26], $0x4000  }
0x25: {  	[sflag:s26] =	ssyncset.done $0x0  }
0x26: {  	[sflag:s26] =	ssyncadd.s32 $0xFFFFC000  }
0x27: {  	[tilespmem:s25], [sflag:$0x2] =	stream.linear.gather [hbm4b:s17+s2], $0x4000, $0x38;
	[tilespmem:$0x19000] =	vst v63  }
0x28: {  	_ =	swait.ge [sflag:s26], $0x4000  }
0x29: {  	[sflag:s26] =	ssyncset.done $0x0  }
0x2a: {  	[sflag:s26] =	ssyncadd.s32 $0xFFFFC000  }
0x2b: {  	[spmem:s18] =	stream.linear.scatter [tilespmem:s25], [sflag:$0x2], $0x4000, $0x38;
	[tilespmem:$0x19000] =	vst v63  }
0x2c: {  	_ =	swait.ge [sflag:s26], $0x4000  }
0x2d: {  	[sflag:s26] =	ssyncset.done $0x0  }
0x2e: {  	[sflag:s26] =	ssyncadd.s32 $0xFFFFC000  }
0x2f: {  	[tilespmem:s25], [sflag:$0x2] =	stream.linear.gather [hbm4b:s20+s2], $0x4000, $0x38;
	[tilespmem:$0x19000] =	vst v63  }
0x30: {  	_ =	swait.ge [sflag:s26], $0x4000  }
0x31: {  	[sflag:s26] =	ssyncset.done $0x0  }
0x32: {  	[sflag:s26] =	ssyncadd.s32 $0xFFFFC000  }
0x33: {  	[spmem:s21] =	stream.linear.scatter [tilespmem:s25], [sflag:$0x2], $0x4000, $0x38;
	[tilespmem:$0x19000] =	vst v63  }
0x34: {  	_ =	swait.ge [sflag:s26], $0x4000  }
0x35: {  	[sflag:s26] =	ssyncset.done $0x0  }
0x36: {  	[sflag:s26] =	ssyncadd.s32 $0xFFFFC000  }
0x37: {  	[tilespmem:s25], [sflag:$0x2] =	stream.linear.gather [hbm4b:s23+s2], $0x4000, $0x38;
	[tilespmem:$0x19000] =	vst v63  }
0x38: {  	_ =	swait.ge [sflag:s26], $0x4000  }
0x39: {  	[sflag:s26] =	ssyncset.done $0x0  }
0x3a: {  	[sflag:s26] =	ssyncadd.s32 $0xFFFFC000  }
0x3b: {  	[spmem:s24] =	stream.linear.scatter [tilespmem:s25], [sflag:$0x2], $0x4000, $0x38;
	[tilespmem:$0x19000] =	vst v63  }
0x3c: {  	_ =	swait.ge [sflag:s26], $0x4000  }
0x3d: {  	[sflag:s26] =	ssyncset.done $0x0  }
0x3e: {  	[sflag:s26] =	ssyncadd.s32 $0xFFFFC000  }
0x3f: {  	s5 =	simm.s32 $0x0;
	[bflag:$0x0] =	sbarrier.arrive $0xFFFF  }
.LBB2_2:
0x40: {  	s11 =	sshll.u32 s5, $0xB  }
0x41: {  	s11 =	sadd.s32 s7, s11  }
0x42: {  	s11 =	sshrl.u32 s11, $0x3  }
0x43: {  	s9 =	simm.s32 $0x0;
	s12 =	sadd.s32 s4, s11  }
0x44: {  	[tilespmem:s28], [sflag:$0x2] =	stream.linear.gather [hbm4b:s12+s9], $0x800, $0x38;
	[tilespmem:$0x19000] =	vst v63  }
0x45: {  	_ =	swait.ge [sflag:s26], $0x800  }
0x46: {  	[sflag:s26] =	ssyncset.done $0x0  }
0x47: {  	s11 =	sadd.s32 s6, s11;
	[sflag:s26] =	ssyncadd.s32 $0xFFFFF800  }
0x48: {  	[tilespmem:s29], [sflag:$0x2] =	stream.linear.gather [hbm4b:s11+s9], $0x800, $0x38;
	[tilespmem:$0x19000] =	vst v63  }
0x49: {  	_ =	swait.ge [sflag:s26], $0x800  }
0x4a: {  	[sflag:s26] =	ssyncset.done $0x0  }
0x4b: {  	s13 =	simm.s32 $0x18000;
	[sflag:s26] =	ssyncadd.s32 $0xFFFFF800  }
0x4c: {  	[tilespmem:s25], [sflag:$0x1] =	stream.indirect.gather [hbm4b:s3+s30], $0x80, s13, s30, $0xb8;
	[tilespmem:$0x19000] =	vst v63  }
0x4d: {  	_ =	swait.ge [sflag:s31], $0x4000  }
0x4e: {  	[sflag:s31] =	ssyncset.done $0x0  }
0x4f: {  	s14 =	simm.s32 $0x18800;
	[sflag:s31] =	ssyncadd.s32 $0xFFFFC000  }
0x50: {  	[spmem:s1] =	stream.indirect.scatter.add.f32 [tilespmem:s25], [sflag:$0x2], $0x80, s14, s30, $0xb8;
	[tilespmem:$0x19000] =	vst v63  }
0x51: {  	_ =	swait.ge [sflag:s26], $0x4000  }
0x52: {  	s12 =	simm.s32 $0x400;
	s11 =	simm.s32 $0x80;
	[sflag:s26] =	ssyncset.done $0x0  }
.LBB2_3:
0x53: {  	s9 =	sadd.s32 $0x18000, s11  }
0x54: {  	[sflag:s26] =	ssyncadd.s32 $0xFFFFC000;
	s14 =	smov.u32 s12;
	s13 =	sadd.s32 $0x200, s12  }
0x55: {  	[tilespmem:s25], [sflag:$0x1] =	stream.indirect.gather [hbm4b:s3+s30], $0x80, s9, s30, $0xb8;
	[tilespmem:$0x19000] =	vst v63  }
0x56: {  	p0 =	sne.s32 s12, $0x1E00;
	_ =	swait.ge [sflag:s31], $0x4000  }
.Ltmp0:
0x57: {  	[sflag:s31] =	ssyncset.done $0x0;
	(pc) =	sbr.rel @p0 .LBB2_3-.Ltmp0, $4  }
0x58: {  	s9 =	sadd.s32 $0x18800, s11;
	[sflag:s31] =	ssyncadd.s32 $0xFFFFC000  }
0x59: {  	[spmem:s1] =	stream.indirect.scatter.add.f32 [tilespmem:s25], [sflag:$0x2], $0x80, s9, s30, $0xb8;
	[tilespmem:$0x19000] =	vst v63  }
0x5a: {  	_ =	swait.ge [sflag:s26], $0x4000  }
0x5b: {  	s11 =	sshra.s32 s14, $0x2;
	s12 =	smov.u32 s13;
	[sflag:s26] =	ssyncset.done $0x0  }
0x5c: {  	s9 =	sadd.s32 $0x18000, s11;
	[sflag:s26] =	ssyncadd.s32 $0xFFFFC000  }
0x5d: {  	[tilespmem:s25], [sflag:$0x1] =	stream.indirect.gather [hbm4b:s3+s30], $0x80, s9, s30, $0xb8;
	[tilespmem:$0x19000] =	vst v63  }
0x5e: {  	s5 =	sadd.s32 $0x1, s5;
	_ =	swait.ge [sflag:s31], $0x4000  }
0x5f: {  	p0 =	sne.s32 s5, $0x5;
	[sflag:s31] =	ssyncset.done $0x0  }
.Ltmp1:
0x60: {  	s14 =	sadd.s32 $0x18800, s11;
	[sflag:s31] =	ssyncadd.s32 $0xFFFFC000;
	(pc) =	sbr.rel @p0 .LBB2_2-.Ltmp1, $4  }
0x61: {  	[spmem:s1] =	stream.indirect.scatter.add.f32 [tilespmem:s25], [sflag:$0x2], $0x80, s14, s30, $0xb8;
	[tilespmem:$0x19000] =	vst v63  }
0x62: {  	_ =	swait.ge [sflag:s26], $0x4000  }
0x63: {  	[sflag:s26] =	ssyncset.done $0x0  }
0x64: {  	[sflag:s26] =	ssyncadd.s32 $0xFFFFC000  }
0x65: {  	[bflag:$0x0] =	sbarrier.arrive $0xFFFF  }
0x66: {  	[tilespmem:s25], [sflag:$0x2] =	stream.linear.gather [spmem:s10], $0x4000, $0x38;
	[tilespmem:$0x19000] =	vst v63  }
0x67: {  	_ =	swait.ge [sflag:s26], $0x4000  }
0x68: {  	[sflag:s26] =	ssyncset.done $0x0;
	s5 =	rddreg [dreg:$0x3]  }
0x69: {  	[sflag:s26] =	ssyncadd.s32 $0xFFFFC000;
	s5 =	sadd.s32 s5, s8  }
0x6a: {  	[hbm4b:s5+s2] =	stream.linear.scatter [tilespmem:s25], [sflag:$0x2], $0x4000, $0x38;
	[tilespmem:$0x19000] =	vst v63  }
0x6b: {  	_ =	swait.ge [sflag:s26], $0x4000  }
0x6c: {  	[sflag:s26] =	ssyncset.done $0x0  }
0x6d: {  	[sflag:s26] =	ssyncadd.s32 $0xFFFFC000  }
0x6e: {  	[tilespmem:s25], [sflag:$0x2] =	stream.linear.gather [spmem:s15], $0x4000, $0x38;
	[tilespmem:$0x19000] =	vst v63  }
0x6f: {  	_ =	swait.ge [sflag:s26], $0x4000  }
0x70: {  	[sflag:s26] =	ssyncset.done $0x0;
	s9 =	rddreg [dreg:$0x6]  }
0x71: {  	[sflag:s26] =	ssyncadd.s32 $0xFFFFC000;
	s5 =	sadd.s32 s9, s8  }
0x72: {  	[hbm4b:s5+s2] =	stream.linear.scatter [tilespmem:s25], [sflag:$0x2], $0x4000, $0x38;
	[tilespmem:$0x19000] =	vst v63  }
0x73: {  	_ =	swait.ge [sflag:s26], $0x4000  }
0x74: {  	[sflag:s26] =	ssyncset.done $0x0  }
0x75: {  	[sflag:s26] =	ssyncadd.s32 $0xFFFFC000  }
0x76: {  	[tilespmem:s25], [sflag:$0x2] =	stream.linear.gather [spmem:s18], $0x4000, $0x38;
	[tilespmem:$0x19000] =	vst v63  }
0x77: {  	_ =	swait.ge [sflag:s26], $0x4000  }
0x78: {  	[sflag:s26] =	ssyncset.done $0x0  }
0x79: {  	s11 =	sadd.s32 s16, s8;
	[sflag:s26] =	ssyncadd.s32 $0xFFFFC000  }
0x7a: {  	[hbm4b:s11+s2] =	stream.linear.scatter [tilespmem:s25], [sflag:$0x2], $0x4000, $0x38;
	[tilespmem:$0x19000] =	vst v63  }
0x7b: {  	_ =	swait.ge [sflag:s26], $0x4000  }
0x7c: {  	[sflag:s26] =	ssyncset.done $0x0  }
0x7d: {  	[sflag:s26] =	ssyncadd.s32 $0xFFFFC000  }
0x7e: {  	[tilespmem:s25], [sflag:$0x2] =	stream.linear.gather [spmem:s21], $0x4000, $0x38;
	[tilespmem:$0x19000] =	vst v63  }
0x7f: {  	_ =	swait.ge [sflag:s26], $0x4000  }
0x80: {  	[sflag:s26] =	ssyncset.done $0x0  }
0x81: {  	s12 =	sadd.s32 s19, s8;
	[sflag:s26] =	ssyncadd.s32 $0xFFFFC000  }
0x82: {  	[hbm4b:s12+s2] =	stream.linear.scatter [tilespmem:s25], [sflag:$0x2], $0x4000, $0x38;
	[tilespmem:$0x19000] =	vst v63  }
0x83: {  	_ =	swait.ge [sflag:s26], $0x4000  }
0x84: {  	[sflag:s26] =	ssyncset.done $0x0  }
0x85: {  	[sflag:s26] =	ssyncadd.s32 $0xFFFFC000  }
0x86: {  	[tilespmem:s25], [sflag:$0x2] =	stream.linear.gather [spmem:s24], $0x4000, $0x38;
	[tilespmem:$0x19000] =	vst v63  }
0x87: {  	_ =	swait.ge [sflag:s26], $0x4000  }
0x88: {  	[sflag:s26] =	ssyncset.done $0x0  }
0x89: {  	s13 =	sadd.s32 s22, s8;
	[sflag:s26] =	ssyncadd.s32 $0xFFFFC000  }
0x8a: {  	[hbm4b:s13+s2] =	stream.linear.scatter [tilespmem:s25], [sflag:$0x2], $0x4000, $0x38;
	[tilespmem:$0x19000] =	vst v63  }
0x8b: {  	_ =	swait.ge [sflag:s26], $0x4000  }
0x8c: {  	s0 =	sadd.s32 $0x1, s0;
	s14 =	rddreg [dreg:$0x4]  }
0x8d: {  	p0 =	sne.s32 s0, s14  }
.Ltmp2:
0x8e: {  	_ = 	snop;
	(pc) =	sbr.rel @p0 .LBB2_1-.Ltmp2, $3  }
0x8f: {  	_ =	sdelay $0x1  }
0x90: {  	[sflag:s26] =	ssyncset.done $0x0  }
0x91: {  	[sflag:s26] =	ssyncadd.s32 $0xFFFFC000  }
0x92: {  	_ =	sfence.sel $0x180000  }
0x93: {  	[bflag:$0x0] =	sbarrier.arrive $0xFFFF  }
0x94: {  	_ =	strace $0x9000004D  }
0x95: {  	s0 =	stileid.u32;
	[bflag:$0x2] =	sbarrier.arrive $0xFFFF  }
0x96: {  	p0 =	sne.s32 s0, $0x0;
	s0 =	rddreg [dreg:$0x2]  }
0x97: {  	s0 =	sadd.s32 @!p0 $0x100000, s0  }
0x98: {  	[sflag:s0] =	ssyncadd.tile.s32 @!p0 $0x1;
	_ =	shalt  }
.Lfunc_end2:
_tile_overlayer_lowered:
.L_overlay_start_2:
0x99: {  	(tag) =	ssettag $0x2  }
0x9a: {  	s0 =	rddreg [dreg:$0x0];
	s2 =	stileid.u32  }
0x9b: {  	s1 =	rddreg [dreg:$0x1];
	p0 =	sne.s32 s2, $0x0  }
0x9c: {  	s3 =	rddreg [dreg:$0x2];
	[bflag:$0x3] =	sbarrier.arrive $0xFFFF;
	s2 =	simm.s32 @!p0 $0x1C02  }
0x9d: {  	[timem:s3], [sflag:s2] =	dma.local @!p0 [hbm:s0], s1  }
0x9e: {  	s0 =	simm.s32 @!p0 $0x2  }
0x9f: {  	_ =	swait.ge @!p0 [sflag:s0], s1  }
0xa0: {  	s1 =	ssub.s32 @!p0 $0x0, s1;
	[sflag:s0] =	ssyncset.done @!p0 $0x0  }
0xa1: {  	[sflag:s0] =	ssyncadd.s32 @!p0 s1  }
0xa2: {  	[bflag:$0x3] =	sbarrier.arrive $0xFFFF  }
0xa3: {  	_ =	shalt  }

// kernel: kernel.19.cloned.1.call-start
scs
__scs_entry_jumppad:
0x0: {  	(pc) =	sbr.rel $0x88, $3  }
0x1: {  	(tag) =	ssettag $0x0;
	lr =	simm.s32 $0x1  }
0x2: {  	[smem:$0x3F9A] =	sst lr;
	_ =	strace $0xD0000000  }
0x3: {  	_ = 	snop  }
0x4: {  	_ = 	snop  }
0x5: {  	_ = 	snop  }
0x6: {  	_ = 	snop  }
0x7: {  	_ = 	snop  }
__scs_overlays_trampoline_lowered:
0x8: {  	[smem:$0x3FA9] =	sst s0  }
0x9: {  	[smem:$0x3FAA] =	sst s1  }
0xa: {  	[smem:$0x3FAB] =	sst s2  }
0xb: {  	[smem:$0x3FAC] =	sst s3  }
0xc: {  	[smem:$0x3FAD] =	sst s4  }
0xd: {  	[smem:$0x3FAE] =	sst s5  }
0xe: {  	[smem:$0x3FAF] =	sst s6  }
0xf: {  	[smem:$0x3FB0] =	sst s7  }
0x10: {  	[smem:$0x3FB1] =	sst s8  }
0x11: {  	[smem:$0x3FB2] =	sst s9;
	s0 =	simm.s32 @!p0 $0x0  }
0x12: {  	s1 =	sld [smem:$0x3F98];
	s0 =	simm.s32 @p0 $0x1  }
0x13: {  	[smem:$0x3FB3] =	sst s0;
	s0 =	simm.s32 @!p1 $0x0  }
0x14: {  	s2 =	sld [smem:$0x3F97];
	s0 =	simm.s32 @p1 $0x1  }
0x15: {  	[smem:$0x3FB4] =	sst s0;
	s0 =	simm.s32 @!p2 $0x0  }
0x16: {  	s3 =	sld [smem:$0x3FDB];
	s0 =	simm.s32 @p2 $0x1  }
0x17: {  	s4 =	simm.s32 $0x1BF5;
	[smem:$0x3FB6] =	sst s0  }
0x18: {  	s0 =	sld [smem:$0x3F99];
	_ =	swait.ge [sflag:s4], $0x0  }
0x19: {  	s7 =	sld [smem:$0x3F9A]  }
0x1a: {  	s8 =	sadd.s32 $0xFFFFE003, lr  }
0x1b: {  	s9 =	sadd.s32 $0xFFFFFEF7, lr;
	s5 =	simm.s32 $0xFFFFFFFF;
	p2 =	slt.u32 s8, $0xFFFFF086  }
0x1c: {  	p1 =	slt.u32 s9, $0xF7A;
	s5 =	simm.s32 @!p2 $0x0  }
0x1d: {  	s5 =	simm.s32 @p1 $0x1;
	p0 =	seq.s32 s7, s2  }
0x1e: {  	s7 =	smul.u32 @!p0 $0xF7A, s2;
	p2 =	seq.s32 @!p0 s5, $0x0  }
0x1f: {  	s9 =	smul.u32 $0xF7A, s1;
	s8 =	simm.s32 @!p0 $0x1BF5;
	p2 =	por !p2, p0  }
0x20: {  	[sflag:s8] =	ssyncset.s32 @!p0 $0xFFFFF086;
	s6 =	sadd.s32 @!p0 s3, s7;
	s7 =	simm.s32 @!p0 $0x108  }
0x21: {  	s3 =	sadd.s32 s3, s9;
	s6 =	sadd.s32 @!p0 $0x88, s6;
	s7 =	simm.s32 @p2 $0x1082  }
0x22: {  	[simem:s7], [sflag:s8] =	dma.local @!p0 [hbm:s6], $0xF7A  }
0x23: {  	s9 =	sor.u32 $0xD0000000, s2;
	s6 =	simm.s32 $0x108;
	_ =	swait.ge @!p0 [sflag:s8], $0x0  }
0x24: {  	s3 =	sadd.s32 $0x88, s3;
	s6 =	simm.s32 @!p1 $0x1082;
	[sflag:s4] =	ssyncset.s32 $0xFFFFF086  }
0x25: {  	[simem:s6], [sflag:s4] =	dma.local [hbm:s3], $0xF7A  }
0x26: {  	[smem:$0x3F9A] =	sst s1;
	(tag) =	ssettag s2;
	_ =	strace s9  }
0x27: {  	s1 =	sld [smem:$0x3FAA]  }
0x28: {  	s2 =	sld [smem:$0x3FAB]  }
0x29: {  	s4 =	sld [smem:$0x3FAD]  }
0x2a: {  	p0 =	seq.s32 s5, $0x0;
	s5 =	sld [smem:$0x3FAE]  }
0x2b: {  	s6 =	sld [smem:$0x3FAF]  }
0x2c: {  	s7 =	sld [smem:$0x3FB0]  }
0x2d: {  	s3 =	simm.s32 $0x108;
	s8 =	sld [smem:$0x3FB1]  }
0x2e: {  	s3 =	simm.s32 @!p0 $0x1082;
	s9 =	sld [smem:$0x3FB2]  }
0x2f: {  	lr =	sadd.s32 s0, s3;
	s0 =	sld [smem:$0x3FA9]  }
0x30: {  	s3 =	sld [smem:$0x3FAC]  }
0x31: {  	[smem:$0x3FB5] =	sst s10  }
0x32: {  	s10 =	sld [smem:$0x3FB3];
	_ =	sdelay $0x3  }
0x33: {  	p0 =	seq.s32 s10, $0x1;
	s10 =	sld [smem:$0x3FB5];
	_ =	sdelay $0x3  }
0x34: {  	[smem:$0x3FB5] =	sst s10  }
0x35: {  	s10 =	sld [smem:$0x3FB4];
	_ =	sdelay $0x3  }
0x36: {  	p1 =	seq.s32 s10, $0x1;
	s10 =	sld [smem:$0x3FB5];
	_ =	sdelay $0x3  }
0x37: {  	[smem:$0x3FB5] =	sst s10  }
0x38: {  	s10 =	sld [smem:$0x3FB6]  }
0x39: {  	_ = 	snop;
	(pc) =	sbr.ind lr, $3  }
0x3a: {  	_ = 	snop  }
0x3b: {  	_ = 	snop  }
0x3c: {  	p2 =	seq.s32 s10, $0x1;
	s10 =	sld [smem:$0x3FB5]  }
0x3d: {  	_ =	shalt  }
0x3e: {  	_ =	shalt  }
0x3f: {  	_ =	shalt  }
0x40: {  	_ =	shalt  }
0x41: {  	_ =	shalt  }
0x42: {  	_ =	shalt  }
0x43: {  	_ =	shalt  }
0x44: {  	_ =	shalt  }
0x45: {  	_ =	shalt  }
0x46: {  	_ =	shalt  }
0x47: {  	_ =	shalt  }
0x48: {  	_ =	shalt  }
0x49: {  	_ =	shalt  }
0x4a: {  	_ =	shalt  }
0x4b: {  	_ =	shalt  }
0x4c: {  	_ =	shalt  }
0x4d: {  	_ =	shalt  }
0x4e: {  	_ =	shalt  }
0x4f: {  	_ =	shalt  }
0x50: {  	_ =	shalt  }
0x51: {  	_ =	shalt  }
0x52: {  	_ =	shalt  }
0x53: {  	_ =	shalt  }
0x54: {  	_ =	shalt  }
0x55: {  	_ =	shalt  }
0x56: {  	_ =	shalt  }
0x57: {  	_ =	shalt  }
0x58: {  	_ =	shalt  }
0x59: {  	_ =	shalt  }
0x5a: {  	_ =	shalt  }
0x5b: {  	_ =	shalt  }
0x5c: {  	_ =	shalt  }
0x5d: {  	_ =	shalt  }
0x5e: {  	_ =	shalt  }
0x5f: {  	_ =	shalt  }
0x60: {  	_ =	shalt  }
0x61: {  	_ =	shalt  }
0x62: {  	_ =	shalt  }
0x63: {  	_ =	shalt  }
0x64: {  	_ =	shalt  }
0x65: {  	_ =	shalt  }
0x66: {  	_ =	shalt  }
0x67: {  	_ =	shalt  }
0x68: {  	_ =	shalt  }
0x69: {  	_ =	shalt  }
0x6a: {  	_ =	shalt  }
0x6b: {  	_ =	shalt  }
0x6c: {  	_ =	shalt  }
0x6d: {  	_ =	shalt  }
0x6e: {  	_ =	shalt  }
0x6f: {  	_ =	shalt  }
0x70: {  	_ =	shalt  }
0x71: {  	_ =	shalt  }
0x72: {  	_ =	shalt  }
0x73: {  	_ =	shalt  }
0x74: {  	_ =	shalt  }
0x75: {  	_ =	shalt  }
0x76: {  	_ =	shalt  }
0x77: {  	_ =	shalt  }
0x78: {  	_ =	shalt  }
0x79: {  	_ =	shalt  }
0x7a: {  	_ =	shalt  }
0x7b: {  	_ =	shalt  }
0x7c: {  	_ =	shalt  }
0x7d: {  	_ =	shalt  }
0x7e: {  	_ =	shalt  }
0x7f: {  	_ =	shalt  }
0x80: {  	_ =	shalt  }
0x81: {  	_ =	shalt  }
0x82: {  	_ =	shalt  }
0x83: {  	_ =	shalt  }
0x84: {  	_ =	shalt  }
0x85: {  	_ =	shalt  }
0x86: {  	_ =	shalt  }
0x87: {  	_ =	shalt  }
.Lfunc_end0:
.L_simem_size_0:
called_computation.3_lowered:
.L_overlay_start_0:
0x88: {  	s2 =	sld [smem:$0x3FD9]  }
0x89: {  	s3 =	sld [smem:$0x3FFE];
	_ =	sdelay $0x1  }
0x8a: {  	s1 =	srdreg.scid  }
0x8b: {  	s0 =	sand.u32 $0x1, s1  }
0x8c: {  	s16 =	sshll.u32 s0, $0xA;
	s2 =	sadd.s32 s3, s2  }
0x8d: {  	s2 =	sadd.s32 s2, s16  }
0x8e: {  	[smem:$0x3FC1] =	sst s2  }
0x8f: {  	_ = 	snop  }
0x90: {  	(tm) =	ssettm $0x1  }
0x91: {  	s17 =	sld [smem:$0x3FFB];
	_ =	sdelay $0x3  }
0x92: {  	_ =	strace s17  }
0x93: {  	s2 =	sld [smem:$0x3FFC];
	_ =	sdelay $0x3  }
0x94: {  	_ =	strace s2  }
0x95: {  	s2 =	sld [smem:$0x3FFD];
	_ =	sdelay $0x3  }
0x96: {  	_ =	strace s2  }
0x97: {  	_ =	strace $0x8FFFFFFF  }
0x98: {  	s18 =	sld [smem:$0x3FDB];
	_ =	sdelay $0x1  }
0x99: {  	s19 =	simm.s32 $_scs_section_size  }
0x9a: {  	s4 =	simm.s32 $_size__tile_overlayer_lowered;
	s5 =	simm.s32 $_tile_overlayer_lowered  }
0x9b: {  	s22 =	simm.s32 $0x1BFF;
	s21 =	sshll.u32 s5, $0x1;
	s2 =	sadd.s32 s19, s18  }
0x9c: {  	s6 =	simm.s32 $0x0;
	s20 =	sshll.u32 s4, $0x1;
	s4 =	sadd.s32 s21, s2  }
0x9d: {  	[timem:s6], [sflag:s22] =	dma.local [hbm:s4], s20  }
0x9e: {  	_ =	swait.ge [sflag:s22], s20  }
0x9f: {  	s3 =	ssub.s32 $0x0, s20;
	[sflag:s22] =	ssyncset.done $0x0  }
0xa0: {  	[sflag:s22] =	ssyncadd.s32 s3;
	_ =	sdelay $0x1  }
0xa1: {  	s23 =	simm.s32 $0x1B8B  }
0xa2: {  	_ =	swait.ge [sflag:s23], $0x1  }
0xa3: {  	[sflag:s23] =	ssyncset.done $0x0  }
0xa4: {  	s25 =	simm.s32 $0x1B8E;
	s24 =	sld [smem:$0x3FFE];
	[sflag:s23] =	ssyncadd.s32 $0xFFFFFFFF  }
0xa5: {  	s26 =	simm.s32 $execute0_lowered;
	[smem:$0x3FD2] =	sst s25  }
0xa6: {  	s4 =	sshll.u32 s26, $0x1;
	_ =	strace $0x8000004F;
	[dreg:$0x1] =	wrdreg $0xFFFFFFFF  }
0xa7: {  	s28 =	simm.s32 $_size_execute0_lowered;
	s2 =	sadd.s32 s2, s4;
	[dreg:$0x0] =	wrdreg $0x0  }
0xa8: {  	s4 =	sshll.u32 s28, $0x1;
	[dreg:$0x2] =	wrdreg s2  }
0xa9: {  	[dreg:$0x3] =	wrdreg s4  }
0xaa: {  	[dreg:$0x4] =	wrdreg $0xC0  }
0xab: {  	_ =	task [dreg:s6], $0x5FFFF  }
0xac: {  	[dreg:$0x1] =	wrdreg $0xFFFFFFFF  }
0xad: {  	[dreg:$0x0] =	wrdreg $0x60  }
0xae: {  	[dreg:$0x2] =	wrdreg s24  }
0xaf: {  	[dreg:$0x3] =	wrdreg $0x9  }
0xb0: {  	_ =	task.clear_ibuf [dreg:s6], $0x4FFFF;
	_ =	strace $0x9000004F  }
0xb1: {  	s29 =	simm.s32 $0x9;
	_ =	strace $0x80000051  }
0xb2: {  	_ =	swait.ge [sflag:s29], $0x1  }
0xb3: {  	[sflag:s29] =	ssyncadd.s32 $0xFFFFFFFF  }
0xb4: {  	_ =	strace $0x90000051  }
0xb5: {  	_ =	sfence  }
0xb6: {  	s30 =	sld [smem:$0x0];
	_ =	sdelay $0x2  }
0xb7: {  	s31 =	sshll.u32 s1, $0xD;
	s1 =	sshrl.u32 s1, $0x2  }
0xb8: {  	s3 =	sand.u32 $0x4000, s31;
	s1 =	sadd.s32 s1, s30  }
0xb9: {  	s0 =	sor.u32 s3, s0;
	s1 =	sshll.u32 s1, $0x11  }
0xba: {  	s0 =	sor.u32 s1, s0  }
0xbb: {  	s0 =	sadd.s32 $0x8F2B, s0  }
0xbc: {  	[sflag:s0] =	ssyncadd.remote.s32 $0x1  }
0xbd: {  	_ =	sfence.sel $0xFFFF  }
0xbe: {  	[dreg:$0x0] =	wrdreg $0xFFFFFFFF;
	(pc) =	sbr.abs _section_cstart, $3  }
0xbf: {  	[dreg:$0x1] =	wrdreg $0xFFFFFFFF  }
0xc0: {  	_ =	task.clear_ibuf [dreg:s6], $0x2FFFF;
	_ =	strace $0x9FFFFFFF  }
0xc1: {  	(tm) =	ssettm $0x7FFFFFFF  }
tec
execute0_lowered:
.L_overlay_start_1:
0x0: {  	(tag) =	ssettag $0x1  }
0x1: {  	s4 =	rddreg [dreg:$0x0]  }
0x2: {  	s0 =	rddreg [dreg:$0x1]  }
0x3: {  	s2 =	simm.s32 $0x0;
	s1 =	stileid.u32;
	s3 =	srdreg.scid  }
0x4: {  	[smem:$0x7FF] =	sst s2;
	s5 =	smul.u32 $0x140, s1  }
0x5: {  	s6 =	smul.u32 $0xA000, s1;
	s7 =	sand.u32 $0x1, s3;
	s3 =	sadd.s32 $0x2800, s4  }
0x6: {  	_ =	strace $0x80000050;
	s8 =	ssub.s32 $0x2, s7;
	s9 =	smul.u32 $0x5000, s7  }
0x7: {  	s7 =	smul.u32 $0xA0, s7;
	s6 =	sadd.s32 s6, s4;
	s10 =	sshrl.u32 s8, $0x1  }
0x8: {  	s11 =	sadd.s32 s5, s4;
	s29 =	ssub.s32 s8, s10;
	s30 =	sadd.s32 s9, s6  }
0x9: {  	s31 =	sadd.s32 s7, s11;
	s7 =	simm.s32 $0x4000;
	s8 =	simm.s32 $0x2  }
0xa: {  	s9 =	simm.s32 $0x80;
	s10 =	simm.s32 $0x1;
	s11 =	simm.s32 $0x0  }
0xb: {  	s4 =	smax.u32 s29, $0x1;
	s5 =	sadd.s32 $0x5DC00, s30;
	s6 =	sadd.s32 $0x5C800, s31  }
.LBB2_1:
0xc: {  	s12 =	sadd.s32 $0x0, s6  }
0xd: {  	[tilespmem:s7], [sflag:$0x2] =	stream.linear.gather [hbm4b:s12+s2], $0x80, $0x38;
	[tilespmem:$0x4080] =	vst v63  }
0xe: {  	_ =	swait.ge [sflag:s8], $0x80  }
0xf: {  	[sflag:s8] =	ssyncset.done $0x0  }
0x10: {  	[sflag:s8] =	ssyncadd.s32 $0xFFFFFF80  }
0x11: {  	[tilespmem:s2], [sflag:$0x1] =	stream.indirect.gather [hbm4b:s3+s9], $0x80, s7, s9, $0xb8;
	[tilespmem:$0x4080] =	vst v63  }
0x12: {  	_ =	swait.ge [sflag:s10], $0x4000  }
0x13: {  	[sflag:s10] =	ssyncset.done $0x0  }
0x14: {  	[sflag:s10] =	ssyncadd.s32 $0xFFFFC000  }
0x15: {  	[hbm4b:s5+s2] =	stream.linear.scatter [tilespmem:s2], [sflag:$0x2], $0x4000, $0x38;
	[tilespmem:$0x4080] =	vst v63  }
0x16: {  	s13 =	simm.s32 $0x10;
	_ =	swait.ge [sflag:s8], $0x4000  }
0x17: {  	s14 =	simm.s32 $0x20;
	s12 =	sadd.s32 $0x800, s5;
	[sflag:s8] =	ssyncset.done $0x0  }
.LBB2_2:
0x18: {  	s15 =	sadd.s32 s13, s6  }
0x19: {  	[sflag:s8] =	ssyncadd.s32 $0xFFFFC000;
	s13 =	smov.u32 s14;
	s16 =	sadd.s32 $0x10, s14  }
0x1a: {  	[tilespmem:s7], [sflag:$0x2] =	stream.linear.gather [hbm4b:s15+s2], $0x80, $0x38;
	[tilespmem:$0x4080] =	vst v63  }
0x1b: {  	p0 =	sne.s32 s14, $0x90;
	_ =	swait.ge [sflag:s8], $0x80  }
0x1c: {  	[sflag:s8] =	ssyncset.done $0x0  }
0x1d: {  	[sflag:s8] =	ssyncadd.s32 $0xFFFFFF80  }
0x1e: {  	[tilespmem:s2], [sflag:$0x1] =	stream.indirect.gather [hbm4b:s3+s9], $0x80, s7, s9, $0xb8;
	[tilespmem:$0x4080] =	vst v63  }
0x1f: {  	_ =	swait.ge [sflag:s10], $0x4000  }
.Ltmp0:
0x20: {  	[sflag:s10] =	ssyncset.done $0x0;
	(pc) =	sbr.rel @p0 .LBB2_2-.Ltmp0, $4  }
0x21: {  	[sflag:s10] =	ssyncadd.s32 $0xFFFFC000  }
0x22: {  	[hbm4b:s12+s2] =	stream.linear.scatter [tilespmem:s2], [sflag:$0x2], $0x4000, $0x38;
	[tilespmem:$0x4080] =	vst v63  }
0x23: {  	_ =	swait.ge [sflag:s8], $0x4000  }
0x24: {  	s14 =	smov.u32 s16;
	s12 =	sadd.s32 $0x800, s12;
	[sflag:s8] =	ssyncset.done $0x0  }
0x25: {  	s13 =	sadd.s32 s13, s6;
	[sflag:s8] =	ssyncadd.s32 $0xFFFFC000  }
0x26: {  	[tilespmem:s7], [sflag:$0x2] =	stream.linear.gather [hbm4b:s13+s2], $0x80, $0x38;
	[tilespmem:$0x4080] =	vst v63  }
0x27: {  	_ =	swait.ge [sflag:s8], $0x80  }
0x28: {  	[sflag:s8] =	ssyncset.done $0x0  }
0x29: {  	[sflag:s8] =	ssyncadd.s32 $0xFFFFFF80  }
0x2a: {  	[tilespmem:s2], [sflag:$0x1] =	stream.indirect.gather [hbm4b:s3+s9], $0x80, s7, s9, $0xb8;
	[tilespmem:$0x4080] =	vst v63  }
0x2b: {  	s11 =	sadd.s32 $0x1, s11;
	_ =	swait.ge [sflag:s10], $0x4000  }
0x2c: {  	p0 =	sne.s32 s11, s4;
	[sflag:s10] =	ssyncset.done $0x0  }
.Ltmp1:
0x2d: {  	[sflag:s10] =	ssyncadd.s32 $0xFFFFC000;
	(pc) =	sbr.rel @p0 .LBB2_1-.Ltmp1, $4  }
0x2e: {  	[hbm4b:s12+s2] =	stream.linear.scatter [tilespmem:s2], [sflag:$0x2], $0x4000, $0x38;
	[tilespmem:$0x4080] =	vst v63  }
0x2f: {  	_ =	swait.ge [sflag:s8], $0x4000  }
0x30: {  	[sflag:s8] =	ssyncset.done $0x0  }
0x31: {  	[sflag:s8] =	ssyncadd.s32 $0xFFFFC000  }
0x32: {  	_ =	sfence.sel $0x180000  }
0x33: {  	[bflag:$0x0] =	sbarrier.arrive $0xFFFF  }
0x34: {  	p0 =	sne.s32 s1, $0x0;
	_ =	strace $0x90000050  }
0x35: {  	s0 =	sadd.s32 @!p0 $0x100000, s0;
	[bflag:$0x2] =	sbarrier.arrive $0xFFFF  }
0x36: {  	[sflag:s0] =	ssyncadd.tile.s32 @!p0 $0x1;
	_ =	shalt  }
.Lfunc_end2:
_tile_overlayer_lowered:
.L_overlay_start_2:
0x37: {  	(tag) =	ssettag $0x2  }
0x38: {  	s0 =	rddreg [dreg:$0x0];
	s2 =	stileid.u32  }
0x39: {  	s1 =	rddreg [dreg:$0x1];
	p0 =	sne.s32 s2, $0x0  }
0x3a: {  	s3 =	rddreg [dreg:$0x2];
	[bflag:$0x3] =	sbarrier.arrive $0xFFFF;
	s2 =	simm.s32 @!p0 $0x1C02  }
0x3b: {  	[timem:s3], [sflag:s2] =	dma.local @!p0 [hbm:s0], s1  }
0x3c: {  	s0 =	simm.s32 @!p0 $0x2  }
0x3d: {  	_ =	swait.ge @!p0 [sflag:s0], s1  }
0x3e: {  	s1 =	ssub.s32 @!p0 $0x0, s1;
	[sflag:s0] =	ssyncset.done @!p0 $0x0  }
0x3f: {  	[sflag:s0] =	ssyncadd.s32 @!p0 s1  }
0x40: {  	[bflag:$0x3] =	sbarrier.arrive $0xFFFF  }
0x41: {  	_ =	shalt  }

</sc_bundles>
